<compile_context>
chip_gen: v7x
topology: tpu7x:2x2x1
jax: 0.10.2.dev20260603
libtpu: 0.0.44.dev20260713+nightly
codegen_flags: <defaults>
</compile_context>

<pallas_src>
import jax
import jax.numpy as jnp
from jax import lax
from jax.experimental import pallas as pl
from jax.experimental.pallas import tpu as pltpu
from jax.experimental.pallas import tpu_sc as plsc

_NC = 1
_NS = 16
_NW = _NC * _NS
_L = 16

_N = 16384
_F = 2
_B = 128
_NB = _N // _B
_BLKS_PER = _NB // _NW
_ROWS_PER = _BLKS_PER * _B
_CHUNKS = _B // _L


def _body(x_hbm, labels_hbm, cm_hbm, out_hbm, x_v, lab_v, cm_v, sem):
    wid = lax.axis_index("s") * _NC + lax.axis_index("c")
    bbase = wid * _BLKS_PER
    rbase = wid * _ROWS_PER

    cx = pltpu.async_copy(x_hbm.at[pl.ds(bbase, _BLKS_PER)], x_v, sem)
    cl = pltpu.async_copy(labels_hbm.at[pl.ds(rbase, _ROWS_PER)], lab_v, sem)
    cc = pltpu.async_copy(cm_hbm, cm_v.at[pl.ds(0, 3 * _F)], sem)
    cx.wait()
    cl.wait()
    cc.wait()

    cmvec = cm_v[pl.ds(0, _L)]
    cmv = [
        [jnp.full((_L,), cmvec[3 * f + l], jnp.float32) for l in range(3)]
        for f in range(_F)
    ]

    outs = []
    for b in range(_BLKS_PER):
        for c in range(_CHUNKS):
            lab = lab_v[pl.ds(b * _B + c * _L, _L)]
            is0 = lab == 0
            is1 = lab == 1
            for f in range(_F):
                g = jnp.where(is0, cmv[f][0], jnp.where(is1, cmv[f][1], cmv[f][2]))
                x_v[b, f, pl.ds(c * _L, _L)] -= g
        outs.append(pltpu.async_copy(x_v.at[b], out_hbm.at[bbase + b], sem))
    for h in outs:
        h.wait()


_sc_call = pl.kernel(
    _body,
    out_type=jax.ShapeDtypeStruct((_NB, _F, _B), jnp.float32),
    name="ccbn_center",
    mesh=plsc.VectorSubcoreMesh(
        core_axis_name="c", subcore_axis_name="s", num_cores=_NC
    ),
    compiler_params=pltpu.CompilerParams(
        needs_layout_passes=False,
        use_tc_tiling_on_sc=False,
        disable_bounds_checks=True,
    ),
    scratch_types=[
        pltpu.VMEM((_BLKS_PER, _F, _B), jnp.float32),
        pltpu.VMEM((_ROWS_PER,), jnp.int32),
        pltpu.VMEM((_L,), jnp.float32),
        pltpu.SemaphoreType.DMA,
    ],
)


@jax.jit
def kernel(x, labels, class_means, global_mean):
    del global_mean
    x3 = jnp.transpose(x.reshape(_NB, _B, _F), (0, 2, 1))
    out3 = _sc_call(x3, labels.astype(jnp.int32), class_means.T.reshape(3 * _F))
    return jnp.transpose(out3, (0, 2, 1)).reshape(_N, _F)

# --- scband reference (transcript-rebuilt; emitter-appended) ---
"""Pipeline reference for scband-test-class-conditional-bn-76192719831880 (READ-ONLY COPY).

The authoritative reference and input builder live on the scoring server;
editing this copy changes nothing except your own understanding.
"""

import jax, jax.numpy as jnp
import numpy as np


def setup_inputs(seed: int = 0) -> dict:
    key = jax.random.key(seed)
    k1, k2 = jax.random.split(key)
    x = jax.random.normal(k1, (16384, 2), dtype=jnp.float32)
    labels = jax.random.randint(k2, (16384,), 0, 3, dtype=jnp.int64 if jax.config.read('jax_enable_x64') else jnp.int32)
    class_means = jnp.array([[0.0, 0.0], [1.0, 1.0], [2.0, 2.0]], dtype=jnp.float32)
    global_mean = jnp.array([1.0, 1.0], dtype=jnp.float32)
    return {"x": x, "labels": labels, "class_means": class_means, "global_mean": global_mean}


def reference(x, labels, class_means, global_mean):
    alpha = 1.0
    # Vectorized form of the per-row loop: result[i] = x[i] - alpha*class_means[labels[i]] - (1-alpha)*global_mean
    gathered = jnp.take(class_means, labels, axis=0)
    result = x - alpha * gathered - (1.0 - alpha) * global_mean[None, :]
    return result

if __name__ == "__main__":
    import jax
    _d = setup_inputs()
    print(jax.jit(kernel)(*tuple(_d.values())))

</pallas_src>

<mosaic_0001>
#map = affine_map<(d0, d1) -> (0, 0, 0)>
#map1 = affine_map<(d0, d1) -> (0)>
module attributes {stable_mosaic.version = 14 : i64} {
  func.func @ccbn_center(%arg0: i32, %arg1: i32, %arg2: memref<128x2x128xf32, #tpu.memory_space<hbm>>, %arg3: memref<16384xi32, #tpu.memory_space<hbm>>, %arg4: memref<6xf32, #tpu.memory_space<hbm>>, %arg5: memref<128x2x128xf32, #tpu.memory_space<hbm>>, %arg6: memref<8x2x128xf32, #tpu.memory_space<vmem>>, %arg7: memref<1024xi32, #tpu.memory_space<vmem>>, %arg8: memref<16xf32, #tpu.memory_space<vmem>>, %arg9: memref<!tpu.dma_semaphore, #tpu.memory_space<semaphore_mem>>) attributes {dimension_semantics = [#tpu.dimension_semantics<core_parallel>, #tpu.dimension_semantics<subcore_parallel>], iteration_bounds = array<i64: 1, 16>, scalar_prefetch = 0 : i64, scratch_operands = 4 : i64, tpu.core_type = #tpu.core_type<sc_vector_subcore>, window_params = [{transform_indices = #map}, {transform_indices = #map1}, {transform_indices = #map1}, {transform_indices = #map}]} {
    %mul3A = arith.constant 1 : i32
    %mul3A_0 = arith.muli %arg1, %mul3A : i32
    %add3A = arith.addi %mul3A_0, %arg0 : i32
    %mul3A_1 = arith.constant 8 : i32
    %mul3A_2 = arith.muli %add3A, %mul3A_1 : i32
    %mul3A_3 = arith.constant 1024 : i32
    %mul3A_4 = arith.muli %add3A, %mul3A_3 : i32
    %dma_start3A = arith.constant 0 : i32
    %dma_start3A_5 = arith.constant 0 : i32
    %dma_start3A_6 = tpu.memref_slice %arg2[%mul3A_2, %dma_start3A, %dma_start3A_5] : memref<128x2x128xf32, #tpu.memory_space<hbm>> -> memref<8x2x128xf32, #tpu.memory_space<hbm>>
    %dma_start3A_7 = arith.constant 0 : i32
    %dma_start3A_8 = arith.constant 0 : i32
    %dma_start3A_9 = tpu.memref_slice %arg2[%mul3A_2, %dma_start3A_7, %dma_start3A_8] : memref<128x2x128xf32, #tpu.memory_space<hbm>> -> memref<8x2x128xf32, #tpu.memory_space<hbm>>
    tpu.enqueue_dma source(%dma_start3A_9 : memref<8x2x128xf32, #tpu.memory_space<hbm>>) target(%arg6 : memref<8x2x128xf32, #tpu.memory_space<vmem>>) target_semaphore(%arg9 : memref<!tpu.dma_semaphore, #tpu.memory_space<semaphore_mem>>)
    %dma_start3A_10 = tpu.memref_slice %arg3[%mul3A_4] : memref<16384xi32, #tpu.memory_space<hbm>> -> memref<1024xi32, #tpu.memory_space<hbm>>
    %dma_start3A_11 = tpu.memref_slice %arg3[%mul3A_4] : memref<16384xi32, #tpu.memory_space<hbm>> -> memref<1024xi32, #tpu.memory_space<hbm>>
    tpu.enqueue_dma source(%dma_start3A_11 : memref<1024xi32, #tpu.memory_space<hbm>>) target(%arg7 : memref<1024xi32, #tpu.memory_space<vmem>>) target_semaphore(%arg9 : memref<!tpu.dma_semaphore, #tpu.memory_space<semaphore_mem>>)
    %dma_start3A_12 = arith.constant 0 : i32
    %dma_start3A_13 = tpu.memref_slice %arg8[%dma_start3A_12] : memref<16xf32, #tpu.memory_space<vmem>> -> memref<6xf32, #tpu.memory_space<vmem>>
    %dma_start3A_14 = arith.constant 0 : i32
    %dma_start3A_15 = tpu.memref_slice %arg8[%dma_start3A_14] : memref<16xf32, #tpu.memory_space<vmem>> -> memref<6xf32, #tpu.memory_space<vmem>>
    tpu.enqueue_dma source(%arg4 : memref<6xf32, #tpu.memory_space<hbm>>) target(%dma_start3A_15 : memref<6xf32, #tpu.memory_space<vmem>>) target_semaphore(%arg9 : memref<!tpu.dma_semaphore, #tpu.memory_space<semaphore_mem>>)
    %dma_wait3A = arith.constant 0 : i32
    %dma_wait3A_16 = arith.constant 0 : i32
    %dma_wait3A_17 = tpu.memref_slice %arg2[%mul3A_2, %dma_wait3A, %dma_wait3A_16] : memref<128x2x128xf32, #tpu.memory_space<hbm>> -> memref<8x2x128xf32, #tpu.memory_space<hbm>>
    %dma_wait3A_18 = arith.constant 0 : i32
    %dma_wait3A_19 = arith.constant 0 : i32
    %dma_wait3A_20 = tpu.memref_slice %arg2[%mul3A_2, %dma_wait3A_18, %dma_wait3A_19] : memref<128x2x128xf32, #tpu.memory_space<hbm>> -> memref<8x2x128xf32, #tpu.memory_space<hbm>>
    tpu.wait_dma2 semaphore(%arg9 : memref<!tpu.dma_semaphore, #tpu.memory_space<semaphore_mem>>) src(%dma_wait3A_20 : memref<8x2x128xf32, #tpu.memory_space<hbm>>) dst(%arg6 : memref<8x2x128xf32, #tpu.memory_space<vmem>>)
    %dma_wait3A_21 = tpu.memref_slice %arg3[%mul3A_4] : memref<16384xi32, #tpu.memory_space<hbm>> -> memref<1024xi32, #tpu.memory_space<hbm>>
    %dma_wait3A_22 = tpu.memref_slice %arg3[%mul3A_4] : memref<16384xi32, #tpu.memory_space<hbm>> -> memref<1024xi32, #tpu.memory_space<hbm>>
    tpu.wait_dma2 semaphore(%arg9 : memref<!tpu.dma_semaphore, #tpu.memory_space<semaphore_mem>>) src(%dma_wait3A_22 : memref<1024xi32, #tpu.memory_space<hbm>>) dst(%arg7 : memref<1024xi32, #tpu.memory_space<vmem>>)
    %dma_wait3A_23 = arith.constant 0 : i32
    %dma_wait3A_24 = tpu.memref_slice %arg8[%dma_wait3A_23] : memref<16xf32, #tpu.memory_space<vmem>> -> memref<6xf32, #tpu.memory_space<vmem>>
    %dma_wait3A_25 = arith.constant 0 : i32
    %dma_wait3A_26 = tpu.memref_slice %arg8[%dma_wait3A_25] : memref<16xf32, #tpu.memory_space<vmem>> -> memref<6xf32, #tpu.memory_space<vmem>>
    tpu.wait_dma2 semaphore(%arg9 : memref<!tpu.dma_semaphore, #tpu.memory_space<semaphore_mem>>) src(%arg4 : memref<6xf32, #tpu.memory_space<hbm>>) dst(%dma_wait3A_26 : memref<6xf32, #tpu.memory_space<vmem>>)
    %get3A = arith.constant 0 : index
    %get3A_27 = tpu.vector_load %arg8[%get3A] {strides = array<i32>} : memref<16xf32, #tpu.memory_space<vmem>>, vector<16xf32>,
    %slice3A = vector.extract_strided_slice %get3A_27 {offsets = [0], sizes = [1], strides = [1]} : vector<16xf32> to vector<1xf32>
    %squeeze3A = vector.extract %slice3A[0] : f32 from vector<1xf32>
    %broadcast_in_dim3A = vector.broadcast %squeeze3A : f32 to vector<16xf32>
    %slice3A_28 = vector.extract_strided_slice %get3A_27 {offsets = [1], sizes = [1], strides = [1]} : vector<16xf32> to vector<1xf32>
    %squeeze3A_29 = vector.extract %slice3A_28[0] : f32 from vector<1xf32>
    %broadcast_in_dim3A_30 = vector.broadcast %squeeze3A_29 : f32 to vector<16xf32>
    %slice3A_31 = vector.extract_strided_slice %get3A_27 {offsets = [2], sizes = [1], strides = [1]} : vector<16xf32> to vector<1xf32>
    %squeeze3A_32 = vector.extract %slice3A_31[0] : f32 from vector<1xf32>
    %broadcast_in_dim3A_33 = vector.broadcast %squeeze3A_32 : f32 to vector<16xf32>
    %slice3A_34 = vector.extract_strided_slice %get3A_27 {offsets = [3], sizes = [1], strides = [1]} : vector<16xf32> to vector<1xf32>
    %squeeze3A_35 = vector.extract %slice3A_34[0] : f32 from vector<1xf32>
    %broadcast_in_dim3A_36 = vector.broadcast %squeeze3A_35 : f32 to vector<16xf32>
    %slice3A_37 = vector.extract_strided_slice %get3A_27 {offsets = [4], sizes = [1], strides = [1]} : vector<16xf32> to vector<1xf32>
    %squeeze3A_38 = vector.extract %slice3A_37[0] : f32 from vector<1xf32>
    %broadcast_in_dim3A_39 = vector.broadcast %squeeze3A_38 : f32 to vector<16xf32>
    %slice3A_40 = vector.extract_strided_slice %get3A_27 {offsets = [5], sizes = [1], strides = [1]} : vector<16xf32> to vector<1xf32>
    %squeeze3A_41 = vector.extract %slice3A_40[0] : f32 from vector<1xf32>
    %broadcast_in_dim3A_42 = vector.broadcast %squeeze3A_41 : f32 to vector<16xf32>
    %get3A_43 = arith.constant 0 : index
    %get3A_44 = tpu.vector_load %arg7[%get3A_43] {strides = array<i32>} : memref<1024xi32, #tpu.memory_space<vmem>>, vector<16xi32>,
    %eq3A = arith.constant 0 : i32
    %eq3A_45 = vector.broadcast %eq3A : i32 to vector<16xi32>
    %eq3A_46 = arith.cmpi eq, %get3A_44, %eq3A_45 : vector<16xi32>
    %eq3A_47 = arith.constant 1 : i32
    %eq3A_48 = vector.broadcast %eq3A_47 : i32 to vector<16xi32>
    %eq3A_49 = arith.cmpi eq, %get3A_44, %eq3A_48 : vector<16xi32>
    %select_n3A = arith.select %eq3A_49, %broadcast_in_dim3A_30, %broadcast_in_dim3A_33 : vector<16xi1>, vector<16xf32>
    %select_n3A_50 = arith.select %eq3A_46, %broadcast_in_dim3A, %select_n3A : vector<16xi1>, vector<16xf32>
    %get3A_51 = arith.constant 0 : i32
    %get3A_52 = arith.constant 0 : i32
    %get3A_53 = arith.index_cast %get3A_51 : i32 to index
    %get3A_54 = arith.index_cast %get3A_52 : i32 to index
    %get3A_55 = arith.constant 0 : index
    %get3A_56 = tpu.vector_load %arg6[%get3A_53, %get3A_54, %get3A_55] {strides = array<i32>} : memref<8x2x128xf32, #tpu.memory_space<vmem>>, vector<16xf32>,
    %sub3A = arith.subf %get3A_56, %select_n3A_50 : vector<16xf32>
    %swap3A = arith.constant 0 : i32
    %swap3A_57 = arith.constant 0 : i32
    %swap3A_58 = arith.index_cast %swap3A : i32 to index
    %swap3A_59 = arith.index_cast %swap3A_57 : i32 to index
    %swap3A_60 = arith.constant 0 : index
    %swap3A_61 = tpu.vector_load %arg6[%swap3A_58, %swap3A_59, %swap3A_60] {strides = array<i32>} : memref<8x2x128xf32, #tpu.memory_space<vmem>>, vector<16xf32>,
    tpu.vector_store %arg6[%swap3A_58, %swap3A_59, %swap3A_60], %sub3A {strides = array<i32>} : memref<8x2x128xf32, #tpu.memory_space<vmem>>, vector<16xf32>,
    %select_n3A_62 = arith.select %eq3A_49, %broadcast_in_dim3A_39, %broadcast_in_dim3A_42 : vector<16xi1>, vector<16xf32>
    %select_n3A_63 = arith.select %eq3A_46, %broadcast_in_dim3A_36, %select_n3A_62 : vector<16xi1>, vector<16xf32>
    %get3A_64 = arith.constant 0 : i32
    %get3A_65 = arith.constant 1 : i32
    %get3A_66 = arith.index_cast %get3A_64 : i32 to index
    %get3A_67 = arith.index_cast %get3A_65 : i32 to index
    %get3A_68 = arith.constant 0 : index
    %get3A_69 = tpu.vector_load %arg6[%get3A_66, %get3A_67, %get3A_68] {strides = array<i32>} : memref<8x2x128xf32, #tpu.memory_space<vmem>>, vector<16xf32>,
    %sub3A_70 = arith.subf %get3A_69, %select_n3A_63 : vector<16xf32>
    %swap3A_71 = arith.constant 0 : i32
    %swap3A_72 = arith.constant 1 : i32
    %swap3A_73 = arith.index_cast %swap3A_71 : i32 to index
    %swap3A_74 = arith.index_cast %swap3A_72 : i32 to index
    %swap3A_75 = arith.constant 0 : index
    %swap3A_76 = tpu.vector_load %arg6[%swap3A_73, %swap3A_74, %swap3A_75] {strides = array<i32>} : memref<8x2x128xf32, #tpu.memory_space<vmem>>, vector<16xf32>,
    tpu.vector_store %arg6[%swap3A_73, %swap3A_74, %swap3A_75], %sub3A_70 {strides = array<i32>} : memref<8x2x128xf32, #tpu.memory_space<vmem>>, vector<16xf32>,
    %get3A_77 = arith.constant 16 : index
    %get3A_78 = tpu.vector_load %arg7[%get3A_77] {strides = array<i32>} : memref<1024xi32, #tpu.memory_space<vmem>>, vector<16xi32>,
    %eq3A_79 = arith.constant 0 : i32
    %eq3A_80 = vector.broadcast %eq3A_79 : i32 to vector<16xi32>
    %eq3A_81 = arith.cmpi eq, %get3A_78, %eq3A_80 : vector<16xi32>
    %eq3A_82 = arith.constant 1 : i32
    %eq3A_83 = vector.broadcast %eq3A_82 : i32 to vector<16xi32>
    %eq3A_84 = arith.cmpi eq, %get3A_78, %eq3A_83 : vector<16xi32>
    %select_n3A_85 = arith.select %eq3A_84, %broadcast_in_dim3A_30, %broadcast_in_dim3A_33 : vector<16xi1>, vector<16xf32>
    %select_n3A_86 = arith.select %eq3A_81, %broadcast_in_dim3A, %select_n3A_85 : vector<16xi1>, vector<16xf32>
    %get3A_87 = arith.constant 0 : i32
    %get3A_88 = arith.constant 0 : i32
    %get3A_89 = arith.index_cast %get3A_87 : i32 to index
    %get3A_90 = arith.index_cast %get3A_88 : i32 to index
    %get3A_91 = arith.constant 16 : index
    %get3A_92 = tpu.vector_load %arg6[%get3A_89, %get3A_90, %get3A_91] {strides = array<i32>} : memref<8x2x128xf32, #tpu.memory_space<vmem>>, vector<16xf32>,
    %sub3A_93 = arith.subf %get3A_92, %select_n3A_86 : vector<16xf32>
    %swap3A_94 = arith.constant 0 : i32
    %swap3A_95 = arith.constant 0 : i32
    %swap3A_96 = arith.index_cast %swap3A_94 : i32 to index
    %swap3A_97 = arith.index_cast %swap3A_95 : i32 to index
    %swap3A_98 = arith.constant 16 : index
    %swap3A_99 = tpu.vector_load %arg6[%swap3A_96, %swap3A_97, %swap3A_98] {strides = array<i32>} : memref<8x2x128xf32, #tpu.memory_space<vmem>>, vector<16xf32>,
    tpu.vector_store %arg6[%swap3A_96, %swap3A_97, %swap3A_98], %sub3A_93 {strides = array<i32>} : memref<8x2x128xf32, #tpu.memory_space<vmem>>, vector<16xf32>,
    %select_n3A_100 = arith.select %eq3A_84, %broadcast_in_dim3A_39, %broadcast_in_dim3A_42 : vector<16xi1>, vector<16xf32>
    %select_n3A_101 = arith.select %eq3A_81, %broadcast_in_dim3A_36, %select_n3A_100 : vector<16xi1>, vector<16xf32>
    %get3A_102 = arith.constant 0 : i32
    %get3A_103 = arith.constant 1 : i32
    %get3A_104 = arith.index_cast %get3A_102 : i32 to index
    %get3A_105 = arith.index_cast %get3A_103 : i32 to index
    %get3A_106 = arith.constant 16 : index
    %get3A_107 = tpu.vector_load %arg6[%get3A_104, %get3A_105, %get3A_106] {strides = array<i32>} : memref<8x2x128xf32, #tpu.memory_space<vmem>>, vector<16xf32>,
    %sub3A_108 = arith.subf %get3A_107, %select_n3A_101 : vector<16xf32>
    %swap3A_109 = arith.constant 0 : i32
    %swap3A_110 = arith.constant 1 : i32
    %swap3A_111 = arith.index_cast %swap3A_109 : i32 to index
    %swap3A_112 = arith.index_cast %swap3A_110 : i32 to index
    %swap3A_113 = arith.constant 16 : index
    %swap3A_114 = tpu.vector_load %arg6[%swap3A_111, %swap3A_112, %swap3A_113] {strides = array<i32>} : memref<8x2x128xf32, #tpu.memory_space<vmem>>, vector<16xf32>,
    tpu.vector_store %arg6[%swap3A_111, %swap3A_112, %swap3A_113], %sub3A_108 {strides = array<i32>} : memref<8x2x128xf32, #tpu.memory_space<vmem>>, vector<16xf32>,
    %get3A_115 = arith.constant 32 : index
    %get3A_116 = tpu.vector_load %arg7[%get3A_115] {strides = array<i32>} : memref<1024xi32, #tpu.memory_space<vmem>>, vector<16xi32>,
    %eq3A_117 = arith.constant 0 : i32
    %eq3A_118 = vector.broadcast %eq3A_117 : i32 to vector<16xi32>
    %eq3A_119 = arith.cmpi eq, %get3A_116, %eq3A_118 : vector<16xi32>
    %eq3A_120 = arith.constant 1 : i32
    %eq3A_121 = vector.broadcast %eq3A_120 : i32 to vector<16xi32>
    %eq3A_122 = arith.cmpi eq, %get3A_116, %eq3A_121 : vector<16xi32>
    %select_n3A_123 = arith.select %eq3A_122, %broadcast_in_dim3A_30, %broadcast_in_dim3A_33 : vector<16xi1>, vector<16xf32>
    %select_n3A_124 = arith.select %eq3A_119, %broadcast_in_dim3A, %select_n3A_123 : vector<16xi1>, vector<16xf32>
    %get3A_125 = arith.constant 0 : i32
    %get3A_126 = arith.constant 0 : i32
    %get3A_127 = arith.index_cast %get3A_125 : i32 to index
    %get3A_128 = arith.index_cast %get3A_126 : i32 to index
    %get3A_129 = arith.constant 32 : index
    %get3A_130 = tpu.vector_load %arg6[%get3A_127, %get3A_128, %get3A_129] {strides = array<i32>} : memref<8x2x128xf32, #tpu.memory_space<vmem>>, vector<16xf32>,
    %sub3A_131 = arith.subf %get3A_130, %select_n3A_124 : vector<16xf32>
    %swap3A_132 = arith.constant 0 : i32
    %swap3A_133 = arith.constant 0 : i32
    %swap3A_134 = arith.index_cast %swap3A_132 : i32 to index
    %swap3A_135 = arith.index_cast %swap3A_133 : i32 to index
    %swap3A_136 = arith.constant 32 : index
    %swap3A_137 = tpu.vector_load %arg6[%swap3A_134, %swap3A_135, %swap3A_136] {strides = array<i32>} : memref<8x2x128xf32, #tpu.memory_space<vmem>>, vector<16xf32>,
    tpu.vector_store %arg6[%swap3A_134, %swap3A_135, %swap3A_136], %sub3A_131 {strides = array<i32>} : memref<8x2x128xf32, #tpu.memory_space<vmem>>, vector<16xf32>,
    %select_n3A_138 = arith.select %eq3A_122, %broadcast_in_dim3A_39, %broadcast_in_dim3A_42 : vector<16xi1>, vector<16xf32>
    %select_n3A_139 = arith.select %eq3A_119, %broadcast_in_dim3A_36, %select_n3A_138 : vector<16xi1>, vector<16xf32>
    %get3A_140 = arith.constant 0 : i32
    %get3A_141 = arith.constant 1 : i32
    %get3A_142 = arith.index_cast %get3A_140 : i32 to index
    %get3A_143 = arith.index_cast %get3A_141 : i32 to index
    %get3A_144 = arith.constant 32 : index
    %get3A_145 = tpu.vector_load %arg6[%get3A_142, %get3A_143, %get3A_144] {strides = array<i32>} : memref<8x2x128xf32, #tpu.memory_space<vmem>>, vector<16xf32>,
    %sub3A_146 = arith.subf %get3A_145, %select_n3A_139 : vector<16xf32>
    %swap3A_147 = arith.constant 0 : i32
    %swap3A_148 = arith.constant 1 : i32
    %swap3A_149 = arith.index_cast %swap3A_147 : i32 to index
    %swap3A_150 = arith.index_cast %swap3A_148 : i32 to index
    %swap3A_151 = arith.constant 32 : index
    %swap3A_152 = tpu.vector_load %arg6[%swap3A_149, %swap3A_150, %swap3A_151] {strides = array<i32>} : memref<8x2x128xf32, #tpu.memory_space<vmem>>, vector<16xf32>,
    tpu.vector_store %arg6[%swap3A_149, %swap3A_150, %swap3A_151], %sub3A_146 {strides = array<i32>} : memref<8x2x128xf32, #tpu.memory_space<vmem>>, vector<16xf32>,
    %get3A_153 = arith.constant 48 : index
    %get3A_154 = tpu.vector_load %arg7[%get3A_153] {strides = array<i32>} : memref<1024xi32, #tpu.memory_space<vmem>>, vector<16xi32>,
    %eq3A_155 = arith.constant 0 : i32
    %eq3A_156 = vector.broadcast %eq3A_155 : i32 to vector<16xi32>
    %eq3A_157 = arith.cmpi eq, %get3A_154, %eq3A_156 : vector<16xi32>
    %eq3A_158 = arith.constant 1 : i32
    %eq3A_159 = vector.broadcast %eq3A_158 : i32 to vector<16xi32>
    %eq3A_160 = arith.cmpi eq, %get3A_154, %eq3A_159 : vector<16xi32>
    %select_n3A_161 = arith.select %eq3A_160, %broadcast_in_dim3A_30, %broadcast_in_dim3A_33 : vector<16xi1>, vector<16xf32>
    %select_n3A_162 = arith.select %eq3A_157, %broadcast_in_dim3A, %select_n3A_161 : vector<16xi1>, vector<16xf32>
    %get3A_163 = arith.constant 0 : i32
    %get3A_164 = arith.constant 0 : i32
    %get3A_165 = arith.index_cast %get3A_163 : i32 to index
    %get3A_166 = arith.index_cast %get3A_164 : i32 to index
    %get3A_167 = arith.constant 48 : index
    %get3A_168 = tpu.vector_load %arg6[%get3A_165, %get3A_166, %get3A_167] {strides = array<i32>} : memref<8x2x128xf32, #tpu.memory_space<vmem>>, vector<16xf32>,
    %sub3A_169 = arith.subf %get3A_168, %select_n3A_162 : vector<16xf32>
    %swap3A_170 = arith.constant 0 : i32
    %swap3A_171 = arith.constant 0 : i32
    %swap3A_172 = arith.index_cast %swap3A_170 : i32 to index
    %swap3A_173 = arith.index_cast %swap3A_171 : i32 to index
    %swap3A_174 = arith.constant 48 : index
    %swap3A_175 = tpu.vector_load %arg6[%swap3A_172, %swap3A_173, %swap3A_174] {strides = array<i32>} : memref<8x2x128xf32, #tpu.memory_space<vmem>>, vector<16xf32>,
    tpu.vector_store %arg6[%swap3A_172, %swap3A_173, %swap3A_174], %sub3A_169 {strides = array<i32>} : memref<8x2x128xf32, #tpu.memory_space<vmem>>, vector<16xf32>,
    %select_n3A_176 = arith.select %eq3A_160, %broadcast_in_dim3A_39, %broadcast_in_dim3A_42 : vector<16xi1>, vector<16xf32>
    %select_n3A_177 = arith.select %eq3A_157, %broadcast_in_dim3A_36, %select_n3A_176 : vector<16xi1>, vector<16xf32>
    %get3A_178 = arith.constant 0 : i32
    %get3A_179 = arith.constant 1 : i32
    %get3A_180 = arith.index_cast %get3A_178 : i32 to index
    %get3A_181 = arith.index_cast %get3A_179 : i32 to index
    %get3A_182 = arith.constant 48 : index
    %get3A_183 = tpu.vector_load %arg6[%get3A_180, %get3A_181, %get3A_182] {strides = array<i32>} : memref<8x2x128xf32, #tpu.memory_space<vmem>>, vector<16xf32>,
    %sub3A_184 = arith.subf %get3A_183, %select_n3A_177 : vector<16xf32>
    %swap3A_185 = arith.constant 0 : i32
    %swap3A_186 = arith.constant 1 : i32
    %swap3A_187 = arith.index_cast %swap3A_185 : i32 to index
    %swap3A_188 = arith.index_cast %swap3A_186 : i32 to index
    %swap3A_189 = arith.constant 48 : index
    %swap3A_190 = tpu.vector_load %arg6[%swap3A_187, %swap3A_188, %swap3A_189] {strides = array<i32>} : memref<8x2x128xf32, #tpu.memory_space<vmem>>, vector<16xf32>,
    tpu.vector_store %arg6[%swap3A_187, %swap3A_188, %swap3A_189], %sub3A_184 {strides = array<i32>} : memref<8x2x128xf32, #tpu.memory_space<vmem>>, vector<16xf32>,
    %get3A_191 = arith.constant 64 : index
    %get3A_192 = tpu.vector_load %arg7[%get3A_191] {strides = array<i32>} : memref<1024xi32, #tpu.memory_space<vmem>>, vector<16xi32>,
    %eq3A_193 = arith.constant 0 : i32
    %eq3A_194 = vector.broadcast %eq3A_193 : i32 to vector<16xi32>
    %eq3A_195 = arith.cmpi eq, %get3A_192, %eq3A_194 : vector<16xi32>
    %eq3A_196 = arith.constant 1 : i32
    %eq3A_197 = vector.broadcast %eq3A_196 : i32 to vector<16xi32>
    %eq3A_198 = arith.cmpi eq, %get3A_192, %eq3A_197 : vector<16xi32>
    %select_n3A_199 = arith.select %eq3A_198, %broadcast_in_dim3A_30, %broadcast_in_dim3A_33 : vector<16xi1>, vector<16xf32>
    %select_n3A_200 = arith.select %eq3A_195, %broadcast_in_dim3A, %select_n3A_199 : vector<16xi1>, vector<16xf32>
    %get3A_201 = arith.constant 0 : i32
    %get3A_202 = arith.constant 0 : i32
    %get3A_203 = arith.index_cast %get3A_201 : i32 to index
    %get3A_204 = arith.index_cast %get3A_202 : i32 to index
    %get3A_205 = arith.constant 64 : index
    %get3A_206 = tpu.vector_load %arg6[%get3A_203, %get3A_204, %get3A_205] {strides = array<i32>} : memref<8x2x128xf32, #tpu.memory_space<vmem>>, vector<16xf32>,
    %sub3A_207 = arith.subf %get3A_206, %select_n3A_200 : vector<16xf32>
    %swap3A_208 = arith.constant 0 : i32
    %swap3A_209 = arith.constant 0 : i32
    %swap3A_210 = arith.index_cast %swap3A_208 : i32 to index
    %swap3A_211 = arith.index_cast %swap3A_209 : i32 to index
    %swap3A_212 = arith.constant 64 : index
    %swap3A_213 = tpu.vector_load %arg6[%swap3A_210, %swap3A_211, %swap3A_212] {strides = array<i32>} : memref<8x2x128xf32, #tpu.memory_space<vmem>>, vector<16xf32>,
    tpu.vector_store %arg6[%swap3A_210, %swap3A_211, %swap3A_212], %sub3A_207 {strides = array<i32>} : memref<8x2x128xf32, #tpu.memory_space<vmem>>, vector<16xf32>,
    %select_n3A_214 = arith.select %eq3A_198, %broadcast_in_dim3A_39, %broadcast_in_dim3A_42 : vector<16xi1>, vector<16xf32>
    %select_n3A_215 = arith.select %eq3A_195, %broadcast_in_dim3A_36, %select_n3A_214 : vector<16xi1>, vector<16xf32>
    %get3A_216 = arith.constant 0 : i32
    %get3A_217 = arith.constant 1 : i32
    %get3A_218 = arith.index_cast %get3A_216 : i32 to index
    %get3A_219 = arith.index_cast %get3A_217 : i32 to index
    %get3A_220 = arith.constant 64 : index
    %get3A_221 = tpu.vector_load %arg6[%get3A_218, %get3A_219, %get3A_220] {strides = array<i32>} : memref<8x2x128xf32, #tpu.memory_space<vmem>>, vector<16xf32>,
    %sub3A_222 = arith.subf %get3A_221, %select_n3A_215 : vector<16xf32>
    %swap3A_223 = arith.constant 0 : i32
    %swap3A_224 = arith.constant 1 : i32
    %swap3A_225 = arith.index_cast %swap3A_223 : i32 to index
    %swap3A_226 = arith.index_cast %swap3A_224 : i32 to index
    %swap3A_227 = arith.constant 64 : index
    %swap3A_228 = tpu.vector_load %arg6[%swap3A_225, %swap3A_226, %swap3A_227] {strides = array<i32>} : memref<8x2x128xf32, #tpu.memory_space<vmem>>, vector<16xf32>,
    tpu.vector_store %arg6[%swap3A_225, %swap3A_226, %swap3A_227], %sub3A_222 {strides = array<i32>} : memref<8x2x128xf32, #tpu.memory_space<vmem>>, vector<16xf32>,
    %get3A_229 = arith.constant 80 : index
    %get3A_230 = tpu.vector_load %arg7[%get3A_229] {strides = array<i32>} : memref<1024xi32, #tpu.memory_space<vmem>>, vector<16xi32>,
    %eq3A_231 = arith.constant 0 : i32
    %eq3A_232 = vector.broadcast %eq3A_231 : i32 to vector<16xi32>
    %eq3A_233 = arith.cmpi eq, %get3A_230, %eq3A_232 : vector<16xi32>
    %eq3A_234 = arith.constant 1 : i32
    %eq3A_235 = vector.broadcast %eq3A_234 : i32 to vector<16xi32>
    %eq3A_236 = arith.cmpi eq, %get3A_230, %eq3A_235 : vector<16xi32>
    %select_n3A_237 = arith.select %eq3A_236, %broadcast_in_dim3A_30, %broadcast_in_dim3A_33 : vector<16xi1>, vector<16xf32>
    %select_n3A_238 = arith.select %eq3A_233, %broadcast_in_dim3A, %select_n3A_237 : vector<16xi1>, vector<16xf32>
    %get3A_239 = arith.constant 0 : i32
    %get3A_240 = arith.constant 0 : i32
    %get3A_241 = arith.index_cast %get3A_239 : i32 to index
    %get3A_242 = arith.index_cast %get3A_240 : i32 to index
    %get3A_243 = arith.constant 80 : index
    %get3A_244 = tpu.vector_load %arg6[%get3A_241, %get3A_242, %get3A_243] {strides = array<i32>} : memref<8x2x128xf32, #tpu.memory_space<vmem>>, vector<16xf32>,
    %sub3A_245 = arith.subf %get3A_244, %select_n3A_238 : vector<16xf32>
    %swap3A_246 = arith.constant 0 : i32
    %swap3A_247 = arith.constant 0 : i32
    %swap3A_248 = arith.index_cast %swap3A_246 : i32 to index
    %swap3A_249 = arith.index_cast %swap3A_247 : i32 to index
    %swap3A_250 = arith.constant 80 : index
    %swap3A_251 = tpu.vector_load %arg6[%swap3A_248, %swap3A_249, %swap3A_250] {strides = array<i32>} : memref<8x2x128xf32, #tpu.memory_space<vmem>>, vector<16xf32>,
    tpu.vector_store %arg6[%swap3A_248, %swap3A_249, %swap3A_250], %sub3A_245 {strides = array<i32>} : memref<8x2x128xf32, #tpu.memory_space<vmem>>, vector<16xf32>,
    %select_n3A_252 = arith.select %eq3A_236, %broadcast_in_dim3A_39, %broadcast_in_dim3A_42 : vector<16xi1>, vector<16xf32>
    %select_n3A_253 = arith.select %eq3A_233, %broadcast_in_dim3A_36, %select_n3A_252 : vector<16xi1>, vector<16xf32>
    %get3A_254 = arith.constant 0 : i32
    %get3A_255 = arith.constant 1 : i32
    %get3A_256 = arith.index_cast %get3A_254 : i32 to index
    %get3A_257 = arith.index_cast %get3A_255 : i32 to index
    %get3A_258 = arith.constant 80 : index
    %get3A_259 = tpu.vector_load %arg6[%get3A_256, %get3A_257, %get3A_258] {strides = array<i32>} : memref<8x2x128xf32, #tpu.memory_space<vmem>>, vector<16xf32>,
    %sub3A_260 = arith.subf %get3A_259, %select_n3A_253 : vector<16xf32>
    %swap3A_261 = arith.constant 0 : i32
    %swap3A_262 = arith.constant 1 : i32
    %swap3A_263 = arith.index_cast %swap3A_261 : i32 to index
    %swap3A_264 = arith.index_cast %swap3A_262 : i32 to index
    %swap3A_265 = arith.constant 80 : index
    %swap3A_266 = tpu.vector_load %arg6[%swap3A_263, %swap3A_264, %swap3A_265] {strides = array<i32>} : memref<8x2x128xf32, #tpu.memory_space<vmem>>, vector<16xf32>,
    tpu.vector_store %arg6[%swap3A_263, %swap3A_264, %swap3A_265], %sub3A_260 {strides = array<i32>} : memref<8x2x128xf32, #tpu.memory_space<vmem>>, vector<16xf32>,
    %get3A_267 = arith.constant 96 : index
    %get3A_268 = tpu.vector_load %arg7[%get3A_267] {strides = array<i32>} : memref<1024xi32, #tpu.memory_space<vmem>>, vector<16xi32>,
    %eq3A_269 = arith.constant 0 : i32
    %eq3A_270 = vector.broadcast %eq3A_269 : i32 to vector<16xi32>
    %eq3A_271 = arith.cmpi eq, %get3A_268, %eq3A_270 : vector<16xi32>
    %eq3A_272 = arith.constant 1 : i32
    %eq3A_273 = vector.broadcast %eq3A_272 : i32 to vector<16xi32>
    %eq3A_274 = arith.cmpi eq, %get3A_268, %eq3A_273 : vector<16xi32>
    %select_n3A_275 = arith.select %eq3A_274, %broadcast_in_dim3A_30, %broadcast_in_dim3A_33 : vector<16xi1>, vector<16xf32>
    %select_n3A_276 = arith.select %eq3A_271, %broadcast_in_dim3A, %select_n3A_275 : vector<16xi1>, vector<16xf32>
    %get3A_277 = arith.constant 0 : i32
    %get3A_278 = arith.constant 0 : i32
    %get3A_279 = arith.index_cast %get3A_277 : i32 to index
    %get3A_280 = arith.index_cast %get3A_278 : i32 to index
    %get3A_281 = arith.constant 96 : index
    %get3A_282 = tpu.vector_load %arg6[%get3A_279, %get3A_280, %get3A_281] {strides = array<i32>} : memref<8x2x128xf32, #tpu.memory_space<vmem>>, vector<16xf32>,
    %sub3A_283 = arith.subf %get3A_282, %select_n3A_276 : vector<16xf32>
    %swap3A_284 = arith.constant 0 : i32
    %swap3A_285 = arith.constant 0 : i32
    %swap3A_286 = arith.index_cast %swap3A_284 : i32 to index
    %swap3A_287 = arith.index_cast %swap3A_285 : i32 to index
    %swap3A_288 = arith.constant 96 : index
    %swap3A_289 = tpu.vector_load %arg6[%swap3A_286, %swap3A_287, %swap3A_288] {strides = array<i32>} : memref<8x2x128xf32, #tpu.memory_space<vmem>>, vector<16xf32>,
    tpu.vector_store %arg6[%swap3A_286, %swap3A_287, %swap3A_288], %sub3A_283 {strides = array<i32>} : memref<8x2x128xf32, #tpu.memory_space<vmem>>, vector<16xf32>,
    %select_n3A_290 = arith.select %eq3A_274, %broadcast_in_dim3A_39, %broadcast_in_dim3A_42 : vector<16xi1>, vector<16xf32>
    %select_n3A_291 = arith.select %eq3A_271, %broadcast_in_dim3A_36, %select_n3A_290 : vector<16xi1>, vector<16xf32>
    %get3A_292 = arith.constant 0 : i32
    %get3A_293 = arith.constant 1 : i32
    %get3A_294 = arith.index_cast %get3A_292 : i32 to index
    %get3A_295 = arith.index_cast %get3A_293 : i32 to index
    %get3A_296 = arith.constant 96 : index
    %get3A_297 = tpu.vector_load %arg6[%get3A_294, %get3A_295, %get3A_296] {strides = array<i32>} : memref<8x2x128xf32, #tpu.memory_space<vmem>>, vector<16xf32>,
    %sub3A_298 = arith.subf %get3A_297, %select_n3A_291 : vector<16xf32>
    %swap3A_299 = arith.constant 0 : i32
    %swap3A_300 = arith.constant 1 : i32
    %swap3A_301 = arith.index_cast %swap3A_299 : i32 to index
    %swap3A_302 = arith.index_cast %swap3A_300 : i32 to index
    %swap3A_303 = arith.constant 96 : index
    %swap3A_304 = tpu.vector_load %arg6[%swap3A_301, %swap3A_302, %swap3A_303] {strides = array<i32>} : memref<8x2x128xf32, #tpu.memory_space<vmem>>, vector<16xf32>,
    tpu.vector_store %arg6[%swap3A_301, %swap3A_302, %swap3A_303], %sub3A_298 {strides = array<i32>} : memref<8x2x128xf32, #tpu.memory_space<vmem>>, vector<16xf32>,
    %get3A_305 = arith.constant 112 : index
    %get3A_306 = tpu.vector_load %arg7[%get3A_305] {strides = array<i32>} : memref<1024xi32, #tpu.memory_space<vmem>>, vector<16xi32>,
    %eq3A_307 = arith.constant 0 : i32
    %eq3A_308 = vector.broadcast %eq3A_307 : i32 to vector<16xi32>
    %eq3A_309 = arith.cmpi eq, %get3A_306, %eq3A_308 : vector<16xi32>
    %eq3A_310 = arith.constant 1 : i32
    %eq3A_311 = vector.broadcast %eq3A_310 : i32 to vector<16xi32>
    %eq3A_312 = arith.cmpi eq, %get3A_306, %eq3A_311 : vector<16xi32>
    %select_n3A_313 = arith.select %eq3A_312, %broadcast_in_dim3A_30, %broadcast_in_dim3A_33 : vector<16xi1>, vector<16xf32>
    %select_n3A_314 = arith.select %eq3A_309, %broadcast_in_dim3A, %select_n3A_313 : vector<16xi1>, vector<16xf32>
    %get3A_315 = arith.constant 0 : i32
    %get3A_316 = arith.constant 0 : i32
    %get3A_317 = arith.index_cast %get3A_315 : i32 to index
    %get3A_318 = arith.index_cast %get3A_316 : i32 to index
    %get3A_319 = arith.constant 112 : index
    %get3A_320 = tpu.vector_load %arg6[%get3A_317, %get3A_318, %get3A_319] {strides = array<i32>} : memref<8x2x128xf32, #tpu.memory_space<vmem>>, vector<16xf32>,
    %sub3A_321 = arith.subf %get3A_320, %select_n3A_314 : vector<16xf32>
    %swap3A_322 = arith.constant 0 : i32
    %swap3A_323 = arith.constant 0 : i32
    %swap3A_324 = arith.index_cast %swap3A_322 : i32 to index
    %swap3A_325 = arith.index_cast %swap3A_323 : i32 to index
    %swap3A_326 = arith.constant 112 : index
    %swap3A_327 = tpu.vector_load %arg6[%swap3A_324, %swap3A_325, %swap3A_326] {strides = array<i32>} : memref<8x2x128xf32, #tpu.memory_space<vmem>>, vector<16xf32>,
    tpu.vector_store %arg6[%swap3A_324, %swap3A_325, %swap3A_326], %sub3A_321 {strides = array<i32>} : memref<8x2x128xf32, #tpu.memory_space<vmem>>, vector<16xf32>,
    %select_n3A_328 = arith.select %eq3A_312, %broadcast_in_dim3A_39, %broadcast_in_dim3A_42 : vector<16xi1>, vector<16xf32>
    %select_n3A_329 = arith.select %eq3A_309, %broadcast_in_dim3A_36, %select_n3A_328 : vector<16xi1>, vector<16xf32>
    %get3A_330 = arith.constant 0 : i32
    %get3A_331 = arith.constant 1 : i32
    %get3A_332 = arith.index_cast %get3A_330 : i32 to index
    %get3A_333 = arith.index_cast %get3A_331 : i32 to index
    %get3A_334 = arith.constant 112 : index
    %get3A_335 = tpu.vector_load %arg6[%get3A_332, %get3A_333, %get3A_334] {strides = array<i32>} : memref<8x2x128xf32, #tpu.memory_space<vmem>>, vector<16xf32>,
    %sub3A_336 = arith.subf %get3A_335, %select_n3A_329 : vector<16xf32>
    %swap3A_337 = arith.constant 0 : i32
    %swap3A_338 = arith.constant 1 : i32
    %swap3A_339 = arith.index_cast %swap3A_337 : i32 to index
    %swap3A_340 = arith.index_cast %swap3A_338 : i32 to index
    %swap3A_341 = arith.constant 112 : index
    %swap3A_342 = tpu.vector_load %arg6[%swap3A_339, %swap3A_340, %swap3A_341] {strides = array<i32>} : memref<8x2x128xf32, #tpu.memory_space<vmem>>, vector<16xf32>,
    tpu.vector_store %arg6[%swap3A_339, %swap3A_340, %swap3A_341], %sub3A_336 {strides = array<i32>} : memref<8x2x128xf32, #tpu.memory_space<vmem>>, vector<16xf32>,
    %add3A_343 = arith.constant 0 : i32
    %add3A_344 = arith.addi %mul3A_2, %add3A_343 : i32
    %dma_start3A_345 = arith.constant 0 : i32
    %dma_start3A_346 = arith.constant 0 : i32
    %dma_start3A_347 = arith.constant 0 : i32
    %dma_start3A_348 = tpu.memref_slice %arg6[%dma_start3A_345, %dma_start3A_346, %dma_start3A_347] : memref<8x2x128xf32, #tpu.memory_space<vmem>> -> memref<1x2x128xf32, #tpu.memory_space<vmem>>
    %dma_start3A_349 = tpu.memref_squeeze %dma_start3A_348 : memref<1x2x128xf32, #tpu.memory_space<vmem>> -> memref<2x128xf32, #tpu.memory_space<vmem>>
    %dma_start3A_350 = arith.constant 0 : i32
    %dma_start3A_351 = arith.constant 0 : i32
    %dma_start3A_352 = tpu.memref_slice %arg5[%add3A_344, %dma_start3A_350, %dma_start3A_351] : memref<128x2x128xf32, #tpu.memory_space<hbm>> -> memref<1x2x128xf32, #tpu.memory_space<hbm>>
    %dma_start3A_353 = tpu.memref_squeeze %dma_start3A_352 : memref<1x2x128xf32, #tpu.memory_space<hbm>> -> memref<2x128xf32, #tpu.memory_space<hbm>>
    %dma_start3A_354 = arith.constant 0 : i32
    %dma_start3A_355 = arith.constant 0 : i32
    %dma_start3A_356 = tpu.memref_slice %arg5[%add3A_344, %dma_start3A_354, %dma_start3A_355] : memref<128x2x128xf32, #tpu.memory_space<hbm>> -> memref<1x2x128xf32, #tpu.memory_space<hbm>>
    %dma_start3A_357 = tpu.memref_squeeze %dma_start3A_356 : memref<1x2x128xf32, #tpu.memory_space<hbm>> -> memref<2x128xf32, #tpu.memory_space<hbm>>
    %dma_start3A_358 = arith.constant 0 : i32
    %dma_start3A_359 = arith.constant 0 : i32
    %dma_start3A_360 = tpu.memref_slice %arg6[%dma_start3A_345, %dma_start3A_358, %dma_start3A_359] : memref<8x2x128xf32, #tpu.memory_space<vmem>> -> memref<1x2x128xf32, #tpu.memory_space<vmem>>
    %dma_start3A_361 = tpu.memref_squeeze %dma_start3A_360 : memref<1x2x128xf32, #tpu.memory_space<vmem>> -> memref<2x128xf32, #tpu.memory_space<vmem>>
    tpu.enqueue_dma source(%dma_start3A_361 : memref<2x128xf32, #tpu.memory_space<vmem>>) target(%dma_start3A_357 : memref<2x128xf32, #tpu.memory_space<hbm>>) target_semaphore(%arg9 : memref<!tpu.dma_semaphore, #tpu.memory_space<semaphore_mem>>)
    %get3A_362 = arith.constant 128 : index
    %get3A_363 = tpu.vector_load %arg7[%get3A_362] {strides = array<i32>} : memref<1024xi32, #tpu.memory_space<vmem>>, vector<16xi32>,
    %eq3A_364 = arith.constant 0 : i32
    %eq3A_365 = vector.broadcast %eq3A_364 : i32 to vector<16xi32>
    %eq3A_366 = arith.cmpi eq, %get3A_363, %eq3A_365 : vector<16xi32>
    %eq3A_367 = arith.constant 1 : i32
    %eq3A_368 = vector.broadcast %eq3A_367 : i32 to vector<16xi32>
    %eq3A_369 = arith.cmpi eq, %get3A_363, %eq3A_368 : vector<16xi32>
    %select_n3A_370 = arith.select %eq3A_369, %broadcast_in_dim3A_30, %broadcast_in_dim3A_33 : vector<16xi1>, vector<16xf32>
    %select_n3A_371 = arith.select %eq3A_366, %broadcast_in_dim3A, %select_n3A_370 : vector<16xi1>, vector<16xf32>
    %get3A_372 = arith.constant 1 : i32
    %get3A_373 = arith.constant 0 : i32
    %get3A_374 = arith.index_cast %get3A_372 : i32 to index
    %get3A_375 = arith.index_cast %get3A_373 : i32 to index
    %get3A_376 = arith.constant 0 : index
    %get3A_377 = tpu.vector_load %arg6[%get3A_374, %get3A_375, %get3A_376] {strides = array<i32>} : memref<8x2x128xf32, #tpu.memory_space<vmem>>, vector<16xf32>,
    %sub3A_378 = arith.subf %get3A_377, %select_n3A_371 : vector<16xf32>
    %swap3A_379 = arith.constant 1 : i32
    %swap3A_380 = arith.constant 0 : i32
    %swap3A_381 = arith.index_cast %swap3A_379 : i32 to index
    %swap3A_382 = arith.index_cast %swap3A_380 : i32 to index
    %swap3A_383 = arith.constant 0 : index
    %swap3A_384 = tpu.vector_load %arg6[%swap3A_381, %swap3A_382, %swap3A_383] {strides = array<i32>} : memref<8x2x128xf32, #tpu.memory_space<vmem>>, vector<16xf32>,
    tpu.vector_store %arg6[%swap3A_381, %swap3A_382, %swap3A_383], %sub3A_378 {strides = array<i32>} : memref<8x2x128xf32, #tpu.memory_space<vmem>>, vector<16xf32>,
    %select_n3A_385 = arith.select %eq3A_369, %broadcast_in_dim3A_39, %broadcast_in_dim3A_42 : vector<16xi1>, vector<16xf32>
    %select_n3A_386 = arith.select %eq3A_366, %broadcast_in_dim3A_36, %select_n3A_385 : vector<16xi1>, vector<16xf32>
    %get3A_387 = arith.constant 1 : i32
    %get3A_388 = arith.constant 1 : i32
    %get3A_389 = arith.index_cast %get3A_387 : i32 to index
    %get3A_390 = arith.index_cast %get3A_388 : i32 to index
    %get3A_391 = arith.constant 0 : index
    %get3A_392 = tpu.vector_load %arg6[%get3A_389, %get3A_390, %get3A_391] {strides = array<i32>} : memref<8x2x128xf32, #tpu.memory_space<vmem>>, vector<16xf32>,
    %sub3A_393 = arith.subf %get3A_392, %select_n3A_386 : vector<16xf32>
    %swap3A_394 = arith.constant 1 : i32
    %swap3A_395 = arith.constant 1 : i32
    %swap3A_396 = arith.index_cast %swap3A_394 : i32 to index
    %swap3A_397 = arith.index_cast %swap3A_395 : i32 to index
    %swap3A_398 = arith.constant 0 : index
    %swap3A_399 = tpu.vector_load %arg6[%swap3A_396, %swap3A_397, %swap3A_398] {strides = array<i32>} : memref<8x2x128xf32, #tpu.memory_space<vmem>>, vector<16xf32>,
    tpu.vector_store %arg6[%swap3A_396, %swap3A_397, %swap3A_398], %sub3A_393 {strides = array<i32>} : memref<8x2x128xf32, #tpu.memory_space<vmem>>, vector<16xf32>,
    %get3A_400 = arith.constant 144 : index
    %get3A_401 = tpu.vector_load %arg7[%get3A_400] {strides = array<i32>} : memref<1024xi32, #tpu.memory_space<vmem>>, vector<16xi32>,
    %eq3A_402 = arith.constant 0 : i32
    %eq3A_403 = vector.broadcast %eq3A_402 : i32 to vector<16xi32>
    %eq3A_404 = arith.cmpi eq, %get3A_401, %eq3A_403 : vector<16xi32>
    %eq3A_405 = arith.constant 1 : i32
    %eq3A_406 = vector.broadcast %eq3A_405 : i32 to vector<16xi32>
    %eq3A_407 = arith.cmpi eq, %get3A_401, %eq3A_406 : vector<16xi32>
    %select_n3A_408 = arith.select %eq3A_407, %broadcast_in_dim3A_30, %broadcast_in_dim3A_33 : vector<16xi1>, vector<16xf32>
    %select_n3A_409 = arith.select %eq3A_404, %broadcast_in_dim3A, %select_n3A_408 : vector<16xi1>, vector<16xf32>
    %get3A_410 = arith.constant 1 : i32
    %get3A_411 = arith.constant 0 : i32
    %get3A_412 = arith.index_cast %get3A_410 : i32 to index
    %get3A_413 = arith.index_cast %get3A_411 : i32 to index
    %get3A_414 = arith.constant 16 : index
    %get3A_415 = tpu.vector_load %arg6[%get3A_412, %get3A_413, %get3A_414] {strides = array<i32>} : memref<8x2x128xf32, #tpu.memory_space<vmem>>, vector<16xf32>,
    %sub3A_416 = arith.subf %get3A_415, %select_n3A_409 : vector<16xf32>
    %swap3A_417 = arith.constant 1 : i32
    %swap3A_418 = arith.constant 0 : i32
    %swap3A_419 = arith.index_cast %swap3A_417 : i32 to index
    %swap3A_420 = arith.index_cast %swap3A_418 : i32 to index
    %swap3A_421 = arith.constant 16 : index
    %swap3A_422 = tpu.vector_load %arg6[%swap3A_419, %swap3A_420, %swap3A_421] {strides = array<i32>} : memref<8x2x128xf32, #tpu.memory_space<vmem>>, vector<16xf32>,
    tpu.vector_store %arg6[%swap3A_419, %swap3A_420, %swap3A_421], %sub3A_416 {strides = array<i32>} : memref<8x2x128xf32, #tpu.memory_space<vmem>>, vector<16xf32>,
    %select_n3A_423 = arith.select %eq3A_407, %broadcast_in_dim3A_39, %broadcast_in_dim3A_42 : vector<16xi1>, vector<16xf32>
    %select_n3A_424 = arith.select %eq3A_404, %broadcast_in_dim3A_36, %select_n3A_423 : vector<16xi1>, vector<16xf32>
    %get3A_425 = arith.constant 1 : i32
    %get3A_426 = arith.constant 1 : i32
    %get3A_427 = arith.index_cast %get3A_425 : i32 to index
    %get3A_428 = arith.index_cast %get3A_426 : i32 to index
    %get3A_429 = arith.constant 16 : index
    %get3A_430 = tpu.vector_load %arg6[%get3A_427, %get3A_428, %get3A_429] {strides = array<i32>} : memref<8x2x128xf32, #tpu.memory_space<vmem>>, vector<16xf32>,
    %sub3A_431 = arith.subf %get3A_430, %select_n3A_424 : vector<16xf32>
    %swap3A_432 = arith.constant 1 : i32
    %swap3A_433 = arith.constant 1 : i32
    %swap3A_434 = arith.index_cast %swap3A_432 : i32 to index
    %swap3A_435 = arith.index_cast %swap3A_433 : i32 to index
    %swap3A_436 = arith.constant 16 : index
    %swap3A_437 = tpu.vector_load %arg6[%swap3A_434, %swap3A_435, %swap3A_436] {strides = array<i32>} : memref<8x2x128xf32, #tpu.memory_space<vmem>>, vector<16xf32>,
    tpu.vector_store %arg6[%swap3A_434, %swap3A_435, %swap3A_436], %sub3A_431 {strides = array<i32>} : memref<8x2x128xf32, #tpu.memory_space<vmem>>, vector<16xf32>,
    %get3A_438 = arith.constant 160 : index
    %get3A_439 = tpu.vector_load %arg7[%get3A_438] {strides = array<i32>} : memref<1024xi32, #tpu.memory_space<vmem>>, vector<16xi32>,
    %eq3A_440 = arith.constant 0 : i32
    %eq3A_441 = vector.broadcast %eq3A_440 : i32 to vector<16xi32>
    %eq3A_442 = arith.cmpi eq, %get3A_439, %eq3A_441 : vector<16xi32>
    %eq3A_443 = arith.constant 1 : i32
    %eq3A_444 = vector.broadcast %eq3A_443 : i32 to vector<16xi32>
    %eq3A_445 = arith.cmpi eq, %get3A_439, %eq3A_444 : vector<16xi32>
    %select_n3A_446 = arith.select %eq3A_445, %broadcast_in_dim3A_30, %broadcast_in_dim3A_33 : vector<16xi1>, vector<16xf32>
    %select_n3A_447 = arith.select %eq3A_442, %broadcast_in_dim3A, %select_n3A_446 : vector<16xi1>, vector<16xf32>
    %get3A_448 = arith.constant 1 : i32
    %get3A_449 = arith.constant 0 : i32
    %get3A_450 = arith.index_cast %get3A_448 : i32 to index
    %get3A_451 = arith.index_cast %get3A_449 : i32 to index
    %get3A_452 = arith.constant 32 : index
    %get3A_453 = tpu.vector_load %arg6[%get3A_450, %get3A_451, %get3A_452] {strides = array<i32>} : memref<8x2x128xf32, #tpu.memory_space<vmem>>, vector<16xf32>,
    %sub3A_454 = arith.subf %get3A_453, %select_n3A_447 : vector<16xf32>
    %swap3A_455 = arith.constant 1 : i32
    %swap3A_456 = arith.constant 0 : i32
    %swap3A_457 = arith.index_cast %swap3A_455 : i32 to index
    %swap3A_458 = arith.index_cast %swap3A_456 : i32 to index
    %swap3A_459 = arith.constant 32 : index
    %swap3A_460 = tpu.vector_load %arg6[%swap3A_457, %swap3A_458, %swap3A_459] {strides = array<i32>} : memref<8x2x128xf32, #tpu.memory_space<vmem>>, vector<16xf32>,
    tpu.vector_store %arg6[%swap3A_457, %swap3A_458, %swap3A_459], %sub3A_454 {strides = array<i32>} : memref<8x2x128xf32, #tpu.memory_space<vmem>>, vector<16xf32>,
    %select_n3A_461 = arith.select %eq3A_445, %broadcast_in_dim3A_39, %broadcast_in_dim3A_42 : vector<16xi1>, vector<16xf32>
    %select_n3A_462 = arith.select %eq3A_442, %broadcast_in_dim3A_36, %select_n3A_461 : vector<16xi1>, vector<16xf32>
    %get3A_463 = arith.constant 1 : i32
    %get3A_464 = arith.constant 1 : i32
    %get3A_465 = arith.index_cast %get3A_463 : i32 to index
    %get3A_466 = arith.index_cast %get3A_464 : i32 to index
    %get3A_467 = arith.constant 32 : index
    %get3A_468 = tpu.vector_load %arg6[%get3A_465, %get3A_466, %get3A_467] {strides = array<i32>} : memref<8x2x128xf32, #tpu.memory_space<vmem>>, vector<16xf32>,
    %sub3A_469 = arith.subf %get3A_468, %select_n3A_462 : vector<16xf32>
    %swap3A_470 = arith.constant 1 : i32
    %swap3A_471 = arith.constant 1 : i32
    %swap3A_472 = arith.index_cast %swap3A_470 : i32 to index
    %swap3A_473 = arith.index_cast %swap3A_471 : i32 to index
    %swap3A_474 = arith.constant 32 : index
    %swap3A_475 = tpu.vector_load %arg6[%swap3A_472, %swap3A_473, %swap3A_474] {strides = array<i32>} : memref<8x2x128xf32, #tpu.memory_space<vmem>>, vector<16xf32>,
    tpu.vector_store %arg6[%swap3A_472, %swap3A_473, %swap3A_474], %sub3A_469 {strides = array<i32>} : memref<8x2x128xf32, #tpu.memory_space<vmem>>, vector<16xf32>,
    %get3A_476 = arith.constant 176 : index
    %get3A_477 = tpu.vector_load %arg7[%get3A_476] {strides = array<i32>} : memref<1024xi32, #tpu.memory_space<vmem>>, vector<16xi32>,
    %eq3A_478 = arith.constant 0 : i32
    %eq3A_479 = vector.broadcast %eq3A_478 : i32 to vector<16xi32>
    %eq3A_480 = arith.cmpi eq, %get3A_477, %eq3A_479 : vector<16xi32>
    %eq3A_481 = arith.constant 1 : i32
    %eq3A_482 = vector.broadcast %eq3A_481 : i32 to vector<16xi32>
    %eq3A_483 = arith.cmpi eq, %get3A_477, %eq3A_482 : vector<16xi32>
    %select_n3A_484 = arith.select %eq3A_483, %broadcast_in_dim3A_30, %broadcast_in_dim3A_33 : vector<16xi1>, vector<16xf32>
    %select_n3A_485 = arith.select %eq3A_480, %broadcast_in_dim3A, %select_n3A_484 : vector<16xi1>, vector<16xf32>
    %get3A_486 = arith.constant 1 : i32
    %get3A_487 = arith.constant 0 : i32
    %get3A_488 = arith.index_cast %get3A_486 : i32 to index
    %get3A_489 = arith.index_cast %get3A_487 : i32 to index
    %get3A_490 = arith.constant 48 : index
    %get3A_491 = tpu.vector_load %arg6[%get3A_488, %get3A_489, %get3A_490] {strides = array<i32>} : memref<8x2x128xf32, #tpu.memory_space<vmem>>, vector<16xf32>,
    %sub3A_492 = arith.subf %get3A_491, %select_n3A_485 : vector<16xf32>
    %swap3A_493 = arith.constant 1 : i32
    %swap3A_494 = arith.constant 0 : i32
    %swap3A_495 = arith.index_cast %swap3A_493 : i32 to index
    %swap3A_496 = arith.index_cast %swap3A_494 : i32 to index
    %swap3A_497 = arith.constant 48 : index
    %swap3A_498 = tpu.vector_load %arg6[%swap3A_495, %swap3A_496, %swap3A_497] {strides = array<i32>} : memref<8x2x128xf32, #tpu.memory_space<vmem>>, vector<16xf32>,
    tpu.vector_store %arg6[%swap3A_495, %swap3A_496, %swap3A_497], %sub3A_492 {strides = array<i32>} : memref<8x2x128xf32, #tpu.memory_space<vmem>>, vector<16xf32>,
    %select_n3A_499 = arith.select %eq3A_483, %broadcast_in_dim3A_39, %broadcast_in_dim3A_42 : vector<16xi1>, vector<16xf32>
    %select_n3A_500 = arith.select %eq3A_480, %broadcast_in_dim3A_36, %select_n3A_499 : vector<16xi1>, vector<16xf32>
    %get3A_501 = arith.constant 1 : i32
    %get3A_502 = arith.constant 1 : i32
    %get3A_503 = arith.index_cast %get3A_501 : i32 to index
    %get3A_504 = arith.index_cast %get3A_502 : i32 to index
    %get3A_505 = arith.constant 48 : index
    %get3A_506 = tpu.vector_load %arg6[%get3A_503, %get3A_504, %get3A_505] {strides = array<i32>} : memref<8x2x128xf32, #tpu.memory_space<vmem>>, vector<16xf32>,
    %sub3A_507 = arith.subf %get3A_506, %select_n3A_500 : vector<16xf32>
    %swap3A_508 = arith.constant 1 : i32
    %swap3A_509 = arith.constant 1 : i32
    %swap3A_510 = arith.index_cast %swap3A_508 : i32 to index
    %swap3A_511 = arith.index_cast %swap3A_509 : i32 to index
    %swap3A_512 = arith.constant 48 : index
    %swap3A_513 = tpu.vector_load %arg6[%swap3A_510, %swap3A_511, %swap3A_512] {strides = array<i32>} : memref<8x2x128xf32, #tpu.memory_space<vmem>>, vector<16xf32>,
    tpu.vector_store %arg6[%swap3A_510, %swap3A_511, %swap3A_512], %sub3A_507 {strides = array<i32>} : memref<8x2x128xf32, #tpu.memory_space<vmem>>, vector<16xf32>,
    %get3A_514 = arith.constant 192 : index
    %get3A_515 = tpu.vector_load %arg7[%get3A_514] {strides = array<i32>} : memref<1024xi32, #tpu.memory_space<vmem>>, vector<16xi32>,
    %eq3A_516 = arith.constant 0 : i32
    %eq3A_517 = vector.broadcast %eq3A_516 : i32 to vector<16xi32>
    %eq3A_518 = arith.cmpi eq, %get3A_515, %eq3A_517 : vector<16xi32>
    %eq3A_519 = arith.constant 1 : i32
    %eq3A_520 = vector.broadcast %eq3A_519 : i32 to vector<16xi32>
    %eq3A_521 = arith.cmpi eq, %get3A_515, %eq3A_520 : vector<16xi32>
    %select_n3A_522 = arith.select %eq3A_521, %broadcast_in_dim3A_30, %broadcast_in_dim3A_33 : vector<16xi1>, vector<16xf32>
    %select_n3A_523 = arith.select %eq3A_518, %broadcast_in_dim3A, %select_n3A_522 : vector<16xi1>, vector<16xf32>
    %get3A_524 = arith.constant 1 : i32
    %get3A_525 = arith.constant 0 : i32
    %get3A_526 = arith.index_cast %get3A_524 : i32 to index
    %get3A_527 = arith.index_cast %get3A_525 : i32 to index
    %get3A_528 = arith.constant 64 : index
    %get3A_529 = tpu.vector_load %arg6[%get3A_526, %get3A_527, %get3A_528] {strides = array<i32>} : memref<8x2x128xf32, #tpu.memory_space<vmem>>, vector<16xf32>,
    %sub3A_530 = arith.subf %get3A_529, %select_n3A_523 : vector<16xf32>
    %swap3A_531 = arith.constant 1 : i32
    %swap3A_532 = arith.constant 0 : i32
    %swap3A_533 = arith.index_cast %swap3A_531 : i32 to index
    %swap3A_534 = arith.index_cast %swap3A_532 : i32 to index
    %swap3A_535 = arith.constant 64 : index
    %swap3A_536 = tpu.vector_load %arg6[%swap3A_533, %swap3A_534, %swap3A_535] {strides = array<i32>} : memref<8x2x128xf32, #tpu.memory_space<vmem>>, vector<16xf32>,
    tpu.vector_store %arg6[%swap3A_533, %swap3A_534, %swap3A_535], %sub3A_530 {strides = array<i32>} : memref<8x2x128xf32, #tpu.memory_space<vmem>>, vector<16xf32>,
    %select_n3A_537 = arith.select %eq3A_521, %broadcast_in_dim3A_39, %broadcast_in_dim3A_42 : vector<16xi1>, vector<16xf32>
    %select_n3A_538 = arith.select %eq3A_518, %broadcast_in_dim3A_36, %select_n3A_537 : vector<16xi1>, vector<16xf32>
    %get3A_539 = arith.constant 1 : i32
    %get3A_540 = arith.constant 1 : i32
    %get3A_541 = arith.index_cast %get3A_539 : i32 to index
    %get3A_542 = arith.index_cast %get3A_540 : i32 to index
    %get3A_543 = arith.constant 64 : index
    %get3A_544 = tpu.vector_load %arg6[%get3A_541, %get3A_542, %get3A_543] {strides = array<i32>} : memref<8x2x128xf32, #tpu.memory_space<vmem>>, vector<16xf32>,
    %sub3A_545 = arith.subf %get3A_544, %select_n3A_538 : vector<16xf32>
    %swap3A_546 = arith.constant 1 : i32
    %swap3A_547 = arith.constant 1 : i32
    %swap3A_548 = arith.index_cast %swap3A_546 : i32 to index
    %swap3A_549 = arith.index_cast %swap3A_547 : i32 to index
    %swap3A_550 = arith.constant 64 : index
    %swap3A_551 = tpu.vector_load %arg6[%swap3A_548, %swap3A_549, %swap3A_550] {strides = array<i32>} : memref<8x2x128xf32, #tpu.memory_space<vmem>>, vector<16xf32>,
    tpu.vector_store %arg6[%swap3A_548, %swap3A_549, %swap3A_550], %sub3A_545 {strides = array<i32>} : memref<8x2x128xf32, #tpu.memory_space<vmem>>, vector<16xf32>,
    %get3A_552 = arith.constant 208 : index
    %get3A_553 = tpu.vector_load %arg7[%get3A_552] {strides = array<i32>} : memref<1024xi32, #tpu.memory_space<vmem>>, vector<16xi32>,
    %eq3A_554 = arith.constant 0 : i32
    %eq3A_555 = vector.broadcast %eq3A_554 : i32 to vector<16xi32>
    %eq3A_556 = arith.cmpi eq, %get3A_553, %eq3A_555 : vector<16xi32>
    %eq3A_557 = arith.constant 1 : i32
    %eq3A_558 = vector.broadcast %eq3A_557 : i32 to vector<16xi32>
    %eq3A_559 = arith.cmpi eq, %get3A_553, %eq3A_558 : vector<16xi32>
    %select_n3A_560 = arith.select %eq3A_559, %broadcast_in_dim3A_30, %broadcast_in_dim3A_33 : vector<16xi1>, vector<16xf32>
    %select_n3A_561 = arith.select %eq3A_556, %broadcast_in_dim3A, %select_n3A_560 : vector<16xi1>, vector<16xf32>
    %get3A_562 = arith.constant 1 : i32
    %get3A_563 = arith.constant 0 : i32
    %get3A_564 = arith.index_cast %get3A_562 : i32 to index
    %get3A_565 = arith.index_cast %get3A_563 : i32 to index
    %get3A_566 = arith.constant 80 : index
    %get3A_567 = tpu.vector_load %arg6[%get3A_564, %get3A_565, %get3A_566] {strides = array<i32>} : memref<8x2x128xf32, #tpu.memory_space<vmem>>, vector<16xf32>,
    %sub3A_568 = arith.subf %get3A_567, %select_n3A_561 : vector<16xf32>
    %swap3A_569 = arith.constant 1 : i32
    %swap3A_570 = arith.constant 0 : i32
    %swap3A_571 = arith.index_cast %swap3A_569 : i32 to index
    %swap3A_572 = arith.index_cast %swap3A_570 : i32 to index
    %swap3A_573 = arith.constant 80 : index
    %swap3A_574 = tpu.vector_load %arg6[%swap3A_571, %swap3A_572, %swap3A_573] {strides = array<i32>} : memref<8x2x128xf32, #tpu.memory_space<vmem>>, vector<16xf32>,
    tpu.vector_store %arg6[%swap3A_571, %swap3A_572, %swap3A_573], %sub3A_568 {strides = array<i32>} : memref<8x2x128xf32, #tpu.memory_space<vmem>>, vector<16xf32>,
    %select_n3A_575 = arith.select %eq3A_559, %broadcast_in_dim3A_39, %broadcast_in_dim3A_42 : vector<16xi1>, vector<16xf32>
    %select_n3A_576 = arith.select %eq3A_556, %broadcast_in_dim3A_36, %select_n3A_575 : vector<16xi1>, vector<16xf32>
    %get3A_577 = arith.constant 1 : i32
    %get3A_578 = arith.constant 1 : i32
    %get3A_579 = arith.index_cast %get3A_577 : i32 to index
    %get3A_580 = arith.index_cast %get3A_578 : i32 to index
    %get3A_581 = arith.constant 80 : index
    %get3A_582 = tpu.vector_load %arg6[%get3A_579, %get3A_580, %get3A_581] {strides = array<i32>} : memref<8x2x128xf32, #tpu.memory_space<vmem>>, vector<16xf32>,
    %sub3A_583 = arith.subf %get3A_582, %select_n3A_576 : vector<16xf32>
    %swap3A_584 = arith.constant 1 : i32
    %swap3A_585 = arith.constant 1 : i32
    %swap3A_586 = arith.index_cast %swap3A_584 : i32 to index
    %swap3A_587 = arith.index_cast %swap3A_585 : i32 to index
    %swap3A_588 = arith.constant 80 : index
    %swap3A_589 = tpu.vector_load %arg6[%swap3A_586, %swap3A_587, %swap3A_588] {strides = array<i32>} : memref<8x2x128xf32, #tpu.memory_space<vmem>>, vector<16xf32>,
    tpu.vector_store %arg6[%swap3A_586, %swap3A_587, %swap3A_588], %sub3A_583 {strides = array<i32>} : memref<8x2x128xf32, #tpu.memory_space<vmem>>, vector<16xf32>,
    %get3A_590 = arith.constant 224 : index
    %get3A_591 = tpu.vector_load %arg7[%get3A_590] {strides = array<i32>} : memref<1024xi32, #tpu.memory_space<vmem>>, vector<16xi32>,
    %eq3A_592 = arith.constant 0 : i32
    %eq3A_593 = vector.broadcast %eq3A_592 : i32 to vector<16xi32>
    %eq3A_594 = arith.cmpi eq, %get3A_591, %eq3A_593 : vector<16xi32>
    %eq3A_595 = arith.constant 1 : i32
    %eq3A_596 = vector.broadcast %eq3A_595 : i32 to vector<16xi32>
    %eq3A_597 = arith.cmpi eq, %get3A_591, %eq3A_596 : vector<16xi32>
    %select_n3A_598 = arith.select %eq3A_597, %broadcast_in_dim3A_30, %broadcast_in_dim3A_33 : vector<16xi1>, vector<16xf32>
    %select_n3A_599 = arith.select %eq3A_594, %broadcast_in_dim3A, %select_n3A_598 : vector<16xi1>, vector<16xf32>
    %get3A_600 = arith.constant 1 : i32
    %get3A_601 = arith.constant 0 : i32
    %get3A_602 = arith.index_cast %get3A_600 : i32 to index
    %get3A_603 = arith.index_cast %get3A_601 : i32 to index
    %get3A_604 = arith.constant 96 : index
    %get3A_605 = tpu.vector_load %arg6[%get3A_602, %get3A_603, %get3A_604] {strides = array<i32>} : memref<8x2x128xf32, #tpu.memory_space<vmem>>, vector<16xf32>,
    %sub3A_606 = arith.subf %get3A_605, %select_n3A_599 : vector<16xf32>
    %swap3A_607 = arith.constant 1 : i32
    %swap3A_608 = arith.constant 0 : i32
    %swap3A_609 = arith.index_cast %swap3A_607 : i32 to index
    %swap3A_610 = arith.index_cast %swap3A_608 : i32 to index
    %swap3A_611 = arith.constant 96 : index
    %swap3A_612 = tpu.vector_load %arg6[%swap3A_609, %swap3A_610, %swap3A_611] {strides = array<i32>} : memref<8x2x128xf32, #tpu.memory_space<vmem>>, vector<16xf32>,
    tpu.vector_store %arg6[%swap3A_609, %swap3A_610, %swap3A_611], %sub3A_606 {strides = array<i32>} : memref<8x2x128xf32, #tpu.memory_space<vmem>>, vector<16xf32>,
    %select_n3A_613 = arith.select %eq3A_597, %broadcast_in_dim3A_39, %broadcast_in_dim3A_42 : vector<16xi1>, vector<16xf32>
    %select_n3A_614 = arith.select %eq3A_594, %broadcast_in_dim3A_36, %select_n3A_613 : vector<16xi1>, vector<16xf32>
    %get3A_615 = arith.constant 1 : i32
    %get3A_616 = arith.constant 1 : i32
    %get3A_617 = arith.index_cast %get3A_615 : i32 to index
    %get3A_618 = arith.index_cast %get3A_616 : i32 to index
    %get3A_619 = arith.constant 96 : index
    %get3A_620 = tpu.vector_load %arg6[%get3A_617, %get3A_618, %get3A_619] {strides = array<i32>} : memref<8x2x128xf32, #tpu.memory_space<vmem>>, vector<16xf32>,
    %sub3A_621 = arith.subf %get3A_620, %select_n3A_614 : vector<16xf32>
    %swap3A_622 = arith.constant 1 : i32
    %swap3A_623 = arith.constant 1 : i32
    %swap3A_624 = arith.index_cast %swap3A_622 : i32 to index
    %swap3A_625 = arith.index_cast %swap3A_623 : i32 to index
    %swap3A_626 = arith.constant 96 : index
    %swap3A_627 = tpu.vector_load %arg6[%swap3A_624, %swap3A_625, %swap3A_626] {strides = array<i32>} : memref<8x2x128xf32, #tpu.memory_space<vmem>>, vector<16xf32>,
    tpu.vector_store %arg6[%swap3A_624, %swap3A_625, %swap3A_626], %sub3A_621 {strides = array<i32>} : memref<8x2x128xf32, #tpu.memory_space<vmem>>, vector<16xf32>,
    %get3A_628 = arith.constant 240 : index
    %get3A_629 = tpu.vector_load %arg7[%get3A_628] {strides = array<i32>} : memref<1024xi32, #tpu.memory_space<vmem>>, vector<16xi32>,
    %eq3A_630 = arith.constant 0 : i32
    %eq3A_631 = vector.broadcast %eq3A_630 : i32 to vector<16xi32>
    %eq3A_632 = arith.cmpi eq, %get3A_629, %eq3A_631 : vector<16xi32>
    %eq3A_633 = arith.constant 1 : i32
    %eq3A_634 = vector.broadcast %eq3A_633 : i32 to vector<16xi32>
    %eq3A_635 = arith.cmpi eq, %get3A_629, %eq3A_634 : vector<16xi32>
    %select_n3A_636 = arith.select %eq3A_635, %broadcast_in_dim3A_30, %broadcast_in_dim3A_33 : vector<16xi1>, vector<16xf32>
    %select_n3A_637 = arith.select %eq3A_632, %broadcast_in_dim3A, %select_n3A_636 : vector<16xi1>, vector<16xf32>
    %get3A_638 = arith.constant 1 : i32
    %get3A_639 = arith.constant 0 : i32
    %get3A_640 = arith.index_cast %get3A_638 : i32 to index
    %get3A_641 = arith.index_cast %get3A_639 : i32 to index
    %get3A_642 = arith.constant 112 : index
    %get3A_643 = tpu.vector_load %arg6[%get3A_640, %get3A_641, %get3A_642] {strides = array<i32>} : memref<8x2x128xf32, #tpu.memory_space<vmem>>, vector<16xf32>,
    %sub3A_644 = arith.subf %get3A_643, %select_n3A_637 : vector<16xf32>
    %swap3A_645 = arith.constant 1 : i32
    %swap3A_646 = arith.constant 0 : i32
    %swap3A_647 = arith.index_cast %swap3A_645 : i32 to index
    %swap3A_648 = arith.index_cast %swap3A_646 : i32 to index
    %swap3A_649 = arith.constant 112 : index
    %swap3A_650 = tpu.vector_load %arg6[%swap3A_647, %swap3A_648, %swap3A_649] {strides = array<i32>} : memref<8x2x128xf32, #tpu.memory_space<vmem>>, vector<16xf32>,
    tpu.vector_store %arg6[%swap3A_647, %swap3A_648, %swap3A_649], %sub3A_644 {strides = array<i32>} : memref<8x2x128xf32, #tpu.memory_space<vmem>>, vector<16xf32>,
    %select_n3A_651 = arith.select %eq3A_635, %broadcast_in_dim3A_39, %broadcast_in_dim3A_42 : vector<16xi1>, vector<16xf32>
    %select_n3A_652 = arith.select %eq3A_632, %broadcast_in_dim3A_36, %select_n3A_651 : vector<16xi1>, vector<16xf32>
    %get3A_653 = arith.constant 1 : i32
    %get3A_654 = arith.constant 1 : i32
    %get3A_655 = arith.index_cast %get3A_653 : i32 to index
    %get3A_656 = arith.index_cast %get3A_654 : i32 to index
    %get3A_657 = arith.constant 112 : index
    %get3A_658 = tpu.vector_load %arg6[%get3A_655, %get3A_656, %get3A_657] {strides = array<i32>} : memref<8x2x128xf32, #tpu.memory_space<vmem>>, vector<16xf32>,
    %sub3A_659 = arith.subf %get3A_658, %select_n3A_652 : vector<16xf32>
    %swap3A_660 = arith.constant 1 : i32
    %swap3A_661 = arith.constant 1 : i32
    %swap3A_662 = arith.index_cast %swap3A_660 : i32 to index
    %swap3A_663 = arith.index_cast %swap3A_661 : i32 to index
    %swap3A_664 = arith.constant 112 : index
    %swap3A_665 = tpu.vector_load %arg6[%swap3A_662, %swap3A_663, %swap3A_664] {strides = array<i32>} : memref<8x2x128xf32, #tpu.memory_space<vmem>>, vector<16xf32>,
    tpu.vector_store %arg6[%swap3A_662, %swap3A_663, %swap3A_664], %sub3A_659 {strides = array<i32>} : memref<8x2x128xf32, #tpu.memory_space<vmem>>, vector<16xf32>,
    %add3A_666 = arith.constant 1 : i32
    %add3A_667 = arith.addi %mul3A_2, %add3A_666 : i32
    %dma_start3A_668 = arith.constant 1 : i32
    %dma_start3A_669 = arith.constant 0 : i32
    %dma_start3A_670 = arith.constant 0 : i32
    %dma_start3A_671 = tpu.memref_slice %arg6[%dma_start3A_668, %dma_start3A_669, %dma_start3A_670] : memref<8x2x128xf32, #tpu.memory_space<vmem>> -> memref<1x2x128xf32, #tpu.memory_space<vmem>>
    %dma_start3A_672 = tpu.memref_squeeze %dma_start3A_671 : memref<1x2x128xf32, #tpu.memory_space<vmem>> -> memref<2x128xf32, #tpu.memory_space<vmem>>
    %dma_start3A_673 = arith.constant 0 : i32
    %dma_start3A_674 = arith.constant 0 : i32
    %dma_start3A_675 = tpu.memref_slice %arg5[%add3A_667, %dma_start3A_673, %dma_start3A_674] : memref<128x2x128xf32, #tpu.memory_space<hbm>> -> memref<1x2x128xf32, #tpu.memory_space<hbm>>
    %dma_start3A_676 = tpu.memref_squeeze %dma_start3A_675 : memref<1x2x128xf32, #tpu.memory_space<hbm>> -> memref<2x128xf32, #tpu.memory_space<hbm>>
    %dma_start3A_677 = arith.constant 0 : i32
    %dma_start3A_678 = arith.constant 0 : i32
    %dma_start3A_679 = tpu.memref_slice %arg5[%add3A_667, %dma_start3A_677, %dma_start3A_678] : memref<128x2x128xf32, #tpu.memory_space<hbm>> -> memref<1x2x128xf32, #tpu.memory_space<hbm>>
    %dma_start3A_680 = tpu.memref_squeeze %dma_start3A_679 : memref<1x2x128xf32, #tpu.memory_space<hbm>> -> memref<2x128xf32, #tpu.memory_space<hbm>>
    %dma_start3A_681 = arith.constant 0 : i32
    %dma_start3A_682 = arith.constant 0 : i32
    %dma_start3A_683 = tpu.memref_slice %arg6[%dma_start3A_668, %dma_start3A_681, %dma_start3A_682] : memref<8x2x128xf32, #tpu.memory_space<vmem>> -> memref<1x2x128xf32, #tpu.memory_space<vmem>>
    %dma_start3A_684 = tpu.memref_squeeze %dma_start3A_683 : memref<1x2x128xf32, #tpu.memory_space<vmem>> -> memref<2x128xf32, #tpu.memory_space<vmem>>
    tpu.enqueue_dma source(%dma_start3A_684 : memref<2x128xf32, #tpu.memory_space<vmem>>) target(%dma_start3A_680 : memref<2x128xf32, #tpu.memory_space<hbm>>) target_semaphore(%arg9 : memref<!tpu.dma_semaphore, #tpu.memory_space<semaphore_mem>>)
    %get3A_685 = arith.constant 256 : index
    %get3A_686 = tpu.vector_load %arg7[%get3A_685] {strides = array<i32>} : memref<1024xi32, #tpu.memory_space<vmem>>, vector<16xi32>,
    %eq3A_687 = arith.constant 0 : i32
    %eq3A_688 = vector.broadcast %eq3A_687 : i32 to vector<16xi32>
    %eq3A_689 = arith.cmpi eq, %get3A_686, %eq3A_688 : vector<16xi32>
    %eq3A_690 = arith.constant 1 : i32
    %eq3A_691 = vector.broadcast %eq3A_690 : i32 to vector<16xi32>
    %eq3A_692 = arith.cmpi eq, %get3A_686, %eq3A_691 : vector<16xi32>
    %select_n3A_693 = arith.select %eq3A_692, %broadcast_in_dim3A_30, %broadcast_in_dim3A_33 : vector<16xi1>, vector<16xf32>
    %select_n3A_694 = arith.select %eq3A_689, %broadcast_in_dim3A, %select_n3A_693 : vector<16xi1>, vector<16xf32>
    %get3A_695 = arith.constant 2 : i32
    %get3A_696 = arith.constant 0 : i32
    %get3A_697 = arith.index_cast %get3A_695 : i32 to index
    %get3A_698 = arith.index_cast %get3A_696 : i32 to index
    %get3A_699 = arith.constant 0 : index
    %get3A_700 = tpu.vector_load %arg6[%get3A_697, %get3A_698, %get3A_699] {strides = array<i32>} : memref<8x2x128xf32, #tpu.memory_space<vmem>>, vector<16xf32>,
    %sub3A_701 = arith.subf %get3A_700, %select_n3A_694 : vector<16xf32>
    %swap3A_702 = arith.constant 2 : i32
    %swap3A_703 = arith.constant 0 : i32
    %swap3A_704 = arith.index_cast %swap3A_702 : i32 to index
    %swap3A_705 = arith.index_cast %swap3A_703 : i32 to index
    %swap3A_706 = arith.constant 0 : index
    %swap3A_707 = tpu.vector_load %arg6[%swap3A_704, %swap3A_705, %swap3A_706] {strides = array<i32>} : memref<8x2x128xf32, #tpu.memory_space<vmem>>, vector<16xf32>,
    tpu.vector_store %arg6[%swap3A_704, %swap3A_705, %swap3A_706], %sub3A_701 {strides = array<i32>} : memref<8x2x128xf32, #tpu.memory_space<vmem>>, vector<16xf32>,
    %select_n3A_708 = arith.select %eq3A_692, %broadcast_in_dim3A_39, %broadcast_in_dim3A_42 : vector<16xi1>, vector<16xf32>
    %select_n3A_709 = arith.select %eq3A_689, %broadcast_in_dim3A_36, %select_n3A_708 : vector<16xi1>, vector<16xf32>
    %get3A_710 = arith.constant 2 : i32
    %get3A_711 = arith.constant 1 : i32
    %get3A_712 = arith.index_cast %get3A_710 : i32 to index
    %get3A_713 = arith.index_cast %get3A_711 : i32 to index
    %get3A_714 = arith.constant 0 : index
    %get3A_715 = tpu.vector_load %arg6[%get3A_712, %get3A_713, %get3A_714] {strides = array<i32>} : memref<8x2x128xf32, #tpu.memory_space<vmem>>, vector<16xf32>,
    %sub3A_716 = arith.subf %get3A_715, %select_n3A_709 : vector<16xf32>
    %swap3A_717 = arith.constant 2 : i32
    %swap3A_718 = arith.constant 1 : i32
    %swap3A_719 = arith.index_cast %swap3A_717 : i32 to index
    %swap3A_720 = arith.index_cast %swap3A_718 : i32 to index
    %swap3A_721 = arith.constant 0 : index
    %swap3A_722 = tpu.vector_load %arg6[%swap3A_719, %swap3A_720, %swap3A_721] {strides = array<i32>} : memref<8x2x128xf32, #tpu.memory_space<vmem>>, vector<16xf32>,
    tpu.vector_store %arg6[%swap3A_719, %swap3A_720, %swap3A_721], %sub3A_716 {strides = array<i32>} : memref<8x2x128xf32, #tpu.memory_space<vmem>>, vector<16xf32>,
    %get3A_723 = arith.constant 272 : index
    %get3A_724 = tpu.vector_load %arg7[%get3A_723] {strides = array<i32>} : memref<1024xi32, #tpu.memory_space<vmem>>, vector<16xi32>,
    %eq3A_725 = arith.constant 0 : i32
    %eq3A_726 = vector.broadcast %eq3A_725 : i32 to vector<16xi32>
    %eq3A_727 = arith.cmpi eq, %get3A_724, %eq3A_726 : vector<16xi32>
    %eq3A_728 = arith.constant 1 : i32
    %eq3A_729 = vector.broadcast %eq3A_728 : i32 to vector<16xi32>
    %eq3A_730 = arith.cmpi eq, %get3A_724, %eq3A_729 : vector<16xi32>
    %select_n3A_731 = arith.select %eq3A_730, %broadcast_in_dim3A_30, %broadcast_in_dim3A_33 : vector<16xi1>, vector<16xf32>
    %select_n3A_732 = arith.select %eq3A_727, %broadcast_in_dim3A, %select_n3A_731 : vector<16xi1>, vector<16xf32>
    %get3A_733 = arith.constant 2 : i32
    %get3A_734 = arith.constant 0 : i32
    %get3A_735 = arith.index_cast %get3A_733 : i32 to index
    %get3A_736 = arith.index_cast %get3A_734 : i32 to index
    %get3A_737 = arith.constant 16 : index
    %get3A_738 = tpu.vector_load %arg6[%get3A_735, %get3A_736, %get3A_737] {strides = array<i32>} : memref<8x2x128xf32, #tpu.memory_space<vmem>>, vector<16xf32>,
    %sub3A_739 = arith.subf %get3A_738, %select_n3A_732 : vector<16xf32>
    %swap3A_740 = arith.constant 2 : i32
    %swap3A_741 = arith.constant 0 : i32
    %swap3A_742 = arith.index_cast %swap3A_740 : i32 to index
    %swap3A_743 = arith.index_cast %swap3A_741 : i32 to index
    %swap3A_744 = arith.constant 16 : index
    %swap3A_745 = tpu.vector_load %arg6[%swap3A_742, %swap3A_743, %swap3A_744] {strides = array<i32>} : memref<8x2x128xf32, #tpu.memory_space<vmem>>, vector<16xf32>,
    tpu.vector_store %arg6[%swap3A_742, %swap3A_743, %swap3A_744], %sub3A_739 {strides = array<i32>} : memref<8x2x128xf32, #tpu.memory_space<vmem>>, vector<16xf32>,
    %select_n3A_746 = arith.select %eq3A_730, %broadcast_in_dim3A_39, %broadcast_in_dim3A_42 : vector<16xi1>, vector<16xf32>
    %select_n3A_747 = arith.select %eq3A_727, %broadcast_in_dim3A_36, %select_n3A_746 : vector<16xi1>, vector<16xf32>
    %get3A_748 = arith.constant 2 : i32
    %get3A_749 = arith.constant 1 : i32
    %get3A_750 = arith.index_cast %get3A_748 : i32 to index
    %get3A_751 = arith.index_cast %get3A_749 : i32 to index
    %get3A_752 = arith.constant 16 : index
    %get3A_753 = tpu.vector_load %arg6[%get3A_750, %get3A_751, %get3A_752] {strides = array<i32>} : memref<8x2x128xf32, #tpu.memory_space<vmem>>, vector<16xf32>,
    %sub3A_754 = arith.subf %get3A_753, %select_n3A_747 : vector<16xf32>
    %swap3A_755 = arith.constant 2 : i32
    %swap3A_756 = arith.constant 1 : i32
    %swap3A_757 = arith.index_cast %swap3A_755 : i32 to index
    %swap3A_758 = arith.index_cast %swap3A_756 : i32 to index
    %swap3A_759 = arith.constant 16 : index
    %swap3A_760 = tpu.vector_load %arg6[%swap3A_757, %swap3A_758, %swap3A_759] {strides = array<i32>} : memref<8x2x128xf32, #tpu.memory_space<vmem>>, vector<16xf32>,
    tpu.vector_store %arg6[%swap3A_757, %swap3A_758, %swap3A_759], %sub3A_754 {strides = array<i32>} : memref<8x2x128xf32, #tpu.memory_space<vmem>>, vector<16xf32>,
    %get3A_761 = arith.constant 288 : index
    %get3A_762 = tpu.vector_load %arg7[%get3A_761] {strides = array<i32>} : memref<1024xi32, #tpu.memory_space<vmem>>, vector<16xi32>,
    %eq3A_763 = arith.constant 0 : i32
    %eq3A_764 = vector.broadcast %eq3A_763 : i32 to vector<16xi32>
    %eq3A_765 = arith.cmpi eq, %get3A_762, %eq3A_764 : vector<16xi32>
    %eq3A_766 = arith.constant 1 : i32
    %eq3A_767 = vector.broadcast %eq3A_766 : i32 to vector<16xi32>
    %eq3A_768 = arith.cmpi eq, %get3A_762, %eq3A_767 : vector<16xi32>
    %select_n3A_769 = arith.select %eq3A_768, %broadcast_in_dim3A_30, %broadcast_in_dim3A_33 : vector<16xi1>, vector<16xf32>
    %select_n3A_770 = arith.select %eq3A_765, %broadcast_in_dim3A, %select_n3A_769 : vector<16xi1>, vector<16xf32>
    %get3A_771 = arith.constant 2 : i32
    %get3A_772 = arith.constant 0 : i32
    %get3A_773 = arith.index_cast %get3A_771 : i32 to index
    %get3A_774 = arith.index_cast %get3A_772 : i32 to index
    %get3A_775 = arith.constant 32 : index
    %get3A_776 = tpu.vector_load %arg6[%get3A_773, %get3A_774, %get3A_775] {strides = array<i32>} : memref<8x2x128xf32, #tpu.memory_space<vmem>>, vector<16xf32>,
    %sub3A_777 = arith.subf %get3A_776, %select_n3A_770 : vector<16xf32>
    %swap3A_778 = arith.constant 2 : i32
    %swap3A_779 = arith.constant 0 : i32
    %swap3A_780 = arith.index_cast %swap3A_778 : i32 to index
    %swap3A_781 = arith.index_cast %swap3A_779 : i32 to index
    %swap3A_782 = arith.constant 32 : index
    %swap3A_783 = tpu.vector_load %arg6[%swap3A_780, %swap3A_781, %swap3A_782] {strides = array<i32>} : memref<8x2x128xf32, #tpu.memory_space<vmem>>, vector<16xf32>,
    tpu.vector_store %arg6[%swap3A_780, %swap3A_781, %swap3A_782], %sub3A_777 {strides = array<i32>} : memref<8x2x128xf32, #tpu.memory_space<vmem>>, vector<16xf32>,
    %select_n3A_784 = arith.select %eq3A_768, %broadcast_in_dim3A_39, %broadcast_in_dim3A_42 : vector<16xi1>, vector<16xf32>
    %select_n3A_785 = arith.select %eq3A_765, %broadcast_in_dim3A_36, %select_n3A_784 : vector<16xi1>, vector<16xf32>
    %get3A_786 = arith.constant 2 : i32
    %get3A_787 = arith.constant 1 : i32
    %get3A_788 = arith.index_cast %get3A_786 : i32 to index
    %get3A_789 = arith.index_cast %get3A_787 : i32 to index
    %get3A_790 = arith.constant 32 : index
    %get3A_791 = tpu.vector_load %arg6[%get3A_788, %get3A_789, %get3A_790] {strides = array<i32>} : memref<8x2x128xf32, #tpu.memory_space<vmem>>, vector<16xf32>,
    %sub3A_792 = arith.subf %get3A_791, %select_n3A_785 : vector<16xf32>
    %swap3A_793 = arith.constant 2 : i32
    %swap3A_794 = arith.constant 1 : i32
    %swap3A_795 = arith.index_cast %swap3A_793 : i32 to index
    %swap3A_796 = arith.index_cast %swap3A_794 : i32 to index
    %swap3A_797 = arith.constant 32 : index
    %swap3A_798 = tpu.vector_load %arg6[%swap3A_795, %swap3A_796, %swap3A_797] {strides = array<i32>} : memref<8x2x128xf32, #tpu.memory_space<vmem>>, vector<16xf32>,
    tpu.vector_store %arg6[%swap3A_795, %swap3A_796, %swap3A_797], %sub3A_792 {strides = array<i32>} : memref<8x2x128xf32, #tpu.memory_space<vmem>>, vector<16xf32>,
    %get3A_799 = arith.constant 304 : index
    %get3A_800 = tpu.vector_load %arg7[%get3A_799] {strides = array<i32>} : memref<1024xi32, #tpu.memory_space<vmem>>, vector<16xi32>,
    %eq3A_801 = arith.constant 0 : i32
    %eq3A_802 = vector.broadcast %eq3A_801 : i32 to vector<16xi32>
    %eq3A_803 = arith.cmpi eq, %get3A_800, %eq3A_802 : vector<16xi32>
    %eq3A_804 = arith.constant 1 : i32
    %eq3A_805 = vector.broadcast %eq3A_804 : i32 to vector<16xi32>
    %eq3A_806 = arith.cmpi eq, %get3A_800, %eq3A_805 : vector<16xi32>
    %select_n3A_807 = arith.select %eq3A_806, %broadcast_in_dim3A_30, %broadcast_in_dim3A_33 : vector<16xi1>, vector<16xf32>
    %select_n3A_808 = arith.select %eq3A_803, %broadcast_in_dim3A, %select_n3A_807 : vector<16xi1>, vector<16xf32>
    %get3A_809 = arith.constant 2 : i32
    %get3A_810 = arith.constant 0 : i32
    %get3A_811 = arith.index_cast %get3A_809 : i32 to index
    %get3A_812 = arith.index_cast %get3A_810 : i32 to index
    %get3A_813 = arith.constant 48 : index
    %get3A_814 = tpu.vector_load %arg6[%get3A_811, %get3A_812, %get3A_813] {strides = array<i32>} : memref<8x2x128xf32, #tpu.memory_space<vmem>>, vector<16xf32>,
    %sub3A_815 = arith.subf %get3A_814, %select_n3A_808 : vector<16xf32>
    %swap3A_816 = arith.constant 2 : i32
    %swap3A_817 = arith.constant 0 : i32
    %swap3A_818 = arith.index_cast %swap3A_816 : i32 to index
    %swap3A_819 = arith.index_cast %swap3A_817 : i32 to index
    %swap3A_820 = arith.constant 48 : index
    %swap3A_821 = tpu.vector_load %arg6[%swap3A_818, %swap3A_819, %swap3A_820] {strides = array<i32>} : memref<8x2x128xf32, #tpu.memory_space<vmem>>, vector<16xf32>,
    tpu.vector_store %arg6[%swap3A_818, %swap3A_819, %swap3A_820], %sub3A_815 {strides = array<i32>} : memref<8x2x128xf32, #tpu.memory_space<vmem>>, vector<16xf32>,
    %select_n3A_822 = arith.select %eq3A_806, %broadcast_in_dim3A_39, %broadcast_in_dim3A_42 : vector<16xi1>, vector<16xf32>
    %select_n3A_823 = arith.select %eq3A_803, %broadcast_in_dim3A_36, %select_n3A_822 : vector<16xi1>, vector<16xf32>
    %get3A_824 = arith.constant 2 : i32
    %get3A_825 = arith.constant 1 : i32
    %get3A_826 = arith.index_cast %get3A_824 : i32 to index
    %get3A_827 = arith.index_cast %get3A_825 : i32 to index
    %get3A_828 = arith.constant 48 : index
    %get3A_829 = tpu.vector_load %arg6[%get3A_826, %get3A_827, %get3A_828] {strides = array<i32>} : memref<8x2x128xf32, #tpu.memory_space<vmem>>, vector<16xf32>,
    %sub3A_830 = arith.subf %get3A_829, %select_n3A_823 : vector<16xf32>
    %swap3A_831 = arith.constant 2 : i32
    %swap3A_832 = arith.constant 1 : i32
    %swap3A_833 = arith.index_cast %swap3A_831 : i32 to index
    %swap3A_834 = arith.index_cast %swap3A_832 : i32 to index
    %swap3A_835 = arith.constant 48 : index
    %swap3A_836 = tpu.vector_load %arg6[%swap3A_833, %swap3A_834, %swap3A_835] {strides = array<i32>} : memref<8x2x128xf32, #tpu.memory_space<vmem>>, vector<16xf32>,
    tpu.vector_store %arg6[%swap3A_833, %swap3A_834, %swap3A_835], %sub3A_830 {strides = array<i32>} : memref<8x2x128xf32, #tpu.memory_space<vmem>>, vector<16xf32>,
    %get3A_837 = arith.constant 320 : index
    %get3A_838 = tpu.vector_load %arg7[%get3A_837] {strides = array<i32>} : memref<1024xi32, #tpu.memory_space<vmem>>, vector<16xi32>,
    %eq3A_839 = arith.constant 0 : i32
    %eq3A_840 = vector.broadcast %eq3A_839 : i32 to vector<16xi32>
    %eq3A_841 = arith.cmpi eq, %get3A_838, %eq3A_840 : vector<16xi32>
    %eq3A_842 = arith.constant 1 : i32
    %eq3A_843 = vector.broadcast %eq3A_842 : i32 to vector<16xi32>
    %eq3A_844 = arith.cmpi eq, %get3A_838, %eq3A_843 : vector<16xi32>
    %select_n3A_845 = arith.select %eq3A_844, %broadcast_in_dim3A_30, %broadcast_in_dim3A_33 : vector<16xi1>, vector<16xf32>
    %select_n3A_846 = arith.select %eq3A_841, %broadcast_in_dim3A, %select_n3A_845 : vector<16xi1>, vector<16xf32>
    %get3A_847 = arith.constant 2 : i32
    %get3A_848 = arith.constant 0 : i32
    %get3A_849 = arith.index_cast %get3A_847 : i32 to index
    %get3A_850 = arith.index_cast %get3A_848 : i32 to index
    %get3A_851 = arith.constant 64 : index
    %get3A_852 = tpu.vector_load %arg6[%get3A_849, %get3A_850, %get3A_851] {strides = array<i32>} : memref<8x2x128xf32, #tpu.memory_space<vmem>>, vector<16xf32>,
    %sub3A_853 = arith.subf %get3A_852, %select_n3A_846 : vector<16xf32>
    %swap3A_854 = arith.constant 2 : i32
    %swap3A_855 = arith.constant 0 : i32
    %swap3A_856 = arith.index_cast %swap3A_854 : i32 to index
    %swap3A_857 = arith.index_cast %swap3A_855 : i32 to index
    %swap3A_858 = arith.constant 64 : index
    %swap3A_859 = tpu.vector_load %arg6[%swap3A_856, %swap3A_857, %swap3A_858] {strides = array<i32>} : memref<8x2x128xf32, #tpu.memory_space<vmem>>, vector<16xf32>,
    tpu.vector_store %arg6[%swap3A_856, %swap3A_857, %swap3A_858], %sub3A_853 {strides = array<i32>} : memref<8x2x128xf32, #tpu.memory_space<vmem>>, vector<16xf32>,
    %select_n3A_860 = arith.select %eq3A_844, %broadcast_in_dim3A_39, %broadcast_in_dim3A_42 : vector<16xi1>, vector<16xf32>
    %select_n3A_861 = arith.select %eq3A_841, %broadcast_in_dim3A_36, %select_n3A_860 : vector<16xi1>, vector<16xf32>
    %get3A_862 = arith.constant 2 : i32
    %get3A_863 = arith.constant 1 : i32
    %get3A_864 = arith.index_cast %get3A_862 : i32 to index
    %get3A_865 = arith.index_cast %get3A_863 : i32 to index
    %get3A_866 = arith.constant 64 : index
    %get3A_867 = tpu.vector_load %arg6[%get3A_864, %get3A_865, %get3A_866] {strides = array<i32>} : memref<8x2x128xf32, #tpu.memory_space<vmem>>, vector<16xf32>,
    %sub3A_868 = arith.subf %get3A_867, %select_n3A_861 : vector<16xf32>
    %swap3A_869 = arith.constant 2 : i32
    %swap3A_870 = arith.constant 1 : i32
    %swap3A_871 = arith.index_cast %swap3A_869 : i32 to index
    %swap3A_872 = arith.index_cast %swap3A_870 : i32 to index
    %swap3A_873 = arith.constant 64 : index
    %swap3A_874 = tpu.vector_load %arg6[%swap3A_871, %swap3A_872, %swap3A_873] {strides = array<i32>} : memref<8x2x128xf32, #tpu.memory_space<vmem>>, vector<16xf32>,
    tpu.vector_store %arg6[%swap3A_871, %swap3A_872, %swap3A_873], %sub3A_868 {strides = array<i32>} : memref<8x2x128xf32, #tpu.memory_space<vmem>>, vector<16xf32>,
    %get3A_875 = arith.constant 336 : index
    %get3A_876 = tpu.vector_load %arg7[%get3A_875] {strides = array<i32>} : memref<1024xi32, #tpu.memory_space<vmem>>, vector<16xi32>,
    %eq3A_877 = arith.constant 0 : i32
    %eq3A_878 = vector.broadcast %eq3A_877 : i32 to vector<16xi32>
    %eq3A_879 = arith.cmpi eq, %get3A_876, %eq3A_878 : vector<16xi32>
    %eq3A_880 = arith.constant 1 : i32
    %eq3A_881 = vector.broadcast %eq3A_880 : i32 to vector<16xi32>
    %eq3A_882 = arith.cmpi eq, %get3A_876, %eq3A_881 : vector<16xi32>
    %select_n3A_883 = arith.select %eq3A_882, %broadcast_in_dim3A_30, %broadcast_in_dim3A_33 : vector<16xi1>, vector<16xf32>
    %select_n3A_884 = arith.select %eq3A_879, %broadcast_in_dim3A, %select_n3A_883 : vector<16xi1>, vector<16xf32>
    %get3A_885 = arith.constant 2 : i32
    %get3A_886 = arith.constant 0 : i32
    %get3A_887 = arith.index_cast %get3A_885 : i32 to index
    %get3A_888 = arith.index_cast %get3A_886 : i32 to index
    %get3A_889 = arith.constant 80 : index
    %get3A_890 = tpu.vector_load %arg6[%get3A_887, %get3A_888, %get3A_889] {strides = array<i32>} : memref<8x2x128xf32, #tpu.memory_space<vmem>>, vector<16xf32>,
    %sub3A_891 = arith.subf %get3A_890, %select_n3A_884 : vector<16xf32>
    %swap3A_892 = arith.constant 2 : i32
    %swap3A_893 = arith.constant 0 : i32
    %swap3A_894 = arith.index_cast %swap3A_892 : i32 to index
    %swap3A_895 = arith.index_cast %swap3A_893 : i32 to index
    %swap3A_896 = arith.constant 80 : index
    %swap3A_897 = tpu.vector_load %arg6[%swap3A_894, %swap3A_895, %swap3A_896] {strides = array<i32>} : memref<8x2x128xf32, #tpu.memory_space<vmem>>, vector<16xf32>,
    tpu.vector_store %arg6[%swap3A_894, %swap3A_895, %swap3A_896], %sub3A_891 {strides = array<i32>} : memref<8x2x128xf32, #tpu.memory_space<vmem>>, vector<16xf32>,
    %select_n3A_898 = arith.select %eq3A_882, %broadcast_in_dim3A_39, %broadcast_in_dim3A_42 : vector<16xi1>, vector<16xf32>
    %select_n3A_899 = arith.select %eq3A_879, %broadcast_in_dim3A_36, %select_n3A_898 : vector<16xi1>, vector<16xf32>
    %get3A_900 = arith.constant 2 : i32
    %get3A_901 = arith.constant 1 : i32
    %get3A_902 = arith.index_cast %get3A_900 : i32 to index
    %get3A_903 = arith.index_cast %get3A_901 : i32 to index
    %get3A_904 = arith.constant 80 : index
    %get3A_905 = tpu.vector_load %arg6[%get3A_902, %get3A_903, %get3A_904] {strides = array<i32>} : memref<8x2x128xf32, #tpu.memory_space<vmem>>, vector<16xf32>,
    %sub3A_906 = arith.subf %get3A_905, %select_n3A_899 : vector<16xf32>
    %swap3A_907 = arith.constant 2 : i32
    %swap3A_908 = arith.constant 1 : i32
    %swap3A_909 = arith.index_cast %swap3A_907 : i32 to index
    %swap3A_910 = arith.index_cast %swap3A_908 : i32 to index
    %swap3A_911 = arith.constant 80 : index
    %swap3A_912 = tpu.vector_load %arg6[%swap3A_909, %swap3A_910, %swap3A_911] {strides = array<i32>} : memref<8x2x128xf32, #tpu.memory_space<vmem>>, vector<16xf32>,
    tpu.vector_store %arg6[%swap3A_909, %swap3A_910, %swap3A_911], %sub3A_906 {strides = array<i32>} : memref<8x2x128xf32, #tpu.memory_space<vmem>>, vector<16xf32>,
    %get3A_913 = arith.constant 352 : index
    %get3A_914 = tpu.vector_load %arg7[%get3A_913] {strides = array<i32>} : memref<1024xi32, #tpu.memory_space<vmem>>, vector<16xi32>,
    %eq3A_915 = arith.constant 0 : i32
    %eq3A_916 = vector.broadcast %eq3A_915 : i32 to vector<16xi32>
    %eq3A_917 = arith.cmpi eq, %get3A_914, %eq3A_916 : vector<16xi32>
    %eq3A_918 = arith.constant 1 : i32
    %eq3A_919 = vector.broadcast %eq3A_918 : i32 to vector<16xi32>
    %eq3A_920 = arith.cmpi eq, %get3A_914, %eq3A_919 : vector<16xi32>
    %select_n3A_921 = arith.select %eq3A_920, %broadcast_in_dim3A_30, %broadcast_in_dim3A_33 : vector<16xi1>, vector<16xf32>
    %select_n3A_922 = arith.select %eq3A_917, %broadcast_in_dim3A, %select_n3A_921 : vector<16xi1>, vector<16xf32>
    %get3A_923 = arith.constant 2 : i32
    %get3A_924 = arith.constant 0 : i32
    %get3A_925 = arith.index_cast %get3A_923 : i32 to index
    %get3A_926 = arith.index_cast %get3A_924 : i32 to index
    %get3A_927 = arith.constant 96 : index
    %get3A_928 = tpu.vector_load %arg6[%get3A_925, %get3A_926, %get3A_927] {strides = array<i32>} : memref<8x2x128xf32, #tpu.memory_space<vmem>>, vector<16xf32>,
    %sub3A_929 = arith.subf %get3A_928, %select_n3A_922 : vector<16xf32>
    %swap3A_930 = arith.constant 2 : i32
    %swap3A_931 = arith.constant 0 : i32
    %swap3A_932 = arith.index_cast %swap3A_930 : i32 to index
    %swap3A_933 = arith.index_cast %swap3A_931 : i32 to index
    %swap3A_934 = arith.constant 96 : index
    %swap3A_935 = tpu.vector_load %arg6[%swap3A_932, %swap3A_933, %swap3A_934] {strides = array<i32>} : memref<8x2x128xf32, #tpu.memory_space<vmem>>, vector<16xf32>,
    tpu.vector_store %arg6[%swap3A_932, %swap3A_933, %swap3A_934], %sub3A_929 {strides = array<i32>} : memref<8x2x128xf32, #tpu.memory_space<vmem>>, vector<16xf32>,
    %select_n3A_936 = arith.select %eq3A_920, %broadcast_in_dim3A_39, %broadcast_in_dim3A_42 : vector<16xi1>, vector<16xf32>
    %select_n3A_937 = arith.select %eq3A_917, %broadcast_in_dim3A_36, %select_n3A_936 : vector<16xi1>, vector<16xf32>
    %get3A_938 = arith.constant 2 : i32
    %get3A_939 = arith.constant 1 : i32
    %get3A_940 = arith.index_cast %get3A_938 : i32 to index
    %get3A_941 = arith.index_cast %get3A_939 : i32 to index
    %get3A_942 = arith.constant 96 : index
    %get3A_943 = tpu.vector_load %arg6[%get3A_940, %get3A_941, %get3A_942] {strides = array<i32>} : memref<8x2x128xf32, #tpu.memory_space<vmem>>, vector<16xf32>,
    %sub3A_944 = arith.subf %get3A_943, %select_n3A_937 : vector<16xf32>
    %swap3A_945 = arith.constant 2 : i32
    %swap3A_946 = arith.constant 1 : i32
    %swap3A_947 = arith.index_cast %swap3A_945 : i32 to index
    %swap3A_948 = arith.index_cast %swap3A_946 : i32 to index
    %swap3A_949 = arith.constant 96 : index
    %swap3A_950 = tpu.vector_load %arg6[%swap3A_947, %swap3A_948, %swap3A_949] {strides = array<i32>} : memref<8x2x128xf32, #tpu.memory_space<vmem>>, vector<16xf32>,
    tpu.vector_store %arg6[%swap3A_947, %swap3A_948, %swap3A_949], %sub3A_944 {strides = array<i32>} : memref<8x2x128xf32, #tpu.memory_space<vmem>>, vector<16xf32>,
    %get3A_951 = arith.constant 368 : index
    %get3A_952 = tpu.vector_load %arg7[%get3A_951] {strides = array<i32>} : memref<1024xi32, #tpu.memory_space<vmem>>, vector<16xi32>,
    %eq3A_953 = arith.constant 0 : i32
    %eq3A_954 = vector.broadcast %eq3A_953 : i32 to vector<16xi32>
    %eq3A_955 = arith.cmpi eq, %get3A_952, %eq3A_954 : vector<16xi32>
    %eq3A_956 = arith.constant 1 : i32
    %eq3A_957 = vector.broadcast %eq3A_956 : i32 to vector<16xi32>
    %eq3A_958 = arith.cmpi eq, %get3A_952, %eq3A_957 : vector<16xi32>
    %select_n3A_959 = arith.select %eq3A_958, %broadcast_in_dim3A_30, %broadcast_in_dim3A_33 : vector<16xi1>, vector<16xf32>
    %select_n3A_960 = arith.select %eq3A_955, %broadcast_in_dim3A, %select_n3A_959 : vector<16xi1>, vector<16xf32>
    %get3A_961 = arith.constant 2 : i32
    %get3A_962 = arith.constant 0 : i32
    %get3A_963 = arith.index_cast %get3A_961 : i32 to index
    %get3A_964 = arith.index_cast %get3A_962 : i32 to index
    %get3A_965 = arith.constant 112 : index
    %get3A_966 = tpu.vector_load %arg6[%get3A_963, %get3A_964, %get3A_965] {strides = array<i32>} : memref<8x2x128xf32, #tpu.memory_space<vmem>>, vector<16xf32>,
    %sub3A_967 = arith.subf %get3A_966, %select_n3A_960 : vector<16xf32>
    %swap3A_968 = arith.constant 2 : i32
    %swap3A_969 = arith.constant 0 : i32
    %swap3A_970 = arith.index_cast %swap3A_968 : i32 to index
    %swap3A_971 = arith.index_cast %swap3A_969 : i32 to index
    %swap3A_972 = arith.constant 112 : index
    %swap3A_973 = tpu.vector_load %arg6[%swap3A_970, %swap3A_971, %swap3A_972] {strides = array<i32>} : memref<8x2x128xf32, #tpu.memory_space<vmem>>, vector<16xf32>,
    tpu.vector_store %arg6[%swap3A_970, %swap3A_971, %swap3A_972], %sub3A_967 {strides = array<i32>} : memref<8x2x128xf32, #tpu.memory_space<vmem>>, vector<16xf32>,
    %select_n3A_974 = arith.select %eq3A_958, %broadcast_in_dim3A_39, %broadcast_in_dim3A_42 : vector<16xi1>, vector<16xf32>
    %select_n3A_975 = arith.select %eq3A_955, %broadcast_in_dim3A_36, %select_n3A_974 : vector<16xi1>, vector<16xf32>
    %get3A_976 = arith.constant 2 : i32
    %get3A_977 = arith.constant 1 : i32
    %get3A_978 = arith.index_cast %get3A_976 : i32 to index
    %get3A_979 = arith.index_cast %get3A_977 : i32 to index
    %get3A_980 = arith.constant 112 : index
    %get3A_981 = tpu.vector_load %arg6[%get3A_978, %get3A_979, %get3A_980] {strides = array<i32>} : memref<8x2x128xf32, #tpu.memory_space<vmem>>, vector<16xf32>,
    %sub3A_982 = arith.subf %get3A_981, %select_n3A_975 : vector<16xf32>
    %swap3A_983 = arith.constant 2 : i32
    %swap3A_984 = arith.constant 1 : i32
    %swap3A_985 = arith.index_cast %swap3A_983 : i32 to index
    %swap3A_986 = arith.index_cast %swap3A_984 : i32 to index
    %swap3A_987 = arith.constant 112 : index
    %swap3A_988 = tpu.vector_load %arg6[%swap3A_985, %swap3A_986, %swap3A_987] {strides = array<i32>} : memref<8x2x128xf32, #tpu.memory_space<vmem>>, vector<16xf32>,
    tpu.vector_store %arg6[%swap3A_985, %swap3A_986, %swap3A_987], %sub3A_982 {strides = array<i32>} : memref<8x2x128xf32, #tpu.memory_space<vmem>>, vector<16xf32>,
    %add3A_989 = arith.constant 2 : i32
    %add3A_990 = arith.addi %mul3A_2, %add3A_989 : i32
    %dma_start3A_991 = arith.constant 2 : i32
    %dma_start3A_992 = arith.constant 0 : i32
    %dma_start3A_993 = arith.constant 0 : i32
    %dma_start3A_994 = tpu.memref_slice %arg6[%dma_start3A_991, %dma_start3A_992, %dma_start3A_993] : memref<8x2x128xf32, #tpu.memory_space<vmem>> -> memref<1x2x128xf32, #tpu.memory_space<vmem>>
    %dma_start3A_995 = tpu.memref_squeeze %dma_start3A_994 : memref<1x2x128xf32, #tpu.memory_space<vmem>> -> memref<2x128xf32, #tpu.memory_space<vmem>>
    %dma_start3A_996 = arith.constant 0 : i32
    %dma_start3A_997 = arith.constant 0 : i32
    %dma_start3A_998 = tpu.memref_slice %arg5[%add3A_990, %dma_start3A_996, %dma_start3A_997] : memref<128x2x128xf32, #tpu.memory_space<hbm>> -> memref<1x2x128xf32, #tpu.memory_space<hbm>>
    %dma_start3A_999 = tpu.memref_squeeze %dma_start3A_998 : memref<1x2x128xf32, #tpu.memory_space<hbm>> -> memref<2x128xf32, #tpu.memory_space<hbm>>
    %dma_start3A_1000 = arith.constant 0 : i32
    %dma_start3A_1001 = arith.constant 0 : i32
    %dma_start3A_1002 = tpu.memref_slice %arg5[%add3A_990, %dma_start3A_1000, %dma_start3A_1001] : memref<128x2x128xf32, #tpu.memory_space<hbm>> -> memref<1x2x128xf32, #tpu.memory_space<hbm>>
    %dma_start3A_1003 = tpu.memref_squeeze %dma_start3A_1002 : memref<1x2x128xf32, #tpu.memory_space<hbm>> -> memref<2x128xf32, #tpu.memory_space<hbm>>
    %dma_start3A_1004 = arith.constant 0 : i32
    %dma_start3A_1005 = arith.constant 0 : i32
    %dma_start3A_1006 = tpu.memref_slice %arg6[%dma_start3A_991, %dma_start3A_1004, %dma_start3A_1005] : memref<8x2x128xf32, #tpu.memory_space<vmem>> -> memref<1x2x128xf32, #tpu.memory_space<vmem>>
    %dma_start3A_1007 = tpu.memref_squeeze %dma_start3A_1006 : memref<1x2x128xf32, #tpu.memory_space<vmem>> -> memref<2x128xf32, #tpu.memory_space<vmem>>
    tpu.enqueue_dma source(%dma_start3A_1007 : memref<2x128xf32, #tpu.memory_space<vmem>>) target(%dma_start3A_1003 : memref<2x128xf32, #tpu.memory_space<hbm>>) target_semaphore(%arg9 : memref<!tpu.dma_semaphore, #tpu.memory_space<semaphore_mem>>)
    %get3A_1008 = arith.constant 384 : index
    %get3A_1009 = tpu.vector_load %arg7[%get3A_1008] {strides = array<i32>} : memref<1024xi32, #tpu.memory_space<vmem>>, vector<16xi32>,
    %eq3A_1010 = arith.constant 0 : i32
    %eq3A_1011 = vector.broadcast %eq3A_1010 : i32 to vector<16xi32>
    %eq3A_1012 = arith.cmpi eq, %get3A_1009, %eq3A_1011 : vector<16xi32>
    %eq3A_1013 = arith.constant 1 : i32
    %eq3A_1014 = vector.broadcast %eq3A_1013 : i32 to vector<16xi32>
    %eq3A_1015 = arith.cmpi eq, %get3A_1009, %eq3A_1014 : vector<16xi32>
    %select_n3A_1016 = arith.select %eq3A_1015, %broadcast_in_dim3A_30, %broadcast_in_dim3A_33 : vector<16xi1>, vector<16xf32>
    %select_n3A_1017 = arith.select %eq3A_1012, %broadcast_in_dim3A, %select_n3A_1016 : vector<16xi1>, vector<16xf32>
    %get3A_1018 = arith.constant 3 : i32
    %get3A_1019 = arith.constant 0 : i32
    %get3A_1020 = arith.index_cast %get3A_1018 : i32 to index
    %get3A_1021 = arith.index_cast %get3A_1019 : i32 to index
    %get3A_1022 = arith.constant 0 : index
    %get3A_1023 = tpu.vector_load %arg6[%get3A_1020, %get3A_1021, %get3A_1022] {strides = array<i32>} : memref<8x2x128xf32, #tpu.memory_space<vmem>>, vector<16xf32>,
    %sub3A_1024 = arith.subf %get3A_1023, %select_n3A_1017 : vector<16xf32>
    %swap3A_1025 = arith.constant 3 : i32
    %swap3A_1026 = arith.constant 0 : i32
    %swap3A_1027 = arith.index_cast %swap3A_1025 : i32 to index
    %swap3A_1028 = arith.index_cast %swap3A_1026 : i32 to index
    %swap3A_1029 = arith.constant 0 : index
    %swap3A_1030 = tpu.vector_load %arg6[%swap3A_1027, %swap3A_1028, %swap3A_1029] {strides = array<i32>} : memref<8x2x128xf32, #tpu.memory_space<vmem>>, vector<16xf32>,
    tpu.vector_store %arg6[%swap3A_1027, %swap3A_1028, %swap3A_1029], %sub3A_1024 {strides = array<i32>} : memref<8x2x128xf32, #tpu.memory_space<vmem>>, vector<16xf32>,
    %select_n3A_1031 = arith.select %eq3A_1015, %broadcast_in_dim3A_39, %broadcast_in_dim3A_42 : vector<16xi1>, vector<16xf32>
    %select_n3A_1032 = arith.select %eq3A_1012, %broadcast_in_dim3A_36, %select_n3A_1031 : vector<16xi1>, vector<16xf32>
    %get3A_1033 = arith.constant 3 : i32
    %get3A_1034 = arith.constant 1 : i32
    %get3A_1035 = arith.index_cast %get3A_1033 : i32 to index
    %get3A_1036 = arith.index_cast %get3A_1034 : i32 to index
    %get3A_1037 = arith.constant 0 : index
    %get3A_1038 = tpu.vector_load %arg6[%get3A_1035, %get3A_1036, %get3A_1037] {strides = array<i32>} : memref<8x2x128xf32, #tpu.memory_space<vmem>>, vector<16xf32>,
    %sub3A_1039 = arith.subf %get3A_1038, %select_n3A_1032 : vector<16xf32>
    %swap3A_1040 = arith.constant 3 : i32
    %swap3A_1041 = arith.constant 1 : i32
    %swap3A_1042 = arith.index_cast %swap3A_1040 : i32 to index
    %swap3A_1043 = arith.index_cast %swap3A_1041 : i32 to index
    %swap3A_1044 = arith.constant 0 : index
    %swap3A_1045 = tpu.vector_load %arg6[%swap3A_1042, %swap3A_1043, %swap3A_1044] {strides = array<i32>} : memref<8x2x128xf32, #tpu.memory_space<vmem>>, vector<16xf32>,
    tpu.vector_store %arg6[%swap3A_1042, %swap3A_1043, %swap3A_1044], %sub3A_1039 {strides = array<i32>} : memref<8x2x128xf32, #tpu.memory_space<vmem>>, vector<16xf32>,
    %get3A_1046 = arith.constant 400 : index
    %get3A_1047 = tpu.vector_load %arg7[%get3A_1046] {strides = array<i32>} : memref<1024xi32, #tpu.memory_space<vmem>>, vector<16xi32>,
    %eq3A_1048 = arith.constant 0 : i32
    %eq3A_1049 = vector.broadcast %eq3A_1048 : i32 to vector<16xi32>
    %eq3A_1050 = arith.cmpi eq, %get3A_1047, %eq3A_1049 : vector<16xi32>
    %eq3A_1051 = arith.constant 1 : i32
    %eq3A_1052 = vector.broadcast %eq3A_1051 : i32 to vector<16xi32>
    %eq3A_1053 = arith.cmpi eq, %get3A_1047, %eq3A_1052 : vector<16xi32>
    %select_n3A_1054 = arith.select %eq3A_1053, %broadcast_in_dim3A_30, %broadcast_in_dim3A_33 : vector<16xi1>, vector<16xf32>
    %select_n3A_1055 = arith.select %eq3A_1050, %broadcast_in_dim3A, %select_n3A_1054 : vector<16xi1>, vector<16xf32>
    %get3A_1056 = arith.constant 3 : i32
    %get3A_1057 = arith.constant 0 : i32
    %get3A_1058 = arith.index_cast %get3A_1056 : i32 to index
    %get3A_1059 = arith.index_cast %get3A_1057 : i32 to index
    %get3A_1060 = arith.constant 16 : index
    %get3A_1061 = tpu.vector_load %arg6[%get3A_1058, %get3A_1059, %get3A_1060] {strides = array<i32>} : memref<8x2x128xf32, #tpu.memory_space<vmem>>, vector<16xf32>,
    %sub3A_1062 = arith.subf %get3A_1061, %select_n3A_1055 : vector<16xf32>
    %swap3A_1063 = arith.constant 3 : i32
    %swap3A_1064 = arith.constant 0 : i32
    %swap3A_1065 = arith.index_cast %swap3A_1063 : i32 to index
    %swap3A_1066 = arith.index_cast %swap3A_1064 : i32 to index
    %swap3A_1067 = arith.constant 16 : index
    %swap3A_1068 = tpu.vector_load %arg6[%swap3A_1065, %swap3A_1066, %swap3A_1067] {strides = array<i32>} : memref<8x2x128xf32, #tpu.memory_space<vmem>>, vector<16xf32>,
    tpu.vector_store %arg6[%swap3A_1065, %swap3A_1066, %swap3A_1067], %sub3A_1062 {strides = array<i32>} : memref<8x2x128xf32, #tpu.memory_space<vmem>>, vector<16xf32>,
    %select_n3A_1069 = arith.select %eq3A_1053, %broadcast_in_dim3A_39, %broadcast_in_dim3A_42 : vector<16xi1>, vector<16xf32>
    %select_n3A_1070 = arith.select %eq3A_1050, %broadcast_in_dim3A_36, %select_n3A_1069 : vector<16xi1>, vector<16xf32>
    %get3A_1071 = arith.constant 3 : i32
    %get3A_1072 = arith.constant 1 : i32
    %get3A_1073 = arith.index_cast %get3A_1071 : i32 to index
    %get3A_1074 = arith.index_cast %get3A_1072 : i32 to index
    %get3A_1075 = arith.constant 16 : index
    %get3A_1076 = tpu.vector_load %arg6[%get3A_1073, %get3A_1074, %get3A_1075] {strides = array<i32>} : memref<8x2x128xf32, #tpu.memory_space<vmem>>, vector<16xf32>,
    %sub3A_1077 = arith.subf %get3A_1076, %select_n3A_1070 : vector<16xf32>
    %swap3A_1078 = arith.constant 3 : i32
    %swap3A_1079 = arith.constant 1 : i32
    %swap3A_1080 = arith.index_cast %swap3A_1078 : i32 to index
    %swap3A_1081 = arith.index_cast %swap3A_1079 : i32 to index
    %swap3A_1082 = arith.constant 16 : index
    %swap3A_1083 = tpu.vector_load %arg6[%swap3A_1080, %swap3A_1081, %swap3A_1082] {strides = array<i32>} : memref<8x2x128xf32, #tpu.memory_space<vmem>>, vector<16xf32>,
    tpu.vector_store %arg6[%swap3A_1080, %swap3A_1081, %swap3A_1082], %sub3A_1077 {strides = array<i32>} : memref<8x2x128xf32, #tpu.memory_space<vmem>>, vector<16xf32>,
    %get3A_1084 = arith.constant 416 : index
    %get3A_1085 = tpu.vector_load %arg7[%get3A_1084] {strides = array<i32>} : memref<1024xi32, #tpu.memory_space<vmem>>, vector<16xi32>,
    %eq3A_1086 = arith.constant 0 : i32
    %eq3A_1087 = vector.broadcast %eq3A_1086 : i32 to vector<16xi32>
    %eq3A_1088 = arith.cmpi eq, %get3A_1085, %eq3A_1087 : vector<16xi32>
    %eq3A_1089 = arith.constant 1 : i32
    %eq3A_1090 = vector.broadcast %eq3A_1089 : i32 to vector<16xi32>
    %eq3A_1091 = arith.cmpi eq, %get3A_1085, %eq3A_1090 : vector<16xi32>
    %select_n3A_1092 = arith.select %eq3A_1091, %broadcast_in_dim3A_30, %broadcast_in_dim3A_33 : vector<16xi1>, vector<16xf32>
    %select_n3A_1093 = arith.select %eq3A_1088, %broadcast_in_dim3A, %select_n3A_1092 : vector<16xi1>, vector<16xf32>
    %get3A_1094 = arith.constant 3 : i32
    %get3A_1095 = arith.constant 0 : i32
    %get3A_1096 = arith.index_cast %get3A_1094 : i32 to index
    %get3A_1097 = arith.index_cast %get3A_1095 : i32 to index
    %get3A_1098 = arith.constant 32 : index
    %get3A_1099 = tpu.vector_load %arg6[%get3A_1096, %get3A_1097, %get3A_1098] {strides = array<i32>} : memref<8x2x128xf32, #tpu.memory_space<vmem>>, vector<16xf32>,
    %sub3A_1100 = arith.subf %get3A_1099, %select_n3A_1093 : vector<16xf32>
    %swap3A_1101 = arith.constant 3 : i32
    %swap3A_1102 = arith.constant 0 : i32
    %swap3A_1103 = arith.index_cast %swap3A_1101 : i32 to index
    %swap3A_1104 = arith.index_cast %swap3A_1102 : i32 to index
    %swap3A_1105 = arith.constant 32 : index
    %swap3A_1106 = tpu.vector_load %arg6[%swap3A_1103, %swap3A_1104, %swap3A_1105] {strides = array<i32>} : memref<8x2x128xf32, #tpu.memory_space<vmem>>, vector<16xf32>,
    tpu.vector_store %arg6[%swap3A_1103, %swap3A_1104, %swap3A_1105], %sub3A_1100 {strides = array<i32>} : memref<8x2x128xf32, #tpu.memory_space<vmem>>, vector<16xf32>,
    %select_n3A_1107 = arith.select %eq3A_1091, %broadcast_in_dim3A_39, %broadcast_in_dim3A_42 : vector<16xi1>, vector<16xf32>
    %select_n3A_1108 = arith.select %eq3A_1088, %broadcast_in_dim3A_36, %select_n3A_1107 : vector<16xi1>, vector<16xf32>
    %get3A_1109 = arith.constant 3 : i32
    %get3A_1110 = arith.constant 1 : i32
    %get3A_1111 = arith.index_cast %get3A_1109 : i32 to index
    %get3A_1112 = arith.index_cast %get3A_1110 : i32 to index
    %get3A_1113 = arith.constant 32 : index
    %get3A_1114 = tpu.vector_load %arg6[%get3A_1111, %get3A_1112, %get3A_1113] {strides = array<i32>} : memref<8x2x128xf32, #tpu.memory_space<vmem>>, vector<16xf32>,
    %sub3A_1115 = arith.subf %get3A_1114, %select_n3A_1108 : vector<16xf32>
    %swap3A_1116 = arith.constant 3 : i32
    %swap3A_1117 = arith.constant 1 : i32
    %swap3A_1118 = arith.index_cast %swap3A_1116 : i32 to index
    %swap3A_1119 = arith.index_cast %swap3A_1117 : i32 to index
    %swap3A_1120 = arith.constant 32 : index
    %swap3A_1121 = tpu.vector_load %arg6[%swap3A_1118, %swap3A_1119, %swap3A_1120] {strides = array<i32>} : memref<8x2x128xf32, #tpu.memory_space<vmem>>, vector<16xf32>,
    tpu.vector_store %arg6[%swap3A_1118, %swap3A_1119, %swap3A_1120], %sub3A_1115 {strides = array<i32>} : memref<8x2x128xf32, #tpu.memory_space<vmem>>, vector<16xf32>,
    %get3A_1122 = arith.constant 432 : index
    %get3A_1123 = tpu.vector_load %arg7[%get3A_1122] {strides = array<i32>} : memref<1024xi32, #tpu.memory_space<vmem>>, vector<16xi32>,
    %eq3A_1124 = arith.constant 0 : i32
    %eq3A_1125 = vector.broadcast %eq3A_1124 : i32 to vector<16xi32>
    %eq3A_1126 = arith.cmpi eq, %get3A_1123, %eq3A_1125 : vector<16xi32>
    %eq3A_1127 = arith.constant 1 : i32
    %eq3A_1128 = vector.broadcast %eq3A_1127 : i32 to vector<16xi32>
    %eq3A_1129 = arith.cmpi eq, %get3A_1123, %eq3A_1128 : vector<16xi32>
    %select_n3A_1130 = arith.select %eq3A_1129, %broadcast_in_dim3A_30, %broadcast_in_dim3A_33 : vector<16xi1>, vector<16xf32>
    %select_n3A_1131 = arith.select %eq3A_1126, %broadcast_in_dim3A, %select_n3A_1130 : vector<16xi1>, vector<16xf32>
    %get3A_1132 = arith.constant 3 : i32
    %get3A_1133 = arith.constant 0 : i32
    %get3A_1134 = arith.index_cast %get3A_1132 : i32 to index
    %get3A_1135 = arith.index_cast %get3A_1133 : i32 to index
    %get3A_1136 = arith.constant 48 : index
    %get3A_1137 = tpu.vector_load %arg6[%get3A_1134, %get3A_1135, %get3A_1136] {strides = array<i32>} : memref<8x2x128xf32, #tpu.memory_space<vmem>>, vector<16xf32>,
    %sub3A_1138 = arith.subf %get3A_1137, %select_n3A_1131 : vector<16xf32>
    %swap3A_1139 = arith.constant 3 : i32
    %swap3A_1140 = arith.constant 0 : i32
    %swap3A_1141 = arith.index_cast %swap3A_1139 : i32 to index
    %swap3A_1142 = arith.index_cast %swap3A_1140 : i32 to index
    %swap3A_1143 = arith.constant 48 : index
    %swap3A_1144 = tpu.vector_load %arg6[%swap3A_1141, %swap3A_1142, %swap3A_1143] {strides = array<i32>} : memref<8x2x128xf32, #tpu.memory_space<vmem>>, vector<16xf32>,
    tpu.vector_store %arg6[%swap3A_1141, %swap3A_1142, %swap3A_1143], %sub3A_1138 {strides = array<i32>} : memref<8x2x128xf32, #tpu.memory_space<vmem>>, vector<16xf32>,
    %select_n3A_1145 = arith.select %eq3A_1129, %broadcast_in_dim3A_39, %broadcast_in_dim3A_42 : vector<16xi1>, vector<16xf32>
    %select_n3A_1146 = arith.select %eq3A_1126, %broadcast_in_dim3A_36, %select_n3A_1145 : vector<16xi1>, vector<16xf32>
    %get3A_1147 = arith.constant 3 : i32
    %get3A_1148 = arith.constant 1 : i32
    %get3A_1149 = arith.index_cast %get3A_1147 : i32 to index
    %get3A_1150 = arith.index_cast %get3A_1148 : i32 to index
    %get3A_1151 = arith.constant 48 : index
    %get3A_1152 = tpu.vector_load %arg6[%get3A_1149, %get3A_1150, %get3A_1151] {strides = array<i32>} : memref<8x2x128xf32, #tpu.memory_space<vmem>>, vector<16xf32>,
    %sub3A_1153 = arith.subf %get3A_1152, %select_n3A_1146 : vector<16xf32>
    %swap3A_1154 = arith.constant 3 : i32
    %swap3A_1155 = arith.constant 1 : i32
    %swap3A_1156 = arith.index_cast %swap3A_1154 : i32 to index
    %swap3A_1157 = arith.index_cast %swap3A_1155 : i32 to index
    %swap3A_1158 = arith.constant 48 : index
    %swap3A_1159 = tpu.vector_load %arg6[%swap3A_1156, %swap3A_1157, %swap3A_1158] {strides = array<i32>} : memref<8x2x128xf32, #tpu.memory_space<vmem>>, vector<16xf32>,
    tpu.vector_store %arg6[%swap3A_1156, %swap3A_1157, %swap3A_1158], %sub3A_1153 {strides = array<i32>} : memref<8x2x128xf32, #tpu.memory_space<vmem>>, vector<16xf32>,
    %get3A_1160 = arith.constant 448 : index
    %get3A_1161 = tpu.vector_load %arg7[%get3A_1160] {strides = array<i32>} : memref<1024xi32, #tpu.memory_space<vmem>>, vector<16xi32>,
    %eq3A_1162 = arith.constant 0 : i32
    %eq3A_1163 = vector.broadcast %eq3A_1162 : i32 to vector<16xi32>
    %eq3A_1164 = arith.cmpi eq, %get3A_1161, %eq3A_1163 : vector<16xi32>
    %eq3A_1165 = arith.constant 1 : i32
    %eq3A_1166 = vector.broadcast %eq3A_1165 : i32 to vector<16xi32>
    %eq3A_1167 = arith.cmpi eq, %get3A_1161, %eq3A_1166 : vector<16xi32>
    %select_n3A_1168 = arith.select %eq3A_1167, %broadcast_in_dim3A_30, %broadcast_in_dim3A_33 : vector<16xi1>, vector<16xf32>
    %select_n3A_1169 = arith.select %eq3A_1164, %broadcast_in_dim3A, %select_n3A_1168 : vector<16xi1>, vector<16xf32>
    %get3A_1170 = arith.constant 3 : i32
    %get3A_1171 = arith.constant 0 : i32
    %get3A_1172 = arith.index_cast %get3A_1170 : i32 to index
    %get3A_1173 = arith.index_cast %get3A_1171 : i32 to index
    %get3A_1174 = arith.constant 64 : index
    %get3A_1175 = tpu.vector_load %arg6[%get3A_1172, %get3A_1173, %get3A_1174] {strides = array<i32>} : memref<8x2x128xf32, #tpu.memory_space<vmem>>, vector<16xf32>,
    %sub3A_1176 = arith.subf %get3A_1175, %select_n3A_1169 : vector<16xf32>
    %swap3A_1177 = arith.constant 3 : i32
    %swap3A_1178 = arith.constant 0 : i32
    %swap3A_1179 = arith.index_cast %swap3A_1177 : i32 to index
    %swap3A_1180 = arith.index_cast %swap3A_1178 : i32 to index
    %swap3A_1181 = arith.constant 64 : index
    %swap3A_1182 = tpu.vector_load %arg6[%swap3A_1179, %swap3A_1180, %swap3A_1181] {strides = array<i32>} : memref<8x2x128xf32, #tpu.memory_space<vmem>>, vector<16xf32>,
    tpu.vector_store %arg6[%swap3A_1179, %swap3A_1180, %swap3A_1181], %sub3A_1176 {strides = array<i32>} : memref<8x2x128xf32, #tpu.memory_space<vmem>>, vector<16xf32>,
    %select_n3A_1183 = arith.select %eq3A_1167, %broadcast_in_dim3A_39, %broadcast_in_dim3A_42 : vector<16xi1>, vector<16xf32>
    %select_n3A_1184 = arith.select %eq3A_1164, %broadcast_in_dim3A_36, %select_n3A_1183 : vector<16xi1>, vector<16xf32>
    %get3A_1185 = arith.constant 3 : i32
    %get3A_1186 = arith.constant 1 : i32
    %get3A_1187 = arith.index_cast %get3A_1185 : i32 to index
    %get3A_1188 = arith.index_cast %get3A_1186 : i32 to index
    %get3A_1189 = arith.constant 64 : index
    %get3A_1190 = tpu.vector_load %arg6[%get3A_1187, %get3A_1188, %get3A_1189] {strides = array<i32>} : memref<8x2x128xf32, #tpu.memory_space<vmem>>, vector<16xf32>,
    %sub3A_1191 = arith.subf %get3A_1190, %select_n3A_1184 : vector<16xf32>
    %swap3A_1192 = arith.constant 3 : i32
    %swap3A_1193 = arith.constant 1 : i32
    %swap3A_1194 = arith.index_cast %swap3A_1192 : i32 to index
    %swap3A_1195 = arith.index_cast %swap3A_1193 : i32 to index
    %swap3A_1196 = arith.constant 64 : index
    %swap3A_1197 = tpu.vector_load %arg6[%swap3A_1194, %swap3A_1195, %swap3A_1196] {strides = array<i32>} : memref<8x2x128xf32, #tpu.memory_space<vmem>>, vector<16xf32>,
    tpu.vector_store %arg6[%swap3A_1194, %swap3A_1195, %swap3A_1196], %sub3A_1191 {strides = array<i32>} : memref<8x2x128xf32, #tpu.memory_space<vmem>>, vector<16xf32>,
    %get3A_1198 = arith.constant 464 : index
    %get3A_1199 = tpu.vector_load %arg7[%get3A_1198] {strides = array<i32>} : memref<1024xi32, #tpu.memory_space<vmem>>, vector<16xi32>,
    %eq3A_1200 = arith.constant 0 : i32
    %eq3A_1201 = vector.broadcast %eq3A_1200 : i32 to vector<16xi32>
    %eq3A_1202 = arith.cmpi eq, %get3A_1199, %eq3A_1201 : vector<16xi32>
    %eq3A_1203 = arith.constant 1 : i32
    %eq3A_1204 = vector.broadcast %eq3A_1203 : i32 to vector<16xi32>
    %eq3A_1205 = arith.cmpi eq, %get3A_1199, %eq3A_1204 : vector<16xi32>
    %select_n3A_1206 = arith.select %eq3A_1205, %broadcast_in_dim3A_30, %broadcast_in_dim3A_33 : vector<16xi1>, vector<16xf32>
    %select_n3A_1207 = arith.select %eq3A_1202, %broadcast_in_dim3A, %select_n3A_1206 : vector<16xi1>, vector<16xf32>
    %get3A_1208 = arith.constant 3 : i32
    %get3A_1209 = arith.constant 0 : i32
    %get3A_1210 = arith.index_cast %get3A_1208 : i32 to index
    %get3A_1211 = arith.index_cast %get3A_1209 : i32 to index
    %get3A_1212 = arith.constant 80 : index
    %get3A_1213 = tpu.vector_load %arg6[%get3A_1210, %get3A_1211, %get3A_1212] {strides = array<i32>} : memref<8x2x128xf32, #tpu.memory_space<vmem>>, vector<16xf32>,
    %sub3A_1214 = arith.subf %get3A_1213, %select_n3A_1207 : vector<16xf32>
    %swap3A_1215 = arith.constant 3 : i32
    %swap3A_1216 = arith.constant 0 : i32
    %swap3A_1217 = arith.index_cast %swap3A_1215 : i32 to index
    %swap3A_1218 = arith.index_cast %swap3A_1216 : i32 to index
    %swap3A_1219 = arith.constant 80 : index
    %swap3A_1220 = tpu.vector_load %arg6[%swap3A_1217, %swap3A_1218, %swap3A_1219] {strides = array<i32>} : memref<8x2x128xf32, #tpu.memory_space<vmem>>, vector<16xf32>,
    tpu.vector_store %arg6[%swap3A_1217, %swap3A_1218, %swap3A_1219], %sub3A_1214 {strides = array<i32>} : memref<8x2x128xf32, #tpu.memory_space<vmem>>, vector<16xf32>,
    %select_n3A_1221 = arith.select %eq3A_1205, %broadcast_in_dim3A_39, %broadcast_in_dim3A_42 : vector<16xi1>, vector<16xf32>
    %select_n3A_1222 = arith.select %eq3A_1202, %broadcast_in_dim3A_36, %select_n3A_1221 : vector<16xi1>, vector<16xf32>
    %get3A_1223 = arith.constant 3 : i32
    %get3A_1224 = arith.constant 1 : i32
    %get3A_1225 = arith.index_cast %get3A_1223 : i32 to index
    %get3A_1226 = arith.index_cast %get3A_1224 : i32 to index
    %get3A_1227 = arith.constant 80 : index
    %get3A_1228 = tpu.vector_load %arg6[%get3A_1225, %get3A_1226, %get3A_1227] {strides = array<i32>} : memref<8x2x128xf32, #tpu.memory_space<vmem>>, vector<16xf32>,
    %sub3A_1229 = arith.subf %get3A_1228, %select_n3A_1222 : vector<16xf32>
    %swap3A_1230 = arith.constant 3 : i32
    %swap3A_1231 = arith.constant 1 : i32
    %swap3A_1232 = arith.index_cast %swap3A_1230 : i32 to index
    %swap3A_1233 = arith.index_cast %swap3A_1231 : i32 to index
    %swap3A_1234 = arith.constant 80 : index
    %swap3A_1235 = tpu.vector_load %arg6[%swap3A_1232, %swap3A_1233, %swap3A_1234] {strides = array<i32>} : memref<8x2x128xf32, #tpu.memory_space<vmem>>, vector<16xf32>,
    tpu.vector_store %arg6[%swap3A_1232, %swap3A_1233, %swap3A_1234], %sub3A_1229 {strides = array<i32>} : memref<8x2x128xf32, #tpu.memory_space<vmem>>, vector<16xf32>,
    %get3A_1236 = arith.constant 480 : index
    %get3A_1237 = tpu.vector_load %arg7[%get3A_1236] {strides = array<i32>} : memref<1024xi32, #tpu.memory_space<vmem>>, vector<16xi32>,
    %eq3A_1238 = arith.constant 0 : i32
    %eq3A_1239 = vector.broadcast %eq3A_1238 : i32 to vector<16xi32>
    %eq3A_1240 = arith.cmpi eq, %get3A_1237, %eq3A_1239 : vector<16xi32>
    %eq3A_1241 = arith.constant 1 : i32
    %eq3A_1242 = vector.broadcast %eq3A_1241 : i32 to vector<16xi32>
    %eq3A_1243 = arith.cmpi eq, %get3A_1237, %eq3A_1242 : vector<16xi32>
    %select_n3A_1244 = arith.select %eq3A_1243, %broadcast_in_dim3A_30, %broadcast_in_dim3A_33 : vector<16xi1>, vector<16xf32>
    %select_n3A_1245 = arith.select %eq3A_1240, %broadcast_in_dim3A, %select_n3A_1244 : vector<16xi1>, vector<16xf32>
    %get3A_1246 = arith.constant 3 : i32
    %get3A_1247 = arith.constant 0 : i32
    %get3A_1248 = arith.index_cast %get3A_1246 : i32 to index
    %get3A_1249 = arith.index_cast %get3A_1247 : i32 to index
    %get3A_1250 = arith.constant 96 : index
    %get3A_1251 = tpu.vector_load %arg6[%get3A_1248, %get3A_1249, %get3A_1250] {strides = array<i32>} : memref<8x2x128xf32, #tpu.memory_space<vmem>>, vector<16xf32>,
    %sub3A_1252 = arith.subf %get3A_1251, %select_n3A_1245 : vector<16xf32>
    %swap3A_1253 = arith.constant 3 : i32
    %swap3A_1254 = arith.constant 0 : i32
    %swap3A_1255 = arith.index_cast %swap3A_1253 : i32 to index
    %swap3A_1256 = arith.index_cast %swap3A_1254 : i32 to index
    %swap3A_1257 = arith.constant 96 : index
    %swap3A_1258 = tpu.vector_load %arg6[%swap3A_1255, %swap3A_1256, %swap3A_1257] {strides = array<i32>} : memref<8x2x128xf32, #tpu.memory_space<vmem>>, vector<16xf32>,
    tpu.vector_store %arg6[%swap3A_1255, %swap3A_1256, %swap3A_1257], %sub3A_1252 {strides = array<i32>} : memref<8x2x128xf32, #tpu.memory_space<vmem>>, vector<16xf32>,
    %select_n3A_1259 = arith.select %eq3A_1243, %broadcast_in_dim3A_39, %broadcast_in_dim3A_42 : vector<16xi1>, vector<16xf32>
    %select_n3A_1260 = arith.select %eq3A_1240, %broadcast_in_dim3A_36, %select_n3A_1259 : vector<16xi1>, vector<16xf32>
    %get3A_1261 = arith.constant 3 : i32
    %get3A_1262 = arith.constant 1 : i32
    %get3A_1263 = arith.index_cast %get3A_1261 : i32 to index
    %get3A_1264 = arith.index_cast %get3A_1262 : i32 to index
    %get3A_1265 = arith.constant 96 : index
    %get3A_1266 = tpu.vector_load %arg6[%get3A_1263, %get3A_1264, %get3A_1265] {strides = array<i32>} : memref<8x2x128xf32, #tpu.memory_space<vmem>>, vector<16xf32>,
    %sub3A_1267 = arith.subf %get3A_1266, %select_n3A_1260 : vector<16xf32>
    %swap3A_1268 = arith.constant 3 : i32
    %swap3A_1269 = arith.constant 1 : i32
    %swap3A_1270 = arith.index_cast %swap3A_1268 : i32 to index
    %swap3A_1271 = arith.index_cast %swap3A_1269 : i32 to index
    %swap3A_1272 = arith.constant 96 : index
    %swap3A_1273 = tpu.vector_load %arg6[%swap3A_1270, %swap3A_1271, %swap3A_1272] {strides = array<i32>} : memref<8x2x128xf32, #tpu.memory_space<vmem>>, vector<16xf32>,
    tpu.vector_store %arg6[%swap3A_1270, %swap3A_1271, %swap3A_1272], %sub3A_1267 {strides = array<i32>} : memref<8x2x128xf32, #tpu.memory_space<vmem>>, vector<16xf32>,
    %get3A_1274 = arith.constant 496 : index
    %get3A_1275 = tpu.vector_load %arg7[%get3A_1274] {strides = array<i32>} : memref<1024xi32, #tpu.memory_space<vmem>>, vector<16xi32>,
    %eq3A_1276 = arith.constant 0 : i32
    %eq3A_1277 = vector.broadcast %eq3A_1276 : i32 to vector<16xi32>
    %eq3A_1278 = arith.cmpi eq, %get3A_1275, %eq3A_1277 : vector<16xi32>
    %eq3A_1279 = arith.constant 1 : i32
    %eq3A_1280 = vector.broadcast %eq3A_1279 : i32 to vector<16xi32>
    %eq3A_1281 = arith.cmpi eq, %get3A_1275, %eq3A_1280 : vector<16xi32>
    %select_n3A_1282 = arith.select %eq3A_1281, %broadcast_in_dim3A_30, %broadcast_in_dim3A_33 : vector<16xi1>, vector<16xf32>
    %select_n3A_1283 = arith.select %eq3A_1278, %broadcast_in_dim3A, %select_n3A_1282 : vector<16xi1>, vector<16xf32>
    %get3A_1284 = arith.constant 3 : i32
    %get3A_1285 = arith.constant 0 : i32
    %get3A_1286 = arith.index_cast %get3A_1284 : i32 to index
    %get3A_1287 = arith.index_cast %get3A_1285 : i32 to index
    %get3A_1288 = arith.constant 112 : index
    %get3A_1289 = tpu.vector_load %arg6[%get3A_1286, %get3A_1287, %get3A_1288] {strides = array<i32>} : memref<8x2x128xf32, #tpu.memory_space<vmem>>, vector<16xf32>,
    %sub3A_1290 = arith.subf %get3A_1289, %select_n3A_1283 : vector<16xf32>
    %swap3A_1291 = arith.constant 3 : i32
    %swap3A_1292 = arith.constant 0 : i32
    %swap3A_1293 = arith.index_cast %swap3A_1291 : i32 to index
    %swap3A_1294 = arith.index_cast %swap3A_1292 : i32 to index
    %swap3A_1295 = arith.constant 112 : index
    %swap3A_1296 = tpu.vector_load %arg6[%swap3A_1293, %swap3A_1294, %swap3A_1295] {strides = array<i32>} : memref<8x2x128xf32, #tpu.memory_space<vmem>>, vector<16xf32>,
    tpu.vector_store %arg6[%swap3A_1293, %swap3A_1294, %swap3A_1295], %sub3A_1290 {strides = array<i32>} : memref<8x2x128xf32, #tpu.memory_space<vmem>>, vector<16xf32>,
    %select_n3A_1297 = arith.select %eq3A_1281, %broadcast_in_dim3A_39, %broadcast_in_dim3A_42 : vector<16xi1>, vector<16xf32>
    %select_n3A_1298 = arith.select %eq3A_1278, %broadcast_in_dim3A_36, %select_n3A_1297 : vector<16xi1>, vector<16xf32>
    %get3A_1299 = arith.constant 3 : i32
    %get3A_1300 = arith.constant 1 : i32
    %get3A_1301 = arith.index_cast %get3A_1299 : i32 to index
    %get3A_1302 = arith.index_cast %get3A_1300 : i32 to index
    %get3A_1303 = arith.constant 112 : index
    %get3A_1304 = tpu.vector_load %arg6[%get3A_1301, %get3A_1302, %get3A_1303] {strides = array<i32>} : memref<8x2x128xf32, #tpu.memory_space<vmem>>, vector<16xf32>,
    %sub3A_1305 = arith.subf %get3A_1304, %select_n3A_1298 : vector<16xf32>
    %swap3A_1306 = arith.constant 3 : i32
    %swap3A_1307 = arith.constant 1 : i32
    %swap3A_1308 = arith.index_cast %swap3A_1306 : i32 to index
    %swap3A_1309 = arith.index_cast %swap3A_1307 : i32 to index
    %swap3A_1310 = arith.constant 112 : index
    %swap3A_1311 = tpu.vector_load %arg6[%swap3A_1308, %swap3A_1309, %swap3A_1310] {strides = array<i32>} : memref<8x2x128xf32, #tpu.memory_space<vmem>>, vector<16xf32>,
    tpu.vector_store %arg6[%swap3A_1308, %swap3A_1309, %swap3A_1310], %sub3A_1305 {strides = array<i32>} : memref<8x2x128xf32, #tpu.memory_space<vmem>>, vector<16xf32>,
    %add3A_1312 = arith.constant 3 : i32
    %add3A_1313 = arith.addi %mul3A_2, %add3A_1312 : i32
    %dma_start3A_1314 = arith.constant 3 : i32
    %dma_start3A_1315 = arith.constant 0 : i32
    %dma_start3A_1316 = arith.constant 0 : i32
    %dma_start3A_1317 = tpu.memref_slice %arg6[%dma_start3A_1314, %dma_start3A_1315, %dma_start3A_1316] : memref<8x2x128xf32, #tpu.memory_space<vmem>> -> memref<1x2x128xf32, #tpu.memory_space<vmem>>
    %dma_start3A_1318 = tpu.memref_squeeze %dma_start3A_1317 : memref<1x2x128xf32, #tpu.memory_space<vmem>> -> memref<2x128xf32, #tpu.memory_space<vmem>>
    %dma_start3A_1319 = arith.constant 0 : i32
    %dma_start3A_1320 = arith.constant 0 : i32
    %dma_start3A_1321 = tpu.memref_slice %arg5[%add3A_1313, %dma_start3A_1319, %dma_start3A_1320] : memref<128x2x128xf32, #tpu.memory_space<hbm>> -> memref<1x2x128xf32, #tpu.memory_space<hbm>>
    %dma_start3A_1322 = tpu.memref_squeeze %dma_start3A_1321 : memref<1x2x128xf32, #tpu.memory_space<hbm>> -> memref<2x128xf32, #tpu.memory_space<hbm>>
    %dma_start3A_1323 = arith.constant 0 : i32
    %dma_start3A_1324 = arith.constant 0 : i32
    %dma_start3A_1325 = tpu.memref_slice %arg5[%add3A_1313, %dma_start3A_1323, %dma_start3A_1324] : memref<128x2x128xf32, #tpu.memory_space<hbm>> -> memref<1x2x128xf32, #tpu.memory_space<hbm>>
    %dma_start3A_1326 = tpu.memref_squeeze %dma_start3A_1325 : memref<1x2x128xf32, #tpu.memory_space<hbm>> -> memref<2x128xf32, #tpu.memory_space<hbm>>
    %dma_start3A_1327 = arith.constant 0 : i32
    %dma_start3A_1328 = arith.constant 0 : i32
    %dma_start3A_1329 = tpu.memref_slice %arg6[%dma_start3A_1314, %dma_start3A_1327, %dma_start3A_1328] : memref<8x2x128xf32, #tpu.memory_space<vmem>> -> memref<1x2x128xf32, #tpu.memory_space<vmem>>
    %dma_start3A_1330 = tpu.memref_squeeze %dma_start3A_1329 : memref<1x2x128xf32, #tpu.memory_space<vmem>> -> memref<2x128xf32, #tpu.memory_space<vmem>>
    tpu.enqueue_dma source(%dma_start3A_1330 : memref<2x128xf32, #tpu.memory_space<vmem>>) target(%dma_start3A_1326 : memref<2x128xf32, #tpu.memory_space<hbm>>) target_semaphore(%arg9 : memref<!tpu.dma_semaphore, #tpu.memory_space<semaphore_mem>>)
    %get3A_1331 = arith.constant 512 : index
    %get3A_1332 = tpu.vector_load %arg7[%get3A_1331] {strides = array<i32>} : memref<1024xi32, #tpu.memory_space<vmem>>, vector<16xi32>,
    %eq3A_1333 = arith.constant 0 : i32
    %eq3A_1334 = vector.broadcast %eq3A_1333 : i32 to vector<16xi32>
    %eq3A_1335 = arith.cmpi eq, %get3A_1332, %eq3A_1334 : vector<16xi32>
    %eq3A_1336 = arith.constant 1 : i32
    %eq3A_1337 = vector.broadcast %eq3A_1336 : i32 to vector<16xi32>
    %eq3A_1338 = arith.cmpi eq, %get3A_1332, %eq3A_1337 : vector<16xi32>
    %select_n3A_1339 = arith.select %eq3A_1338, %broadcast_in_dim3A_30, %broadcast_in_dim3A_33 : vector<16xi1>, vector<16xf32>
    %select_n3A_1340 = arith.select %eq3A_1335, %broadcast_in_dim3A, %select_n3A_1339 : vector<16xi1>, vector<16xf32>
    %get3A_1341 = arith.constant 4 : i32
    %get3A_1342 = arith.constant 0 : i32
    %get3A_1343 = arith.index_cast %get3A_1341 : i32 to index
    %get3A_1344 = arith.index_cast %get3A_1342 : i32 to index
    %get3A_1345 = arith.constant 0 : index
    %get3A_1346 = tpu.vector_load %arg6[%get3A_1343, %get3A_1344, %get3A_1345] {strides = array<i32>} : memref<8x2x128xf32, #tpu.memory_space<vmem>>, vector<16xf32>,
    %sub3A_1347 = arith.subf %get3A_1346, %select_n3A_1340 : vector<16xf32>
    %swap3A_1348 = arith.constant 4 : i32
    %swap3A_1349 = arith.constant 0 : i32
    %swap3A_1350 = arith.index_cast %swap3A_1348 : i32 to index
    %swap3A_1351 = arith.index_cast %swap3A_1349 : i32 to index
    %swap3A_1352 = arith.constant 0 : index
    %swap3A_1353 = tpu.vector_load %arg6[%swap3A_1350, %swap3A_1351, %swap3A_1352] {strides = array<i32>} : memref<8x2x128xf32, #tpu.memory_space<vmem>>, vector<16xf32>,
    tpu.vector_store %arg6[%swap3A_1350, %swap3A_1351, %swap3A_1352], %sub3A_1347 {strides = array<i32>} : memref<8x2x128xf32, #tpu.memory_space<vmem>>, vector<16xf32>,
    %select_n3A_1354 = arith.select %eq3A_1338, %broadcast_in_dim3A_39, %broadcast_in_dim3A_42 : vector<16xi1>, vector<16xf32>
    %select_n3A_1355 = arith.select %eq3A_1335, %broadcast_in_dim3A_36, %select_n3A_1354 : vector<16xi1>, vector<16xf32>
    %get3A_1356 = arith.constant 4 : i32
    %get3A_1357 = arith.constant 1 : i32
    %get3A_1358 = arith.index_cast %get3A_1356 : i32 to index
    %get3A_1359 = arith.index_cast %get3A_1357 : i32 to index
    %get3A_1360 = arith.constant 0 : index
    %get3A_1361 = tpu.vector_load %arg6[%get3A_1358, %get3A_1359, %get3A_1360] {strides = array<i32>} : memref<8x2x128xf32, #tpu.memory_space<vmem>>, vector<16xf32>,
    %sub3A_1362 = arith.subf %get3A_1361, %select_n3A_1355 : vector<16xf32>
    %swap3A_1363 = arith.constant 4 : i32
    %swap3A_1364 = arith.constant 1 : i32
    %swap3A_1365 = arith.index_cast %swap3A_1363 : i32 to index
    %swap3A_1366 = arith.index_cast %swap3A_1364 : i32 to index
    %swap3A_1367 = arith.constant 0 : index
    %swap3A_1368 = tpu.vector_load %arg6[%swap3A_1365, %swap3A_1366, %swap3A_1367] {strides = array<i32>} : memref<8x2x128xf32, #tpu.memory_space<vmem>>, vector<16xf32>,
    tpu.vector_store %arg6[%swap3A_1365, %swap3A_1366, %swap3A_1367], %sub3A_1362 {strides = array<i32>} : memref<8x2x128xf32, #tpu.memory_space<vmem>>, vector<16xf32>,
    %get3A_1369 = arith.constant 528 : index
    %get3A_1370 = tpu.vector_load %arg7[%get3A_1369] {strides = array<i32>} : memref<1024xi32, #tpu.memory_space<vmem>>, vector<16xi32>,
    %eq3A_1371 = arith.constant 0 : i32
    %eq3A_1372 = vector.broadcast %eq3A_1371 : i32 to vector<16xi32>
    %eq3A_1373 = arith.cmpi eq, %get3A_1370, %eq3A_1372 : vector<16xi32>
    %eq3A_1374 = arith.constant 1 : i32
    %eq3A_1375 = vector.broadcast %eq3A_1374 : i32 to vector<16xi32>
    %eq3A_1376 = arith.cmpi eq, %get3A_1370, %eq3A_1375 : vector<16xi32>
    %select_n3A_1377 = arith.select %eq3A_1376, %broadcast_in_dim3A_30, %broadcast_in_dim3A_33 : vector<16xi1>, vector<16xf32>
    %select_n3A_1378 = arith.select %eq3A_1373, %broadcast_in_dim3A, %select_n3A_1377 : vector<16xi1>, vector<16xf32>
    %get3A_1379 = arith.constant 4 : i32
    %get3A_1380 = arith.constant 0 : i32
    %get3A_1381 = arith.index_cast %get3A_1379 : i32 to index
    %get3A_1382 = arith.index_cast %get3A_1380 : i32 to index
    %get3A_1383 = arith.constant 16 : index
    %get3A_1384 = tpu.vector_load %arg6[%get3A_1381, %get3A_1382, %get3A_1383] {strides = array<i32>} : memref<8x2x128xf32, #tpu.memory_space<vmem>>, vector<16xf32>,
    %sub3A_1385 = arith.subf %get3A_1384, %select_n3A_1378 : vector<16xf32>
    %swap3A_1386 = arith.constant 4 : i32
    %swap3A_1387 = arith.constant 0 : i32
    %swap3A_1388 = arith.index_cast %swap3A_1386 : i32 to index
    %swap3A_1389 = arith.index_cast %swap3A_1387 : i32 to index
    %swap3A_1390 = arith.constant 16 : index
    %swap3A_1391 = tpu.vector_load %arg6[%swap3A_1388, %swap3A_1389, %swap3A_1390] {strides = array<i32>} : memref<8x2x128xf32, #tpu.memory_space<vmem>>, vector<16xf32>,
    tpu.vector_store %arg6[%swap3A_1388, %swap3A_1389, %swap3A_1390], %sub3A_1385 {strides = array<i32>} : memref<8x2x128xf32, #tpu.memory_space<vmem>>, vector<16xf32>,
    %select_n3A_1392 = arith.select %eq3A_1376, %broadcast_in_dim3A_39, %broadcast_in_dim3A_42 : vector<16xi1>, vector<16xf32>
    %select_n3A_1393 = arith.select %eq3A_1373, %broadcast_in_dim3A_36, %select_n3A_1392 : vector<16xi1>, vector<16xf32>
    %get3A_1394 = arith.constant 4 : i32
    %get3A_1395 = arith.constant 1 : i32
    %get3A_1396 = arith.index_cast %get3A_1394 : i32 to index
    %get3A_1397 = arith.index_cast %get3A_1395 : i32 to index
    %get3A_1398 = arith.constant 16 : index
    %get3A_1399 = tpu.vector_load %arg6[%get3A_1396, %get3A_1397, %get3A_1398] {strides = array<i32>} : memref<8x2x128xf32, #tpu.memory_space<vmem>>, vector<16xf32>,
    %sub3A_1400 = arith.subf %get3A_1399, %select_n3A_1393 : vector<16xf32>
    %swap3A_1401 = arith.constant 4 : i32
    %swap3A_1402 = arith.constant 1 : i32
    %swap3A_1403 = arith.index_cast %swap3A_1401 : i32 to index
    %swap3A_1404 = arith.index_cast %swap3A_1402 : i32 to index
    %swap3A_1405 = arith.constant 16 : index
    %swap3A_1406 = tpu.vector_load %arg6[%swap3A_1403, %swap3A_1404, %swap3A_1405] {strides = array<i32>} : memref<8x2x128xf32, #tpu.memory_space<vmem>>, vector<16xf32>,
    tpu.vector_store %arg6[%swap3A_1403, %swap3A_1404, %swap3A_1405], %sub3A_1400 {strides = array<i32>} : memref<8x2x128xf32, #tpu.memory_space<vmem>>, vector<16xf32>,
    %get3A_1407 = arith.constant 544 : index
    %get3A_1408 = tpu.vector_load %arg7[%get3A_1407] {strides = array<i32>} : memref<1024xi32, #tpu.memory_space<vmem>>, vector<16xi32>,
    %eq3A_1409 = arith.constant 0 : i32
    %eq3A_1410 = vector.broadcast %eq3A_1409 : i32 to vector<16xi32>
    %eq3A_1411 = arith.cmpi eq, %get3A_1408, %eq3A_1410 : vector<16xi32>
    %eq3A_1412 = arith.constant 1 : i32
    %eq3A_1413 = vector.broadcast %eq3A_1412 : i32 to vector<16xi32>
    %eq3A_1414 = arith.cmpi eq, %get3A_1408, %eq3A_1413 : vector<16xi32>
    %select_n3A_1415 = arith.select %eq3A_1414, %broadcast_in_dim3A_30, %broadcast_in_dim3A_33 : vector<16xi1>, vector<16xf32>
    %select_n3A_1416 = arith.select %eq3A_1411, %broadcast_in_dim3A, %select_n3A_1415 : vector<16xi1>, vector<16xf32>
    %get3A_1417 = arith.constant 4 : i32
    %get3A_1418 = arith.constant 0 : i32
    %get3A_1419 = arith.index_cast %get3A_1417 : i32 to index
    %get3A_1420 = arith.index_cast %get3A_1418 : i32 to index
    %get3A_1421 = arith.constant 32 : index
    %get3A_1422 = tpu.vector_load %arg6[%get3A_1419, %get3A_1420, %get3A_1421] {strides = array<i32>} : memref<8x2x128xf32, #tpu.memory_space<vmem>>, vector<16xf32>,
    %sub3A_1423 = arith.subf %get3A_1422, %select_n3A_1416 : vector<16xf32>
    %swap3A_1424 = arith.constant 4 : i32
    %swap3A_1425 = arith.constant 0 : i32
    %swap3A_1426 = arith.index_cast %swap3A_1424 : i32 to index
    %swap3A_1427 = arith.index_cast %swap3A_1425 : i32 to index
    %swap3A_1428 = arith.constant 32 : index
    %swap3A_1429 = tpu.vector_load %arg6[%swap3A_1426, %swap3A_1427, %swap3A_1428] {strides = array<i32>} : memref<8x2x128xf32, #tpu.memory_space<vmem>>, vector<16xf32>,
    tpu.vector_store %arg6[%swap3A_1426, %swap3A_1427, %swap3A_1428], %sub3A_1423 {strides = array<i32>} : memref<8x2x128xf32, #tpu.memory_space<vmem>>, vector<16xf32>,
    %select_n3A_1430 = arith.select %eq3A_1414, %broadcast_in_dim3A_39, %broadcast_in_dim3A_42 : vector<16xi1>, vector<16xf32>
    %select_n3A_1431 = arith.select %eq3A_1411, %broadcast_in_dim3A_36, %select_n3A_1430 : vector<16xi1>, vector<16xf32>
    %get3A_1432 = arith.constant 4 : i32
    %get3A_1433 = arith.constant 1 : i32
    %get3A_1434 = arith.index_cast %get3A_1432 : i32 to index
    %get3A_1435 = arith.index_cast %get3A_1433 : i32 to index
    %get3A_1436 = arith.constant 32 : index
    %get3A_1437 = tpu.vector_load %arg6[%get3A_1434, %get3A_1435, %get3A_1436] {strides = array<i32>} : memref<8x2x128xf32, #tpu.memory_space<vmem>>, vector<16xf32>,
    %sub3A_1438 = arith.subf %get3A_1437, %select_n3A_1431 : vector<16xf32>
    %swap3A_1439 = arith.constant 4 : i32
    %swap3A_1440 = arith.constant 1 : i32
    %swap3A_1441 = arith.index_cast %swap3A_1439 : i32 to index
    %swap3A_1442 = arith.index_cast %swap3A_1440 : i32 to index
    %swap3A_1443 = arith.constant 32 : index
    %swap3A_1444 = tpu.vector_load %arg6[%swap3A_1441, %swap3A_1442, %swap3A_1443] {strides = array<i32>} : memref<8x2x128xf32, #tpu.memory_space<vmem>>, vector<16xf32>,
    tpu.vector_store %arg6[%swap3A_1441, %swap3A_1442, %swap3A_1443], %sub3A_1438 {strides = array<i32>} : memref<8x2x128xf32, #tpu.memory_space<vmem>>, vector<16xf32>,
    %get3A_1445 = arith.constant 560 : index
    %get3A_1446 = tpu.vector_load %arg7[%get3A_1445] {strides = array<i32>} : memref<1024xi32, #tpu.memory_space<vmem>>, vector<16xi32>,
    %eq3A_1447 = arith.constant 0 : i32
    %eq3A_1448 = vector.broadcast %eq3A_1447 : i32 to vector<16xi32>
    %eq3A_1449 = arith.cmpi eq, %get3A_1446, %eq3A_1448 : vector<16xi32>
    %eq3A_1450 = arith.constant 1 : i32
    %eq3A_1451 = vector.broadcast %eq3A_1450 : i32 to vector<16xi32>
    %eq3A_1452 = arith.cmpi eq, %get3A_1446, %eq3A_1451 : vector<16xi32>
    %select_n3A_1453 = arith.select %eq3A_1452, %broadcast_in_dim3A_30, %broadcast_in_dim3A_33 : vector<16xi1>, vector<16xf32>
    %select_n3A_1454 = arith.select %eq3A_1449, %broadcast_in_dim3A, %select_n3A_1453 : vector<16xi1>, vector<16xf32>
    %get3A_1455 = arith.constant 4 : i32
    %get3A_1456 = arith.constant 0 : i32
    %get3A_1457 = arith.index_cast %get3A_1455 : i32 to index
    %get3A_1458 = arith.index_cast %get3A_1456 : i32 to index
    %get3A_1459 = arith.constant 48 : index
    %get3A_1460 = tpu.vector_load %arg6[%get3A_1457, %get3A_1458, %get3A_1459] {strides = array<i32>} : memref<8x2x128xf32, #tpu.memory_space<vmem>>, vector<16xf32>,
    %sub3A_1461 = arith.subf %get3A_1460, %select_n3A_1454 : vector<16xf32>
    %swap3A_1462 = arith.constant 4 : i32
    %swap3A_1463 = arith.constant 0 : i32
    %swap3A_1464 = arith.index_cast %swap3A_1462 : i32 to index
    %swap3A_1465 = arith.index_cast %swap3A_1463 : i32 to index
    %swap3A_1466 = arith.constant 48 : index
    %swap3A_1467 = tpu.vector_load %arg6[%swap3A_1464, %swap3A_1465, %swap3A_1466] {strides = array<i32>} : memref<8x2x128xf32, #tpu.memory_space<vmem>>, vector<16xf32>,
    tpu.vector_store %arg6[%swap3A_1464, %swap3A_1465, %swap3A_1466], %sub3A_1461 {strides = array<i32>} : memref<8x2x128xf32, #tpu.memory_space<vmem>>, vector<16xf32>,
    %select_n3A_1468 = arith.select %eq3A_1452, %broadcast_in_dim3A_39, %broadcast_in_dim3A_42 : vector<16xi1>, vector<16xf32>
    %select_n3A_1469 = arith.select %eq3A_1449, %broadcast_in_dim3A_36, %select_n3A_1468 : vector<16xi1>, vector<16xf32>
    %get3A_1470 = arith.constant 4 : i32
    %get3A_1471 = arith.constant 1 : i32
    %get3A_1472 = arith.index_cast %get3A_1470 : i32 to index
    %get3A_1473 = arith.index_cast %get3A_1471 : i32 to index
    %get3A_1474 = arith.constant 48 : index
    %get3A_1475 = tpu.vector_load %arg6[%get3A_1472, %get3A_1473, %get3A_1474] {strides = array<i32>} : memref<8x2x128xf32, #tpu.memory_space<vmem>>, vector<16xf32>,
    %sub3A_1476 = arith.subf %get3A_1475, %select_n3A_1469 : vector<16xf32>
    %swap3A_1477 = arith.constant 4 : i32
    %swap3A_1478 = arith.constant 1 : i32
    %swap3A_1479 = arith.index_cast %swap3A_1477 : i32 to index
    %swap3A_1480 = arith.index_cast %swap3A_1478 : i32 to index
    %swap3A_1481 = arith.constant 48 : index
    %swap3A_1482 = tpu.vector_load %arg6[%swap3A_1479, %swap3A_1480, %swap3A_1481] {strides = array<i32>} : memref<8x2x128xf32, #tpu.memory_space<vmem>>, vector<16xf32>,
    tpu.vector_store %arg6[%swap3A_1479, %swap3A_1480, %swap3A_1481], %sub3A_1476 {strides = array<i32>} : memref<8x2x128xf32, #tpu.memory_space<vmem>>, vector<16xf32>,
    %get3A_1483 = arith.constant 576 : index
    %get3A_1484 = tpu.vector_load %arg7[%get3A_1483] {strides = array<i32>} : memref<1024xi32, #tpu.memory_space<vmem>>, vector<16xi32>,
    %eq3A_1485 = arith.constant 0 : i32
    %eq3A_1486 = vector.broadcast %eq3A_1485 : i32 to vector<16xi32>
    %eq3A_1487 = arith.cmpi eq, %get3A_1484, %eq3A_1486 : vector<16xi32>
    %eq3A_1488 = arith.constant 1 : i32
    %eq3A_1489 = vector.broadcast %eq3A_1488 : i32 to vector<16xi32>
    %eq3A_1490 = arith.cmpi eq, %get3A_1484, %eq3A_1489 : vector<16xi32>
    %select_n3A_1491 = arith.select %eq3A_1490, %broadcast_in_dim3A_30, %broadcast_in_dim3A_33 : vector<16xi1>, vector<16xf32>
    %select_n3A_1492 = arith.select %eq3A_1487, %broadcast_in_dim3A, %select_n3A_1491 : vector<16xi1>, vector<16xf32>
    %get3A_1493 = arith.constant 4 : i32
    %get3A_1494 = arith.constant 0 : i32
    %get3A_1495 = arith.index_cast %get3A_1493 : i32 to index
    %get3A_1496 = arith.index_cast %get3A_1494 : i32 to index
    %get3A_1497 = arith.constant 64 : index
    %get3A_1498 = tpu.vector_load %arg6[%get3A_1495, %get3A_1496, %get3A_1497] {strides = array<i32>} : memref<8x2x128xf32, #tpu.memory_space<vmem>>, vector<16xf32>,
    %sub3A_1499 = arith.subf %get3A_1498, %select_n3A_1492 : vector<16xf32>
    %swap3A_1500 = arith.constant 4 : i32
    %swap3A_1501 = arith.constant 0 : i32
    %swap3A_1502 = arith.index_cast %swap3A_1500 : i32 to index
    %swap3A_1503 = arith.index_cast %swap3A_1501 : i32 to index
    %swap3A_1504 = arith.constant 64 : index
    %swap3A_1505 = tpu.vector_load %arg6[%swap3A_1502, %swap3A_1503, %swap3A_1504] {strides = array<i32>} : memref<8x2x128xf32, #tpu.memory_space<vmem>>, vector<16xf32>,
    tpu.vector_store %arg6[%swap3A_1502, %swap3A_1503, %swap3A_1504], %sub3A_1499 {strides = array<i32>} : memref<8x2x128xf32, #tpu.memory_space<vmem>>, vector<16xf32>,
    %select_n3A_1506 = arith.select %eq3A_1490, %broadcast_in_dim3A_39, %broadcast_in_dim3A_42 : vector<16xi1>, vector<16xf32>
    %select_n3A_1507 = arith.select %eq3A_1487, %broadcast_in_dim3A_36, %select_n3A_1506 : vector<16xi1>, vector<16xf32>
    %get3A_1508 = arith.constant 4 : i32
    %get3A_1509 = arith.constant 1 : i32
    %get3A_1510 = arith.index_cast %get3A_1508 : i32 to index
    %get3A_1511 = arith.index_cast %get3A_1509 : i32 to index
    %get3A_1512 = arith.constant 64 : index
    %get3A_1513 = tpu.vector_load %arg6[%get3A_1510, %get3A_1511, %get3A_1512] {strides = array<i32>} : memref<8x2x128xf32, #tpu.memory_space<vmem>>, vector<16xf32>,
    %sub3A_1514 = arith.subf %get3A_1513, %select_n3A_1507 : vector<16xf32>
    %swap3A_1515 = arith.constant 4 : i32
    %swap3A_1516 = arith.constant 1 : i32
    %swap3A_1517 = arith.index_cast %swap3A_1515 : i32 to index
    %swap3A_1518 = arith.index_cast %swap3A_1516 : i32 to index
    %swap3A_1519 = arith.constant 64 : index
    %swap3A_1520 = tpu.vector_load %arg6[%swap3A_1517, %swap3A_1518, %swap3A_1519] {strides = array<i32>} : memref<8x2x128xf32, #tpu.memory_space<vmem>>, vector<16xf32>,
    tpu.vector_store %arg6[%swap3A_1517, %swap3A_1518, %swap3A_1519], %sub3A_1514 {strides = array<i32>} : memref<8x2x128xf32, #tpu.memory_space<vmem>>, vector<16xf32>,
    %get3A_1521 = arith.constant 592 : index
    %get3A_1522 = tpu.vector_load %arg7[%get3A_1521] {strides = array<i32>} : memref<1024xi32, #tpu.memory_space<vmem>>, vector<16xi32>,
    %eq3A_1523 = arith.constant 0 : i32
    %eq3A_1524 = vector.broadcast %eq3A_1523 : i32 to vector<16xi32>
    %eq3A_1525 = arith.cmpi eq, %get3A_1522, %eq3A_1524 : vector<16xi32>
    %eq3A_1526 = arith.constant 1 : i32
    %eq3A_1527 = vector.broadcast %eq3A_1526 : i32 to vector<16xi32>
    %eq3A_1528 = arith.cmpi eq, %get3A_1522, %eq3A_1527 : vector<16xi32>
    %select_n3A_1529 = arith.select %eq3A_1528, %broadcast_in_dim3A_30, %broadcast_in_dim3A_33 : vector<16xi1>, vector<16xf32>
    %select_n3A_1530 = arith.select %eq3A_1525, %broadcast_in_dim3A, %select_n3A_1529 : vector<16xi1>, vector<16xf32>
    %get3A_1531 = arith.constant 4 : i32
    %get3A_1532 = arith.constant 0 : i32
    %get3A_1533 = arith.index_cast %get3A_1531 : i32 to index
    %get3A_1534 = arith.index_cast %get3A_1532 : i32 to index
    %get3A_1535 = arith.constant 80 : index
    %get3A_1536 = tpu.vector_load %arg6[%get3A_1533, %get3A_1534, %get3A_1535] {strides = array<i32>} : memref<8x2x128xf32, #tpu.memory_space<vmem>>, vector<16xf32>,
    %sub3A_1537 = arith.subf %get3A_1536, %select_n3A_1530 : vector<16xf32>
    %swap3A_1538 = arith.constant 4 : i32
    %swap3A_1539 = arith.constant 0 : i32
    %swap3A_1540 = arith.index_cast %swap3A_1538 : i32 to index
    %swap3A_1541 = arith.index_cast %swap3A_1539 : i32 to index
    %swap3A_1542 = arith.constant 80 : index
    %swap3A_1543 = tpu.vector_load %arg6[%swap3A_1540, %swap3A_1541, %swap3A_1542] {strides = array<i32>} : memref<8x2x128xf32, #tpu.memory_space<vmem>>, vector<16xf32>,
    tpu.vector_store %arg6[%swap3A_1540, %swap3A_1541, %swap3A_1542], %sub3A_1537 {strides = array<i32>} : memref<8x2x128xf32, #tpu.memory_space<vmem>>, vector<16xf32>,
    %select_n3A_1544 = arith.select %eq3A_1528, %broadcast_in_dim3A_39, %broadcast_in_dim3A_42 : vector<16xi1>, vector<16xf32>
    %select_n3A_1545 = arith.select %eq3A_1525, %broadcast_in_dim3A_36, %select_n3A_1544 : vector<16xi1>, vector<16xf32>
    %get3A_1546 = arith.constant 4 : i32
    %get3A_1547 = arith.constant 1 : i32
    %get3A_1548 = arith.index_cast %get3A_1546 : i32 to index
    %get3A_1549 = arith.index_cast %get3A_1547 : i32 to index
    %get3A_1550 = arith.constant 80 : index
    %get3A_1551 = tpu.vector_load %arg6[%get3A_1548, %get3A_1549, %get3A_1550] {strides = array<i32>} : memref<8x2x128xf32, #tpu.memory_space<vmem>>, vector<16xf32>,
    %sub3A_1552 = arith.subf %get3A_1551, %select_n3A_1545 : vector<16xf32>
    %swap3A_1553 = arith.constant 4 : i32
    %swap3A_1554 = arith.constant 1 : i32
    %swap3A_1555 = arith.index_cast %swap3A_1553 : i32 to index
    %swap3A_1556 = arith.index_cast %swap3A_1554 : i32 to index
    %swap3A_1557 = arith.constant 80 : index
    %swap3A_1558 = tpu.vector_load %arg6[%swap3A_1555, %swap3A_1556, %swap3A_1557] {strides = array<i32>} : memref<8x2x128xf32, #tpu.memory_space<vmem>>, vector<16xf32>,
    tpu.vector_store %arg6[%swap3A_1555, %swap3A_1556, %swap3A_1557], %sub3A_1552 {strides = array<i32>} : memref<8x2x128xf32, #tpu.memory_space<vmem>>, vector<16xf32>,
    %get3A_1559 = arith.constant 608 : index
    %get3A_1560 = tpu.vector_load %arg7[%get3A_1559] {strides = array<i32>} : memref<1024xi32, #tpu.memory_space<vmem>>, vector<16xi32>,
    %eq3A_1561 = arith.constant 0 : i32
    %eq3A_1562 = vector.broadcast %eq3A_1561 : i32 to vector<16xi32>
    %eq3A_1563 = arith.cmpi eq, %get3A_1560, %eq3A_1562 : vector<16xi32>
    %eq3A_1564 = arith.constant 1 : i32
    %eq3A_1565 = vector.broadcast %eq3A_1564 : i32 to vector<16xi32>
    %eq3A_1566 = arith.cmpi eq, %get3A_1560, %eq3A_1565 : vector<16xi32>
    %select_n3A_1567 = arith.select %eq3A_1566, %broadcast_in_dim3A_30, %broadcast_in_dim3A_33 : vector<16xi1>, vector<16xf32>
    %select_n3A_1568 = arith.select %eq3A_1563, %broadcast_in_dim3A, %select_n3A_1567 : vector<16xi1>, vector<16xf32>
    %get3A_1569 = arith.constant 4 : i32
    %get3A_1570 = arith.constant 0 : i32
    %get3A_1571 = arith.index_cast %get3A_1569 : i32 to index
    %get3A_1572 = arith.index_cast %get3A_1570 : i32 to index
    %get3A_1573 = arith.constant 96 : index
    %get3A_1574 = tpu.vector_load %arg6[%get3A_1571, %get3A_1572, %get3A_1573] {strides = array<i32>} : memref<8x2x128xf32, #tpu.memory_space<vmem>>, vector<16xf32>,
    %sub3A_1575 = arith.subf %get3A_1574, %select_n3A_1568 : vector<16xf32>
    %swap3A_1576 = arith.constant 4 : i32
    %swap3A_1577 = arith.constant 0 : i32
    %swap3A_1578 = arith.index_cast %swap3A_1576 : i32 to index
    %swap3A_1579 = arith.index_cast %swap3A_1577 : i32 to index
    %swap3A_1580 = arith.constant 96 : index
    %swap3A_1581 = tpu.vector_load %arg6[%swap3A_1578, %swap3A_1579, %swap3A_1580] {strides = array<i32>} : memref<8x2x128xf32, #tpu.memory_space<vmem>>, vector<16xf32>,
    tpu.vector_store %arg6[%swap3A_1578, %swap3A_1579, %swap3A_1580], %sub3A_1575 {strides = array<i32>} : memref<8x2x128xf32, #tpu.memory_space<vmem>>, vector<16xf32>,
    %select_n3A_1582 = arith.select %eq3A_1566, %broadcast_in_dim3A_39, %broadcast_in_dim3A_42 : vector<16xi1>, vector<16xf32>
    %select_n3A_1583 = arith.select %eq3A_1563, %broadcast_in_dim3A_36, %select_n3A_1582 : vector<16xi1>, vector<16xf32>
    %get3A_1584 = arith.constant 4 : i32
    %get3A_1585 = arith.constant 1 : i32
    %get3A_1586 = arith.index_cast %get3A_1584 : i32 to index
    %get3A_1587 = arith.index_cast %get3A_1585 : i32 to index
    %get3A_1588 = arith.constant 96 : index
    %get3A_1589 = tpu.vector_load %arg6[%get3A_1586, %get3A_1587, %get3A_1588] {strides = array<i32>} : memref<8x2x128xf32, #tpu.memory_space<vmem>>, vector<16xf32>,
    %sub3A_1590 = arith.subf %get3A_1589, %select_n3A_1583 : vector<16xf32>
    %swap3A_1591 = arith.constant 4 : i32
    %swap3A_1592 = arith.constant 1 : i32
    %swap3A_1593 = arith.index_cast %swap3A_1591 : i32 to index
    %swap3A_1594 = arith.index_cast %swap3A_1592 : i32 to index
    %swap3A_1595 = arith.constant 96 : index
    %swap3A_1596 = tpu.vector_load %arg6[%swap3A_1593, %swap3A_1594, %swap3A_1595] {strides = array<i32>} : memref<8x2x128xf32, #tpu.memory_space<vmem>>, vector<16xf32>,
    tpu.vector_store %arg6[%swap3A_1593, %swap3A_1594, %swap3A_1595], %sub3A_1590 {strides = array<i32>} : memref<8x2x128xf32, #tpu.memory_space<vmem>>, vector<16xf32>,
    %get3A_1597 = arith.constant 624 : index
    %get3A_1598 = tpu.vector_load %arg7[%get3A_1597] {strides = array<i32>} : memref<1024xi32, #tpu.memory_space<vmem>>, vector<16xi32>,
    %eq3A_1599 = arith.constant 0 : i32
    %eq3A_1600 = vector.broadcast %eq3A_1599 : i32 to vector<16xi32>
    %eq3A_1601 = arith.cmpi eq, %get3A_1598, %eq3A_1600 : vector<16xi32>
    %eq3A_1602 = arith.constant 1 : i32
    %eq3A_1603 = vector.broadcast %eq3A_1602 : i32 to vector<16xi32>
    %eq3A_1604 = arith.cmpi eq, %get3A_1598, %eq3A_1603 : vector<16xi32>
    %select_n3A_1605 = arith.select %eq3A_1604, %broadcast_in_dim3A_30, %broadcast_in_dim3A_33 : vector<16xi1>, vector<16xf32>
    %select_n3A_1606 = arith.select %eq3A_1601, %broadcast_in_dim3A, %select_n3A_1605 : vector<16xi1>, vector<16xf32>
    %get3A_1607 = arith.constant 4 : i32
    %get3A_1608 = arith.constant 0 : i32
    %get3A_1609 = arith.index_cast %get3A_1607 : i32 to index
    %get3A_1610 = arith.index_cast %get3A_1608 : i32 to index
    %get3A_1611 = arith.constant 112 : index
    %get3A_1612 = tpu.vector_load %arg6[%get3A_1609, %get3A_1610, %get3A_1611] {strides = array<i32>} : memref<8x2x128xf32, #tpu.memory_space<vmem>>, vector<16xf32>,
    %sub3A_1613 = arith.subf %get3A_1612, %select_n3A_1606 : vector<16xf32>
    %swap3A_1614 = arith.constant 4 : i32
    %swap3A_1615 = arith.constant 0 : i32
    %swap3A_1616 = arith.index_cast %swap3A_1614 : i32 to index
    %swap3A_1617 = arith.index_cast %swap3A_1615 : i32 to index
    %swap3A_1618 = arith.constant 112 : index
    %swap3A_1619 = tpu.vector_load %arg6[%swap3A_1616, %swap3A_1617, %swap3A_1618] {strides = array<i32>} : memref<8x2x128xf32, #tpu.memory_space<vmem>>, vector<16xf32>,
    tpu.vector_store %arg6[%swap3A_1616, %swap3A_1617, %swap3A_1618], %sub3A_1613 {strides = array<i32>} : memref<8x2x128xf32, #tpu.memory_space<vmem>>, vector<16xf32>,
    %select_n3A_1620 = arith.select %eq3A_1604, %broadcast_in_dim3A_39, %broadcast_in_dim3A_42 : vector<16xi1>, vector<16xf32>
    %select_n3A_1621 = arith.select %eq3A_1601, %broadcast_in_dim3A_36, %select_n3A_1620 : vector<16xi1>, vector<16xf32>
    %get3A_1622 = arith.constant 4 : i32
    %get3A_1623 = arith.constant 1 : i32
    %get3A_1624 = arith.index_cast %get3A_1622 : i32 to index
    %get3A_1625 = arith.index_cast %get3A_1623 : i32 to index
    %get3A_1626 = arith.constant 112 : index
    %get3A_1627 = tpu.vector_load %arg6[%get3A_1624, %get3A_1625, %get3A_1626] {strides = array<i32>} : memref<8x2x128xf32, #tpu.memory_space<vmem>>, vector<16xf32>,
    %sub3A_1628 = arith.subf %get3A_1627, %select_n3A_1621 : vector<16xf32>
    %swap3A_1629 = arith.constant 4 : i32
    %swap3A_1630 = arith.constant 1 : i32
    %swap3A_1631 = arith.index_cast %swap3A_1629 : i32 to index
    %swap3A_1632 = arith.index_cast %swap3A_1630 : i32 to index
    %swap3A_1633 = arith.constant 112 : index
    %swap3A_1634 = tpu.vector_load %arg6[%swap3A_1631, %swap3A_1632, %swap3A_1633] {strides = array<i32>} : memref<8x2x128xf32, #tpu.memory_space<vmem>>, vector<16xf32>,
    tpu.vector_store %arg6[%swap3A_1631, %swap3A_1632, %swap3A_1633], %sub3A_1628 {strides = array<i32>} : memref<8x2x128xf32, #tpu.memory_space<vmem>>, vector<16xf32>,
    %add3A_1635 = arith.constant 4 : i32
    %add3A_1636 = arith.addi %mul3A_2, %add3A_1635 : i32
    %dma_start3A_1637 = arith.constant 4 : i32
    %dma_start3A_1638 = arith.constant 0 : i32
    %dma_start3A_1639 = arith.constant 0 : i32
    %dma_start3A_1640 = tpu.memref_slice %arg6[%dma_start3A_1637, %dma_start3A_1638, %dma_start3A_1639] : memref<8x2x128xf32, #tpu.memory_space<vmem>> -> memref<1x2x128xf32, #tpu.memory_space<vmem>>
    %dma_start3A_1641 = tpu.memref_squeeze %dma_start3A_1640 : memref<1x2x128xf32, #tpu.memory_space<vmem>> -> memref<2x128xf32, #tpu.memory_space<vmem>>
    %dma_start3A_1642 = arith.constant 0 : i32
    %dma_start3A_1643 = arith.constant 0 : i32
    %dma_start3A_1644 = tpu.memref_slice %arg5[%add3A_1636, %dma_start3A_1642, %dma_start3A_1643] : memref<128x2x128xf32, #tpu.memory_space<hbm>> -> memref<1x2x128xf32, #tpu.memory_space<hbm>>
    %dma_start3A_1645 = tpu.memref_squeeze %dma_start3A_1644 : memref<1x2x128xf32, #tpu.memory_space<hbm>> -> memref<2x128xf32, #tpu.memory_space<hbm>>
    %dma_start3A_1646 = arith.constant 0 : i32
    %dma_start3A_1647 = arith.constant 0 : i32
    %dma_start3A_1648 = tpu.memref_slice %arg5[%add3A_1636, %dma_start3A_1646, %dma_start3A_1647] : memref<128x2x128xf32, #tpu.memory_space<hbm>> -> memref<1x2x128xf32, #tpu.memory_space<hbm>>
    %dma_start3A_1649 = tpu.memref_squeeze %dma_start3A_1648 : memref<1x2x128xf32, #tpu.memory_space<hbm>> -> memref<2x128xf32, #tpu.memory_space<hbm>>
    %dma_start3A_1650 = arith.constant 0 : i32
    %dma_start3A_1651 = arith.constant 0 : i32
    %dma_start3A_1652 = tpu.memref_slice %arg6[%dma_start3A_1637, %dma_start3A_1650, %dma_start3A_1651] : memref<8x2x128xf32, #tpu.memory_space<vmem>> -> memref<1x2x128xf32, #tpu.memory_space<vmem>>
    %dma_start3A_1653 = tpu.memref_squeeze %dma_start3A_1652 : memref<1x2x128xf32, #tpu.memory_space<vmem>> -> memref<2x128xf32, #tpu.memory_space<vmem>>
    tpu.enqueue_dma source(%dma_start3A_1653 : memref<2x128xf32, #tpu.memory_space<vmem>>) target(%dma_start3A_1649 : memref<2x128xf32, #tpu.memory_space<hbm>>) target_semaphore(%arg9 : memref<!tpu.dma_semaphore, #tpu.memory_space<semaphore_mem>>)
    %get3A_1654 = arith.constant 640 : index
    %get3A_1655 = tpu.vector_load %arg7[%get3A_1654] {strides = array<i32>} : memref<1024xi32, #tpu.memory_space<vmem>>, vector<16xi32>,
    %eq3A_1656 = arith.constant 0 : i32
    %eq3A_1657 = vector.broadcast %eq3A_1656 : i32 to vector<16xi32>
    %eq3A_1658 = arith.cmpi eq, %get3A_1655, %eq3A_1657 : vector<16xi32>
    %eq3A_1659 = arith.constant 1 : i32
    %eq3A_1660 = vector.broadcast %eq3A_1659 : i32 to vector<16xi32>
    %eq3A_1661 = arith.cmpi eq, %get3A_1655, %eq3A_1660 : vector<16xi32>
    %select_n3A_1662 = arith.select %eq3A_1661, %broadcast_in_dim3A_30, %broadcast_in_dim3A_33 : vector<16xi1>, vector<16xf32>
    %select_n3A_1663 = arith.select %eq3A_1658, %broadcast_in_dim3A, %select_n3A_1662 : vector<16xi1>, vector<16xf32>
    %get3A_1664 = arith.constant 5 : i32
    %get3A_1665 = arith.constant 0 : i32
    %get3A_1666 = arith.index_cast %get3A_1664 : i32 to index
    %get3A_1667 = arith.index_cast %get3A_1665 : i32 to index
    %get3A_1668 = arith.constant 0 : index
    %get3A_1669 = tpu.vector_load %arg6[%get3A_1666, %get3A_1667, %get3A_1668] {strides = array<i32>} : memref<8x2x128xf32, #tpu.memory_space<vmem>>, vector<16xf32>,
    %sub3A_1670 = arith.subf %get3A_1669, %select_n3A_1663 : vector<16xf32>
    %swap3A_1671 = arith.constant 5 : i32
    %swap3A_1672 = arith.constant 0 : i32
    %swap3A_1673 = arith.index_cast %swap3A_1671 : i32 to index
    %swap3A_1674 = arith.index_cast %swap3A_1672 : i32 to index
    %swap3A_1675 = arith.constant 0 : index
    %swap3A_1676 = tpu.vector_load %arg6[%swap3A_1673, %swap3A_1674, %swap3A_1675] {strides = array<i32>} : memref<8x2x128xf32, #tpu.memory_space<vmem>>, vector<16xf32>,
    tpu.vector_store %arg6[%swap3A_1673, %swap3A_1674, %swap3A_1675], %sub3A_1670 {strides = array<i32>} : memref<8x2x128xf32, #tpu.memory_space<vmem>>, vector<16xf32>,
    %select_n3A_1677 = arith.select %eq3A_1661, %broadcast_in_dim3A_39, %broadcast_in_dim3A_42 : vector<16xi1>, vector<16xf32>
    %select_n3A_1678 = arith.select %eq3A_1658, %broadcast_in_dim3A_36, %select_n3A_1677 : vector<16xi1>, vector<16xf32>
    %get3A_1679 = arith.constant 5 : i32
    %get3A_1680 = arith.constant 1 : i32
    %get3A_1681 = arith.index_cast %get3A_1679 : i32 to index
    %get3A_1682 = arith.index_cast %get3A_1680 : i32 to index
    %get3A_1683 = arith.constant 0 : index
    %get3A_1684 = tpu.vector_load %arg6[%get3A_1681, %get3A_1682, %get3A_1683] {strides = array<i32>} : memref<8x2x128xf32, #tpu.memory_space<vmem>>, vector<16xf32>,
    %sub3A_1685 = arith.subf %get3A_1684, %select_n3A_1678 : vector<16xf32>
    %swap3A_1686 = arith.constant 5 : i32
    %swap3A_1687 = arith.constant 1 : i32
    %swap3A_1688 = arith.index_cast %swap3A_1686 : i32 to index
    %swap3A_1689 = arith.index_cast %swap3A_1687 : i32 to index
    %swap3A_1690 = arith.constant 0 : index
    %swap3A_1691 = tpu.vector_load %arg6[%swap3A_1688, %swap3A_1689, %swap3A_1690] {strides = array<i32>} : memref<8x2x128xf32, #tpu.memory_space<vmem>>, vector<16xf32>,
    tpu.vector_store %arg6[%swap3A_1688, %swap3A_1689, %swap3A_1690], %sub3A_1685 {strides = array<i32>} : memref<8x2x128xf32, #tpu.memory_space<vmem>>, vector<16xf32>,
    %get3A_1692 = arith.constant 656 : index
    %get3A_1693 = tpu.vector_load %arg7[%get3A_1692] {strides = array<i32>} : memref<1024xi32, #tpu.memory_space<vmem>>, vector<16xi32>,
    %eq3A_1694 = arith.constant 0 : i32
    %eq3A_1695 = vector.broadcast %eq3A_1694 : i32 to vector<16xi32>
    %eq3A_1696 = arith.cmpi eq, %get3A_1693, %eq3A_1695 : vector<16xi32>
    %eq3A_1697 = arith.constant 1 : i32
    %eq3A_1698 = vector.broadcast %eq3A_1697 : i32 to vector<16xi32>
    %eq3A_1699 = arith.cmpi eq, %get3A_1693, %eq3A_1698 : vector<16xi32>
    %select_n3A_1700 = arith.select %eq3A_1699, %broadcast_in_dim3A_30, %broadcast_in_dim3A_33 : vector<16xi1>, vector<16xf32>
    %select_n3A_1701 = arith.select %eq3A_1696, %broadcast_in_dim3A, %select_n3A_1700 : vector<16xi1>, vector<16xf32>
    %get3A_1702 = arith.constant 5 : i32
    %get3A_1703 = arith.constant 0 : i32
    %get3A_1704 = arith.index_cast %get3A_1702 : i32 to index
    %get3A_1705 = arith.index_cast %get3A_1703 : i32 to index
    %get3A_1706 = arith.constant 16 : index
    %get3A_1707 = tpu.vector_load %arg6[%get3A_1704, %get3A_1705, %get3A_1706] {strides = array<i32>} : memref<8x2x128xf32, #tpu.memory_space<vmem>>, vector<16xf32>,
    %sub3A_1708 = arith.subf %get3A_1707, %select_n3A_1701 : vector<16xf32>
    %swap3A_1709 = arith.constant 5 : i32
    %swap3A_1710 = arith.constant 0 : i32
    %swap3A_1711 = arith.index_cast %swap3A_1709 : i32 to index
    %swap3A_1712 = arith.index_cast %swap3A_1710 : i32 to index
    %swap3A_1713 = arith.constant 16 : index
    %swap3A_1714 = tpu.vector_load %arg6[%swap3A_1711, %swap3A_1712, %swap3A_1713] {strides = array<i32>} : memref<8x2x128xf32, #tpu.memory_space<vmem>>, vector<16xf32>,
    tpu.vector_store %arg6[%swap3A_1711, %swap3A_1712, %swap3A_1713], %sub3A_1708 {strides = array<i32>} : memref<8x2x128xf32, #tpu.memory_space<vmem>>, vector<16xf32>,
    %select_n3A_1715 = arith.select %eq3A_1699, %broadcast_in_dim3A_39, %broadcast_in_dim3A_42 : vector<16xi1>, vector<16xf32>
    %select_n3A_1716 = arith.select %eq3A_1696, %broadcast_in_dim3A_36, %select_n3A_1715 : vector<16xi1>, vector<16xf32>
    %get3A_1717 = arith.constant 5 : i32
    %get3A_1718 = arith.constant 1 : i32
    %get3A_1719 = arith.index_cast %get3A_1717 : i32 to index
    %get3A_1720 = arith.index_cast %get3A_1718 : i32 to index
    %get3A_1721 = arith.constant 16 : index
    %get3A_1722 = tpu.vector_load %arg6[%get3A_1719, %get3A_1720, %get3A_1721] {strides = array<i32>} : memref<8x2x128xf32, #tpu.memory_space<vmem>>, vector<16xf32>,
    %sub3A_1723 = arith.subf %get3A_1722, %select_n3A_1716 : vector<16xf32>
    %swap3A_1724 = arith.constant 5 : i32
    %swap3A_1725 = arith.constant 1 : i32
    %swap3A_1726 = arith.index_cast %swap3A_1724 : i32 to index
    %swap3A_1727 = arith.index_cast %swap3A_1725 : i32 to index
    %swap3A_1728 = arith.constant 16 : index
    %swap3A_1729 = tpu.vector_load %arg6[%swap3A_1726, %swap3A_1727, %swap3A_1728] {strides = array<i32>} : memref<8x2x128xf32, #tpu.memory_space<vmem>>, vector<16xf32>,
    tpu.vector_store %arg6[%swap3A_1726, %swap3A_1727, %swap3A_1728], %sub3A_1723 {strides = array<i32>} : memref<8x2x128xf32, #tpu.memory_space<vmem>>, vector<16xf32>,
    %get3A_1730 = arith.constant 672 : index
    %get3A_1731 = tpu.vector_load %arg7[%get3A_1730] {strides = array<i32>} : memref<1024xi32, #tpu.memory_space<vmem>>, vector<16xi32>,
    %eq3A_1732 = arith.constant 0 : i32
    %eq3A_1733 = vector.broadcast %eq3A_1732 : i32 to vector<16xi32>
    %eq3A_1734 = arith.cmpi eq, %get3A_1731, %eq3A_1733 : vector<16xi32>
    %eq3A_1735 = arith.constant 1 : i32
    %eq3A_1736 = vector.broadcast %eq3A_1735 : i32 to vector<16xi32>
    %eq3A_1737 = arith.cmpi eq, %get3A_1731, %eq3A_1736 : vector<16xi32>
    %select_n3A_1738 = arith.select %eq3A_1737, %broadcast_in_dim3A_30, %broadcast_in_dim3A_33 : vector<16xi1>, vector<16xf32>
    %select_n3A_1739 = arith.select %eq3A_1734, %broadcast_in_dim3A, %select_n3A_1738 : vector<16xi1>, vector<16xf32>
    %get3A_1740 = arith.constant 5 : i32
    %get3A_1741 = arith.constant 0 : i32
    %get3A_1742 = arith.index_cast %get3A_1740 : i32 to index
    %get3A_1743 = arith.index_cast %get3A_1741 : i32 to index
    %get3A_1744 = arith.constant 32 : index
    %get3A_1745 = tpu.vector_load %arg6[%get3A_1742, %get3A_1743, %get3A_1744] {strides = array<i32>} : memref<8x2x128xf32, #tpu.memory_space<vmem>>, vector<16xf32>,
    %sub3A_1746 = arith.subf %get3A_1745, %select_n3A_1739 : vector<16xf32>
    %swap3A_1747 = arith.constant 5 : i32
    %swap3A_1748 = arith.constant 0 : i32
    %swap3A_1749 = arith.index_cast %swap3A_1747 : i32 to index
    %swap3A_1750 = arith.index_cast %swap3A_1748 : i32 to index
    %swap3A_1751 = arith.constant 32 : index
    %swap3A_1752 = tpu.vector_load %arg6[%swap3A_1749, %swap3A_1750, %swap3A_1751] {strides = array<i32>} : memref<8x2x128xf32, #tpu.memory_space<vmem>>, vector<16xf32>,
    tpu.vector_store %arg6[%swap3A_1749, %swap3A_1750, %swap3A_1751], %sub3A_1746 {strides = array<i32>} : memref<8x2x128xf32, #tpu.memory_space<vmem>>, vector<16xf32>,
    %select_n3A_1753 = arith.select %eq3A_1737, %broadcast_in_dim3A_39, %broadcast_in_dim3A_42 : vector<16xi1>, vector<16xf32>
    %select_n3A_1754 = arith.select %eq3A_1734, %broadcast_in_dim3A_36, %select_n3A_1753 : vector<16xi1>, vector<16xf32>
    %get3A_1755 = arith.constant 5 : i32
    %get3A_1756 = arith.constant 1 : i32
    %get3A_1757 = arith.index_cast %get3A_1755 : i32 to index
    %get3A_1758 = arith.index_cast %get3A_1756 : i32 to index
    %get3A_1759 = arith.constant 32 : index
    %get3A_1760 = tpu.vector_load %arg6[%get3A_1757, %get3A_1758, %get3A_1759] {strides = array<i32>} : memref<8x2x128xf32, #tpu.memory_space<vmem>>, vector<16xf32>,
    %sub3A_1761 = arith.subf %get3A_1760, %select_n3A_1754 : vector<16xf32>
    %swap3A_1762 = arith.constant 5 : i32
    %swap3A_1763 = arith.constant 1 : i32
    %swap3A_1764 = arith.index_cast %swap3A_1762 : i32 to index
    %swap3A_1765 = arith.index_cast %swap3A_1763 : i32 to index
    %swap3A_1766 = arith.constant 32 : index
    %swap3A_1767 = tpu.vector_load %arg6[%swap3A_1764, %swap3A_1765, %swap3A_1766] {strides = array<i32>} : memref<8x2x128xf32, #tpu.memory_space<vmem>>, vector<16xf32>,
    tpu.vector_store %arg6[%swap3A_1764, %swap3A_1765, %swap3A_1766], %sub3A_1761 {strides = array<i32>} : memref<8x2x128xf32, #tpu.memory_space<vmem>>, vector<16xf32>,
    %get3A_1768 = arith.constant 688 : index
    %get3A_1769 = tpu.vector_load %arg7[%get3A_1768] {strides = array<i32>} : memref<1024xi32, #tpu.memory_space<vmem>>, vector<16xi32>,
    %eq3A_1770 = arith.constant 0 : i32
    %eq3A_1771 = vector.broadcast %eq3A_1770 : i32 to vector<16xi32>
    %eq3A_1772 = arith.cmpi eq, %get3A_1769, %eq3A_1771 : vector<16xi32>
    %eq3A_1773 = arith.constant 1 : i32
    %eq3A_1774 = vector.broadcast %eq3A_1773 : i32 to vector<16xi32>
    %eq3A_1775 = arith.cmpi eq, %get3A_1769, %eq3A_1774 : vector<16xi32>
    %select_n3A_1776 = arith.select %eq3A_1775, %broadcast_in_dim3A_30, %broadcast_in_dim3A_33 : vector<16xi1>, vector<16xf32>
    %select_n3A_1777 = arith.select %eq3A_1772, %broadcast_in_dim3A, %select_n3A_1776 : vector<16xi1>, vector<16xf32>
    %get3A_1778 = arith.constant 5 : i32
    %get3A_1779 = arith.constant 0 : i32
    %get3A_1780 = arith.index_cast %get3A_1778 : i32 to index
    %get3A_1781 = arith.index_cast %get3A_1779 : i32 to index
    %get3A_1782 = arith.constant 48 : index
    %get3A_1783 = tpu.vector_load %arg6[%get3A_1780, %get3A_1781, %get3A_1782] {strides = array<i32>} : memref<8x2x128xf32, #tpu.memory_space<vmem>>, vector<16xf32>,
    %sub3A_1784 = arith.subf %get3A_1783, %select_n3A_1777 : vector<16xf32>
    %swap3A_1785 = arith.constant 5 : i32
    %swap3A_1786 = arith.constant 0 : i32
    %swap3A_1787 = arith.index_cast %swap3A_1785 : i32 to index
    %swap3A_1788 = arith.index_cast %swap3A_1786 : i32 to index
    %swap3A_1789 = arith.constant 48 : index
    %swap3A_1790 = tpu.vector_load %arg6[%swap3A_1787, %swap3A_1788, %swap3A_1789] {strides = array<i32>} : memref<8x2x128xf32, #tpu.memory_space<vmem>>, vector<16xf32>,
    tpu.vector_store %arg6[%swap3A_1787, %swap3A_1788, %swap3A_1789], %sub3A_1784 {strides = array<i32>} : memref<8x2x128xf32, #tpu.memory_space<vmem>>, vector<16xf32>,
    %select_n3A_1791 = arith.select %eq3A_1775, %broadcast_in_dim3A_39, %broadcast_in_dim3A_42 : vector<16xi1>, vector<16xf32>
    %select_n3A_1792 = arith.select %eq3A_1772, %broadcast_in_dim3A_36, %select_n3A_1791 : vector<16xi1>, vector<16xf32>
    %get3A_1793 = arith.constant 5 : i32
    %get3A_1794 = arith.constant 1 : i32
    %get3A_1795 = arith.index_cast %get3A_1793 : i32 to index
    %get3A_1796 = arith.index_cast %get3A_1794 : i32 to index
    %get3A_1797 = arith.constant 48 : index
    %get3A_1798 = tpu.vector_load %arg6[%get3A_1795, %get3A_1796, %get3A_1797] {strides = array<i32>} : memref<8x2x128xf32, #tpu.memory_space<vmem>>, vector<16xf32>,
    %sub3A_1799 = arith.subf %get3A_1798, %select_n3A_1792 : vector<16xf32>
    %swap3A_1800 = arith.constant 5 : i32
    %swap3A_1801 = arith.constant 1 : i32
    %swap3A_1802 = arith.index_cast %swap3A_1800 : i32 to index
    %swap3A_1803 = arith.index_cast %swap3A_1801 : i32 to index
    %swap3A_1804 = arith.constant 48 : index
    %swap3A_1805 = tpu.vector_load %arg6[%swap3A_1802, %swap3A_1803, %swap3A_1804] {strides = array<i32>} : memref<8x2x128xf32, #tpu.memory_space<vmem>>, vector<16xf32>,
    tpu.vector_store %arg6[%swap3A_1802, %swap3A_1803, %swap3A_1804], %sub3A_1799 {strides = array<i32>} : memref<8x2x128xf32, #tpu.memory_space<vmem>>, vector<16xf32>,
    %get3A_1806 = arith.constant 704 : index
    %get3A_1807 = tpu.vector_load %arg7[%get3A_1806] {strides = array<i32>} : memref<1024xi32, #tpu.memory_space<vmem>>, vector<16xi32>,
    %eq3A_1808 = arith.constant 0 : i32
    %eq3A_1809 = vector.broadcast %eq3A_1808 : i32 to vector<16xi32>
    %eq3A_1810 = arith.cmpi eq, %get3A_1807, %eq3A_1809 : vector<16xi32>
    %eq3A_1811 = arith.constant 1 : i32
    %eq3A_1812 = vector.broadcast %eq3A_1811 : i32 to vector<16xi32>
    %eq3A_1813 = arith.cmpi eq, %get3A_1807, %eq3A_1812 : vector<16xi32>
    %select_n3A_1814 = arith.select %eq3A_1813, %broadcast_in_dim3A_30, %broadcast_in_dim3A_33 : vector<16xi1>, vector<16xf32>
    %select_n3A_1815 = arith.select %eq3A_1810, %broadcast_in_dim3A, %select_n3A_1814 : vector<16xi1>, vector<16xf32>
    %get3A_1816 = arith.constant 5 : i32
    %get3A_1817 = arith.constant 0 : i32
    %get3A_1818 = arith.index_cast %get3A_1816 : i32 to index
    %get3A_1819 = arith.index_cast %get3A_1817 : i32 to index
    %get3A_1820 = arith.constant 64 : index
    %get3A_1821 = tpu.vector_load %arg6[%get3A_1818, %get3A_1819, %get3A_1820] {strides = array<i32>} : memref<8x2x128xf32, #tpu.memory_space<vmem>>, vector<16xf32>,
    %sub3A_1822 = arith.subf %get3A_1821, %select_n3A_1815 : vector<16xf32>
    %swap3A_1823 = arith.constant 5 : i32
    %swap3A_1824 = arith.constant 0 : i32
    %swap3A_1825 = arith.index_cast %swap3A_1823 : i32 to index
    %swap3A_1826 = arith.index_cast %swap3A_1824 : i32 to index
    %swap3A_1827 = arith.constant 64 : index
    %swap3A_1828 = tpu.vector_load %arg6[%swap3A_1825, %swap3A_1826, %swap3A_1827] {strides = array<i32>} : memref<8x2x128xf32, #tpu.memory_space<vmem>>, vector<16xf32>,
    tpu.vector_store %arg6[%swap3A_1825, %swap3A_1826, %swap3A_1827], %sub3A_1822 {strides = array<i32>} : memref<8x2x128xf32, #tpu.memory_space<vmem>>, vector<16xf32>,
    %select_n3A_1829 = arith.select %eq3A_1813, %broadcast_in_dim3A_39, %broadcast_in_dim3A_42 : vector<16xi1>, vector<16xf32>
    %select_n3A_1830 = arith.select %eq3A_1810, %broadcast_in_dim3A_36, %select_n3A_1829 : vector<16xi1>, vector<16xf32>
    %get3A_1831 = arith.constant 5 : i32
    %get3A_1832 = arith.constant 1 : i32
    %get3A_1833 = arith.index_cast %get3A_1831 : i32 to index
    %get3A_1834 = arith.index_cast %get3A_1832 : i32 to index
    %get3A_1835 = arith.constant 64 : index
    %get3A_1836 = tpu.vector_load %arg6[%get3A_1833, %get3A_1834, %get3A_1835] {strides = array<i32>} : memref<8x2x128xf32, #tpu.memory_space<vmem>>, vector<16xf32>,
    %sub3A_1837 = arith.subf %get3A_1836, %select_n3A_1830 : vector<16xf32>
    %swap3A_1838 = arith.constant 5 : i32
    %swap3A_1839 = arith.constant 1 : i32
    %swap3A_1840 = arith.index_cast %swap3A_1838 : i32 to index
    %swap3A_1841 = arith.index_cast %swap3A_1839 : i32 to index
    %swap3A_1842 = arith.constant 64 : index
    %swap3A_1843 = tpu.vector_load %arg6[%swap3A_1840, %swap3A_1841, %swap3A_1842] {strides = array<i32>} : memref<8x2x128xf32, #tpu.memory_space<vmem>>, vector<16xf32>,
    tpu.vector_store %arg6[%swap3A_1840, %swap3A_1841, %swap3A_1842], %sub3A_1837 {strides = array<i32>} : memref<8x2x128xf32, #tpu.memory_space<vmem>>, vector<16xf32>,
    %get3A_1844 = arith.constant 720 : index
    %get3A_1845 = tpu.vector_load %arg7[%get3A_1844] {strides = array<i32>} : memref<1024xi32, #tpu.memory_space<vmem>>, vector<16xi32>,
    %eq3A_1846 = arith.constant 0 : i32
    %eq3A_1847 = vector.broadcast %eq3A_1846 : i32 to vector<16xi32>
    %eq3A_1848 = arith.cmpi eq, %get3A_1845, %eq3A_1847 : vector<16xi32>
    %eq3A_1849 = arith.constant 1 : i32
    %eq3A_1850 = vector.broadcast %eq3A_1849 : i32 to vector<16xi32>
    %eq3A_1851 = arith.cmpi eq, %get3A_1845, %eq3A_1850 : vector<16xi32>
    %select_n3A_1852 = arith.select %eq3A_1851, %broadcast_in_dim3A_30, %broadcast_in_dim3A_33 : vector<16xi1>, vector<16xf32>
    %select_n3A_1853 = arith.select %eq3A_1848, %broadcast_in_dim3A, %select_n3A_1852 : vector<16xi1>, vector<16xf32>
    %get3A_1854 = arith.constant 5 : i32
    %get3A_1855 = arith.constant 0 : i32
    %get3A_1856 = arith.index_cast %get3A_1854 : i32 to index
    %get3A_1857 = arith.index_cast %get3A_1855 : i32 to index
    %get3A_1858 = arith.constant 80 : index
    %get3A_1859 = tpu.vector_load %arg6[%get3A_1856, %get3A_1857, %get3A_1858] {strides = array<i32>} : memref<8x2x128xf32, #tpu.memory_space<vmem>>, vector<16xf32>,
    %sub3A_1860 = arith.subf %get3A_1859, %select_n3A_1853 : vector<16xf32>
    %swap3A_1861 = arith.constant 5 : i32
    %swap3A_1862 = arith.constant 0 : i32
    %swap3A_1863 = arith.index_cast %swap3A_1861 : i32 to index
    %swap3A_1864 = arith.index_cast %swap3A_1862 : i32 to index
    %swap3A_1865 = arith.constant 80 : index
    %swap3A_1866 = tpu.vector_load %arg6[%swap3A_1863, %swap3A_1864, %swap3A_1865] {strides = array<i32>} : memref<8x2x128xf32, #tpu.memory_space<vmem>>, vector<16xf32>,
    tpu.vector_store %arg6[%swap3A_1863, %swap3A_1864, %swap3A_1865], %sub3A_1860 {strides = array<i32>} : memref<8x2x128xf32, #tpu.memory_space<vmem>>, vector<16xf32>,
    %select_n3A_1867 = arith.select %eq3A_1851, %broadcast_in_dim3A_39, %broadcast_in_dim3A_42 : vector<16xi1>, vector<16xf32>
    %select_n3A_1868 = arith.select %eq3A_1848, %broadcast_in_dim3A_36, %select_n3A_1867 : vector<16xi1>, vector<16xf32>
    %get3A_1869 = arith.constant 5 : i32
    %get3A_1870 = arith.constant 1 : i32
    %get3A_1871 = arith.index_cast %get3A_1869 : i32 to index
    %get3A_1872 = arith.index_cast %get3A_1870 : i32 to index
    %get3A_1873 = arith.constant 80 : index
    %get3A_1874 = tpu.vector_load %arg6[%get3A_1871, %get3A_1872, %get3A_1873] {strides = array<i32>} : memref<8x2x128xf32, #tpu.memory_space<vmem>>, vector<16xf32>,
    %sub3A_1875 = arith.subf %get3A_1874, %select_n3A_1868 : vector<16xf32>
    %swap3A_1876 = arith.constant 5 : i32
    %swap3A_1877 = arith.constant 1 : i32
    %swap3A_1878 = arith.index_cast %swap3A_1876 : i32 to index
    %swap3A_1879 = arith.index_cast %swap3A_1877 : i32 to index
    %swap3A_1880 = arith.constant 80 : index
    %swap3A_1881 = tpu.vector_load %arg6[%swap3A_1878, %swap3A_1879, %swap3A_1880] {strides = array<i32>} : memref<8x2x128xf32, #tpu.memory_space<vmem>>, vector<16xf32>,
    tpu.vector_store %arg6[%swap3A_1878, %swap3A_1879, %swap3A_1880], %sub3A_1875 {strides = array<i32>} : memref<8x2x128xf32, #tpu.memory_space<vmem>>, vector<16xf32>,
    %get3A_1882 = arith.constant 736 : index
    %get3A_1883 = tpu.vector_load %arg7[%get3A_1882] {strides = array<i32>} : memref<1024xi32, #tpu.memory_space<vmem>>, vector<16xi32>,
    %eq3A_1884 = arith.constant 0 : i32
    %eq3A_1885 = vector.broadcast %eq3A_1884 : i32 to vector<16xi32>
    %eq3A_1886 = arith.cmpi eq, %get3A_1883, %eq3A_1885 : vector<16xi32>
    %eq3A_1887 = arith.constant 1 : i32
    %eq3A_1888 = vector.broadcast %eq3A_1887 : i32 to vector<16xi32>
    %eq3A_1889 = arith.cmpi eq, %get3A_1883, %eq3A_1888 : vector<16xi32>
    %select_n3A_1890 = arith.select %eq3A_1889, %broadcast_in_dim3A_30, %broadcast_in_dim3A_33 : vector<16xi1>, vector<16xf32>
    %select_n3A_1891 = arith.select %eq3A_1886, %broadcast_in_dim3A, %select_n3A_1890 : vector<16xi1>, vector<16xf32>
    %get3A_1892 = arith.constant 5 : i32
    %get3A_1893 = arith.constant 0 : i32
    %get3A_1894 = arith.index_cast %get3A_1892 : i32 to index
    %get3A_1895 = arith.index_cast %get3A_1893 : i32 to index
    %get3A_1896 = arith.constant 96 : index
    %get3A_1897 = tpu.vector_load %arg6[%get3A_1894, %get3A_1895, %get3A_1896] {strides = array<i32>} : memref<8x2x128xf32, #tpu.memory_space<vmem>>, vector<16xf32>,
    %sub3A_1898 = arith.subf %get3A_1897, %select_n3A_1891 : vector<16xf32>
    %swap3A_1899 = arith.constant 5 : i32
    %swap3A_1900 = arith.constant 0 : i32
    %swap3A_1901 = arith.index_cast %swap3A_1899 : i32 to index
    %swap3A_1902 = arith.index_cast %swap3A_1900 : i32 to index
    %swap3A_1903 = arith.constant 96 : index
    %swap3A_1904 = tpu.vector_load %arg6[%swap3A_1901, %swap3A_1902, %swap3A_1903] {strides = array<i32>} : memref<8x2x128xf32, #tpu.memory_space<vmem>>, vector<16xf32>,
    tpu.vector_store %arg6[%swap3A_1901, %swap3A_1902, %swap3A_1903], %sub3A_1898 {strides = array<i32>} : memref<8x2x128xf32, #tpu.memory_space<vmem>>, vector<16xf32>,
    %select_n3A_1905 = arith.select %eq3A_1889, %broadcast_in_dim3A_39, %broadcast_in_dim3A_42 : vector<16xi1>, vector<16xf32>
    %select_n3A_1906 = arith.select %eq3A_1886, %broadcast_in_dim3A_36, %select_n3A_1905 : vector<16xi1>, vector<16xf32>
    %get3A_1907 = arith.constant 5 : i32
    %get3A_1908 = arith.constant 1 : i32
    %get3A_1909 = arith.index_cast %get3A_1907 : i32 to index
    %get3A_1910 = arith.index_cast %get3A_1908 : i32 to index
    %get3A_1911 = arith.constant 96 : index
    %get3A_1912 = tpu.vector_load %arg6[%get3A_1909, %get3A_1910, %get3A_1911] {strides = array<i32>} : memref<8x2x128xf32, #tpu.memory_space<vmem>>, vector<16xf32>,
    %sub3A_1913 = arith.subf %get3A_1912, %select_n3A_1906 : vector<16xf32>
    %swap3A_1914 = arith.constant 5 : i32
    %swap3A_1915 = arith.constant 1 : i32
    %swap3A_1916 = arith.index_cast %swap3A_1914 : i32 to index
    %swap3A_1917 = arith.index_cast %swap3A_1915 : i32 to index
    %swap3A_1918 = arith.constant 96 : index
    %swap3A_1919 = tpu.vector_load %arg6[%swap3A_1916, %swap3A_1917, %swap3A_1918] {strides = array<i32>} : memref<8x2x128xf32, #tpu.memory_space<vmem>>, vector<16xf32>,
    tpu.vector_store %arg6[%swap3A_1916, %swap3A_1917, %swap3A_1918], %sub3A_1913 {strides = array<i32>} : memref<8x2x128xf32, #tpu.memory_space<vmem>>, vector<16xf32>,
    %get3A_1920 = arith.constant 752 : index
    %get3A_1921 = tpu.vector_load %arg7[%get3A_1920] {strides = array<i32>} : memref<1024xi32, #tpu.memory_space<vmem>>, vector<16xi32>,
    %eq3A_1922 = arith.constant 0 : i32
    %eq3A_1923 = vector.broadcast %eq3A_1922 : i32 to vector<16xi32>
    %eq3A_1924 = arith.cmpi eq, %get3A_1921, %eq3A_1923 : vector<16xi32>
    %eq3A_1925 = arith.constant 1 : i32
    %eq3A_1926 = vector.broadcast %eq3A_1925 : i32 to vector<16xi32>
    %eq3A_1927 = arith.cmpi eq, %get3A_1921, %eq3A_1926 : vector<16xi32>
    %select_n3A_1928 = arith.select %eq3A_1927, %broadcast_in_dim3A_30, %broadcast_in_dim3A_33 : vector<16xi1>, vector<16xf32>
    %select_n3A_1929 = arith.select %eq3A_1924, %broadcast_in_dim3A, %select_n3A_1928 : vector<16xi1>, vector<16xf32>
    %get3A_1930 = arith.constant 5 : i32
    %get3A_1931 = arith.constant 0 : i32
    %get3A_1932 = arith.index_cast %get3A_1930 : i32 to index
    %get3A_1933 = arith.index_cast %get3A_1931 : i32 to index
    %get3A_1934 = arith.constant 112 : index
    %get3A_1935 = tpu.vector_load %arg6[%get3A_1932, %get3A_1933, %get3A_1934] {strides = array<i32>} : memref<8x2x128xf32, #tpu.memory_space<vmem>>, vector<16xf32>,
    %sub3A_1936 = arith.subf %get3A_1935, %select_n3A_1929 : vector<16xf32>
    %swap3A_1937 = arith.constant 5 : i32
    %swap3A_1938 = arith.constant 0 : i32
    %swap3A_1939 = arith.index_cast %swap3A_1937 : i32 to index
    %swap3A_1940 = arith.index_cast %swap3A_1938 : i32 to index
    %swap3A_1941 = arith.constant 112 : index
    %swap3A_1942 = tpu.vector_load %arg6[%swap3A_1939, %swap3A_1940, %swap3A_1941] {strides = array<i32>} : memref<8x2x128xf32, #tpu.memory_space<vmem>>, vector<16xf32>,
    tpu.vector_store %arg6[%swap3A_1939, %swap3A_1940, %swap3A_1941], %sub3A_1936 {strides = array<i32>} : memref<8x2x128xf32, #tpu.memory_space<vmem>>, vector<16xf32>,
    %select_n3A_1943 = arith.select %eq3A_1927, %broadcast_in_dim3A_39, %broadcast_in_dim3A_42 : vector<16xi1>, vector<16xf32>
    %select_n3A_1944 = arith.select %eq3A_1924, %broadcast_in_dim3A_36, %select_n3A_1943 : vector<16xi1>, vector<16xf32>
    %get3A_1945 = arith.constant 5 : i32
    %get3A_1946 = arith.constant 1 : i32
    %get3A_1947 = arith.index_cast %get3A_1945 : i32 to index
    %get3A_1948 = arith.index_cast %get3A_1946 : i32 to index
    %get3A_1949 = arith.constant 112 : index
    %get3A_1950 = tpu.vector_load %arg6[%get3A_1947, %get3A_1948, %get3A_1949] {strides = array<i32>} : memref<8x2x128xf32, #tpu.memory_space<vmem>>, vector<16xf32>,
    %sub3A_1951 = arith.subf %get3A_1950, %select_n3A_1944 : vector<16xf32>
    %swap3A_1952 = arith.constant 5 : i32
    %swap3A_1953 = arith.constant 1 : i32
    %swap3A_1954 = arith.index_cast %swap3A_1952 : i32 to index
    %swap3A_1955 = arith.index_cast %swap3A_1953 : i32 to index
    %swap3A_1956 = arith.constant 112 : index
    %swap3A_1957 = tpu.vector_load %arg6[%swap3A_1954, %swap3A_1955, %swap3A_1956] {strides = array<i32>} : memref<8x2x128xf32, #tpu.memory_space<vmem>>, vector<16xf32>,
    tpu.vector_store %arg6[%swap3A_1954, %swap3A_1955, %swap3A_1956], %sub3A_1951 {strides = array<i32>} : memref<8x2x128xf32, #tpu.memory_space<vmem>>, vector<16xf32>,
    %add3A_1958 = arith.constant 5 : i32
    %add3A_1959 = arith.addi %mul3A_2, %add3A_1958 : i32
    %dma_start3A_1960 = arith.constant 5 : i32
    %dma_start3A_1961 = arith.constant 0 : i32
    %dma_start3A_1962 = arith.constant 0 : i32
    %dma_start3A_1963 = tpu.memref_slice %arg6[%dma_start3A_1960, %dma_start3A_1961, %dma_start3A_1962] : memref<8x2x128xf32, #tpu.memory_space<vmem>> -> memref<1x2x128xf32, #tpu.memory_space<vmem>>
    %dma_start3A_1964 = tpu.memref_squeeze %dma_start3A_1963 : memref<1x2x128xf32, #tpu.memory_space<vmem>> -> memref<2x128xf32, #tpu.memory_space<vmem>>
    %dma_start3A_1965 = arith.constant 0 : i32
    %dma_start3A_1966 = arith.constant 0 : i32
    %dma_start3A_1967 = tpu.memref_slice %arg5[%add3A_1959, %dma_start3A_1965, %dma_start3A_1966] : memref<128x2x128xf32, #tpu.memory_space<hbm>> -> memref<1x2x128xf32, #tpu.memory_space<hbm>>
    %dma_start3A_1968 = tpu.memref_squeeze %dma_start3A_1967 : memref<1x2x128xf32, #tpu.memory_space<hbm>> -> memref<2x128xf32, #tpu.memory_space<hbm>>
    %dma_start3A_1969 = arith.constant 0 : i32
    %dma_start3A_1970 = arith.constant 0 : i32
    %dma_start3A_1971 = tpu.memref_slice %arg5[%add3A_1959, %dma_start3A_1969, %dma_start3A_1970] : memref<128x2x128xf32, #tpu.memory_space<hbm>> -> memref<1x2x128xf32, #tpu.memory_space<hbm>>
    %dma_start3A_1972 = tpu.memref_squeeze %dma_start3A_1971 : memref<1x2x128xf32, #tpu.memory_space<hbm>> -> memref<2x128xf32, #tpu.memory_space<hbm>>
    %dma_start3A_1973 = arith.constant 0 : i32
    %dma_start3A_1974 = arith.constant 0 : i32
    %dma_start3A_1975 = tpu.memref_slice %arg6[%dma_start3A_1960, %dma_start3A_1973, %dma_start3A_1974] : memref<8x2x128xf32, #tpu.memory_space<vmem>> -> memref<1x2x128xf32, #tpu.memory_space<vmem>>
    %dma_start3A_1976 = tpu.memref_squeeze %dma_start3A_1975 : memref<1x2x128xf32, #tpu.memory_space<vmem>> -> memref<2x128xf32, #tpu.memory_space<vmem>>
    tpu.enqueue_dma source(%dma_start3A_1976 : memref<2x128xf32, #tpu.memory_space<vmem>>) target(%dma_start3A_1972 : memref<2x128xf32, #tpu.memory_space<hbm>>) target_semaphore(%arg9 : memref<!tpu.dma_semaphore, #tpu.memory_space<semaphore_mem>>)
    %get3A_1977 = arith.constant 768 : index
    %get3A_1978 = tpu.vector_load %arg7[%get3A_1977] {strides = array<i32>} : memref<1024xi32, #tpu.memory_space<vmem>>, vector<16xi32>,
    %eq3A_1979 = arith.constant 0 : i32
    %eq3A_1980 = vector.broadcast %eq3A_1979 : i32 to vector<16xi32>
    %eq3A_1981 = arith.cmpi eq, %get3A_1978, %eq3A_1980 : vector<16xi32>
    %eq3A_1982 = arith.constant 1 : i32
    %eq3A_1983 = vector.broadcast %eq3A_1982 : i32 to vector<16xi32>
    %eq3A_1984 = arith.cmpi eq, %get3A_1978, %eq3A_1983 : vector<16xi32>
    %select_n3A_1985 = arith.select %eq3A_1984, %broadcast_in_dim3A_30, %broadcast_in_dim3A_33 : vector<16xi1>, vector<16xf32>
    %select_n3A_1986 = arith.select %eq3A_1981, %broadcast_in_dim3A, %select_n3A_1985 : vector<16xi1>, vector<16xf32>
    %get3A_1987 = arith.constant 6 : i32
    %get3A_1988 = arith.constant 0 : i32
    %get3A_1989 = arith.index_cast %get3A_1987 : i32 to index
    %get3A_1990 = arith.index_cast %get3A_1988 : i32 to index
    %get3A_1991 = arith.constant 0 : index
    %get3A_1992 = tpu.vector_load %arg6[%get3A_1989, %get3A_1990, %get3A_1991] {strides = array<i32>} : memref<8x2x128xf32, #tpu.memory_space<vmem>>, vector<16xf32>,
    %sub3A_1993 = arith.subf %get3A_1992, %select_n3A_1986 : vector<16xf32>
    %swap3A_1994 = arith.constant 6 : i32
    %swap3A_1995 = arith.constant 0 : i32
    %swap3A_1996 = arith.index_cast %swap3A_1994 : i32 to index
    %swap3A_1997 = arith.index_cast %swap3A_1995 : i32 to index
    %swap3A_1998 = arith.constant 0 : index
    %swap3A_1999 = tpu.vector_load %arg6[%swap3A_1996, %swap3A_1997, %swap3A_1998] {strides = array<i32>} : memref<8x2x128xf32, #tpu.memory_space<vmem>>, vector<16xf32>,
    tpu.vector_store %arg6[%swap3A_1996, %swap3A_1997, %swap3A_1998], %sub3A_1993 {strides = array<i32>} : memref<8x2x128xf32, #tpu.memory_space<vmem>>, vector<16xf32>,
    %select_n3A_2000 = arith.select %eq3A_1984, %broadcast_in_dim3A_39, %broadcast_in_dim3A_42 : vector<16xi1>, vector<16xf32>
    %select_n3A_2001 = arith.select %eq3A_1981, %broadcast_in_dim3A_36, %select_n3A_2000 : vector<16xi1>, vector<16xf32>
    %get3A_2002 = arith.constant 6 : i32
    %get3A_2003 = arith.constant 1 : i32
    %get3A_2004 = arith.index_cast %get3A_2002 : i32 to index
    %get3A_2005 = arith.index_cast %get3A_2003 : i32 to index
    %get3A_2006 = arith.constant 0 : index
    %get3A_2007 = tpu.vector_load %arg6[%get3A_2004, %get3A_2005, %get3A_2006] {strides = array<i32>} : memref<8x2x128xf32, #tpu.memory_space<vmem>>, vector<16xf32>,
    %sub3A_2008 = arith.subf %get3A_2007, %select_n3A_2001 : vector<16xf32>
    %swap3A_2009 = arith.constant 6 : i32
    %swap3A_2010 = arith.constant 1 : i32
    %swap3A_2011 = arith.index_cast %swap3A_2009 : i32 to index
    %swap3A_2012 = arith.index_cast %swap3A_2010 : i32 to index
    %swap3A_2013 = arith.constant 0 : index
    %swap3A_2014 = tpu.vector_load %arg6[%swap3A_2011, %swap3A_2012, %swap3A_2013] {strides = array<i32>} : memref<8x2x128xf32, #tpu.memory_space<vmem>>, vector<16xf32>,
    tpu.vector_store %arg6[%swap3A_2011, %swap3A_2012, %swap3A_2013], %sub3A_2008 {strides = array<i32>} : memref<8x2x128xf32, #tpu.memory_space<vmem>>, vector<16xf32>,
    %get3A_2015 = arith.constant 784 : index
    %get3A_2016 = tpu.vector_load %arg7[%get3A_2015] {strides = array<i32>} : memref<1024xi32, #tpu.memory_space<vmem>>, vector<16xi32>,
    %eq3A_2017 = arith.constant 0 : i32
    %eq3A_2018 = vector.broadcast %eq3A_2017 : i32 to vector<16xi32>
    %eq3A_2019 = arith.cmpi eq, %get3A_2016, %eq3A_2018 : vector<16xi32>
    %eq3A_2020 = arith.constant 1 : i32
    %eq3A_2021 = vector.broadcast %eq3A_2020 : i32 to vector<16xi32>
    %eq3A_2022 = arith.cmpi eq, %get3A_2016, %eq3A_2021 : vector<16xi32>
    %select_n3A_2023 = arith.select %eq3A_2022, %broadcast_in_dim3A_30, %broadcast_in_dim3A_33 : vector<16xi1>, vector<16xf32>
    %select_n3A_2024 = arith.select %eq3A_2019, %broadcast_in_dim3A, %select_n3A_2023 : vector<16xi1>, vector<16xf32>
    %get3A_2025 = arith.constant 6 : i32
    %get3A_2026 = arith.constant 0 : i32
    %get3A_2027 = arith.index_cast %get3A_2025 : i32 to index
    %get3A_2028 = arith.index_cast %get3A_2026 : i32 to index
    %get3A_2029 = arith.constant 16 : index
    %get3A_2030 = tpu.vector_load %arg6[%get3A_2027, %get3A_2028, %get3A_2029] {strides = array<i32>} : memref<8x2x128xf32, #tpu.memory_space<vmem>>, vector<16xf32>,
    %sub3A_2031 = arith.subf %get3A_2030, %select_n3A_2024 : vector<16xf32>
    %swap3A_2032 = arith.constant 6 : i32
    %swap3A_2033 = arith.constant 0 : i32
    %swap3A_2034 = arith.index_cast %swap3A_2032 : i32 to index
    %swap3A_2035 = arith.index_cast %swap3A_2033 : i32 to index
    %swap3A_2036 = arith.constant 16 : index
    %swap3A_2037 = tpu.vector_load %arg6[%swap3A_2034, %swap3A_2035, %swap3A_2036] {strides = array<i32>} : memref<8x2x128xf32, #tpu.memory_space<vmem>>, vector<16xf32>,
    tpu.vector_store %arg6[%swap3A_2034, %swap3A_2035, %swap3A_2036], %sub3A_2031 {strides = array<i32>} : memref<8x2x128xf32, #tpu.memory_space<vmem>>, vector<16xf32>,
    %select_n3A_2038 = arith.select %eq3A_2022, %broadcast_in_dim3A_39, %broadcast_in_dim3A_42 : vector<16xi1>, vector<16xf32>
    %select_n3A_2039 = arith.select %eq3A_2019, %broadcast_in_dim3A_36, %select_n3A_2038 : vector<16xi1>, vector<16xf32>
    %get3A_2040 = arith.constant 6 : i32
    %get3A_2041 = arith.constant 1 : i32
    %get3A_2042 = arith.index_cast %get3A_2040 : i32 to index
    %get3A_2043 = arith.index_cast %get3A_2041 : i32 to index
    %get3A_2044 = arith.constant 16 : index
    %get3A_2045 = tpu.vector_load %arg6[%get3A_2042, %get3A_2043, %get3A_2044] {strides = array<i32>} : memref<8x2x128xf32, #tpu.memory_space<vmem>>, vector<16xf32>,
    %sub3A_2046 = arith.subf %get3A_2045, %select_n3A_2039 : vector<16xf32>
    %swap3A_2047 = arith.constant 6 : i32
    %swap3A_2048 = arith.constant 1 : i32
    %swap3A_2049 = arith.index_cast %swap3A_2047 : i32 to index
    %swap3A_2050 = arith.index_cast %swap3A_2048 : i32 to index
    %swap3A_2051 = arith.constant 16 : index
    %swap3A_2052 = tpu.vector_load %arg6[%swap3A_2049, %swap3A_2050, %swap3A_2051] {strides = array<i32>} : memref<8x2x128xf32, #tpu.memory_space<vmem>>, vector<16xf32>,
    tpu.vector_store %arg6[%swap3A_2049, %swap3A_2050, %swap3A_2051], %sub3A_2046 {strides = array<i32>} : memref<8x2x128xf32, #tpu.memory_space<vmem>>, vector<16xf32>,
    %get3A_2053 = arith.constant 800 : index
    %get3A_2054 = tpu.vector_load %arg7[%get3A_2053] {strides = array<i32>} : memref<1024xi32, #tpu.memory_space<vmem>>, vector<16xi32>,
    %eq3A_2055 = arith.constant 0 : i32
    %eq3A_2056 = vector.broadcast %eq3A_2055 : i32 to vector<16xi32>
    %eq3A_2057 = arith.cmpi eq, %get3A_2054, %eq3A_2056 : vector<16xi32>
    %eq3A_2058 = arith.constant 1 : i32
    %eq3A_2059 = vector.broadcast %eq3A_2058 : i32 to vector<16xi32>
    %eq3A_2060 = arith.cmpi eq, %get3A_2054, %eq3A_2059 : vector<16xi32>
    %select_n3A_2061 = arith.select %eq3A_2060, %broadcast_in_dim3A_30, %broadcast_in_dim3A_33 : vector<16xi1>, vector<16xf32>
    %select_n3A_2062 = arith.select %eq3A_2057, %broadcast_in_dim3A, %select_n3A_2061 : vector<16xi1>, vector<16xf32>
    %get3A_2063 = arith.constant 6 : i32
    %get3A_2064 = arith.constant 0 : i32
    %get3A_2065 = arith.index_cast %get3A_2063 : i32 to index
    %get3A_2066 = arith.index_cast %get3A_2064 : i32 to index
    %get3A_2067 = arith.constant 32 : index
    %get3A_2068 = tpu.vector_load %arg6[%get3A_2065, %get3A_2066, %get3A_2067] {strides = array<i32>} : memref<8x2x128xf32, #tpu.memory_space<vmem>>, vector<16xf32>,
    %sub3A_2069 = arith.subf %get3A_2068, %select_n3A_2062 : vector<16xf32>
    %swap3A_2070 = arith.constant 6 : i32
    %swap3A_2071 = arith.constant 0 : i32
    %swap3A_2072 = arith.index_cast %swap3A_2070 : i32 to index
    %swap3A_2073 = arith.index_cast %swap3A_2071 : i32 to index
    %swap3A_2074 = arith.constant 32 : index
    %swap3A_2075 = tpu.vector_load %arg6[%swap3A_2072, %swap3A_2073, %swap3A_2074] {strides = array<i32>} : memref<8x2x128xf32, #tpu.memory_space<vmem>>, vector<16xf32>,
    tpu.vector_store %arg6[%swap3A_2072, %swap3A_2073, %swap3A_2074], %sub3A_2069 {strides = array<i32>} : memref<8x2x128xf32, #tpu.memory_space<vmem>>, vector<16xf32>,
    %select_n3A_2076 = arith.select %eq3A_2060, %broadcast_in_dim3A_39, %broadcast_in_dim3A_42 : vector<16xi1>, vector<16xf32>
    %select_n3A_2077 = arith.select %eq3A_2057, %broadcast_in_dim3A_36, %select_n3A_2076 : vector<16xi1>, vector<16xf32>
    %get3A_2078 = arith.constant 6 : i32
    %get3A_2079 = arith.constant 1 : i32
    %get3A_2080 = arith.index_cast %get3A_2078 : i32 to index
    %get3A_2081 = arith.index_cast %get3A_2079 : i32 to index
    %get3A_2082 = arith.constant 32 : index
    %get3A_2083 = tpu.vector_load %arg6[%get3A_2080, %get3A_2081, %get3A_2082] {strides = array<i32>} : memref<8x2x128xf32, #tpu.memory_space<vmem>>, vector<16xf32>,
    %sub3A_2084 = arith.subf %get3A_2083, %select_n3A_2077 : vector<16xf32>
    %swap3A_2085 = arith.constant 6 : i32
    %swap3A_2086 = arith.constant 1 : i32
    %swap3A_2087 = arith.index_cast %swap3A_2085 : i32 to index
    %swap3A_2088 = arith.index_cast %swap3A_2086 : i32 to index
    %swap3A_2089 = arith.constant 32 : index
    %swap3A_2090 = tpu.vector_load %arg6[%swap3A_2087, %swap3A_2088, %swap3A_2089] {strides = array<i32>} : memref<8x2x128xf32, #tpu.memory_space<vmem>>, vector<16xf32>,
    tpu.vector_store %arg6[%swap3A_2087, %swap3A_2088, %swap3A_2089], %sub3A_2084 {strides = array<i32>} : memref<8x2x128xf32, #tpu.memory_space<vmem>>, vector<16xf32>,
    %get3A_2091 = arith.constant 816 : index
    %get3A_2092 = tpu.vector_load %arg7[%get3A_2091] {strides = array<i32>} : memref<1024xi32, #tpu.memory_space<vmem>>, vector<16xi32>,
    %eq3A_2093 = arith.constant 0 : i32
    %eq3A_2094 = vector.broadcast %eq3A_2093 : i32 to vector<16xi32>
    %eq3A_2095 = arith.cmpi eq, %get3A_2092, %eq3A_2094 : vector<16xi32>
    %eq3A_2096 = arith.constant 1 : i32
    %eq3A_2097 = vector.broadcast %eq3A_2096 : i32 to vector<16xi32>
    %eq3A_2098 = arith.cmpi eq, %get3A_2092, %eq3A_2097 : vector<16xi32>
    %select_n3A_2099 = arith.select %eq3A_2098, %broadcast_in_dim3A_30, %broadcast_in_dim3A_33 : vector<16xi1>, vector<16xf32>
    %select_n3A_2100 = arith.select %eq3A_2095, %broadcast_in_dim3A, %select_n3A_2099 : vector<16xi1>, vector<16xf32>
    %get3A_2101 = arith.constant 6 : i32
    %get3A_2102 = arith.constant 0 : i32
    %get3A_2103 = arith.index_cast %get3A_2101 : i32 to index
    %get3A_2104 = arith.index_cast %get3A_2102 : i32 to index
    %get3A_2105 = arith.constant 48 : index
    %get3A_2106 = tpu.vector_load %arg6[%get3A_2103, %get3A_2104, %get3A_2105] {strides = array<i32>} : memref<8x2x128xf32, #tpu.memory_space<vmem>>, vector<16xf32>,
    %sub3A_2107 = arith.subf %get3A_2106, %select_n3A_2100 : vector<16xf32>
    %swap3A_2108 = arith.constant 6 : i32
    %swap3A_2109 = arith.constant 0 : i32
    %swap3A_2110 = arith.index_cast %swap3A_2108 : i32 to index
    %swap3A_2111 = arith.index_cast %swap3A_2109 : i32 to index
    %swap3A_2112 = arith.constant 48 : index
    %swap3A_2113 = tpu.vector_load %arg6[%swap3A_2110, %swap3A_2111, %swap3A_2112] {strides = array<i32>} : memref<8x2x128xf32, #tpu.memory_space<vmem>>, vector<16xf32>,
    tpu.vector_store %arg6[%swap3A_2110, %swap3A_2111, %swap3A_2112], %sub3A_2107 {strides = array<i32>} : memref<8x2x128xf32, #tpu.memory_space<vmem>>, vector<16xf32>,
    %select_n3A_2114 = arith.select %eq3A_2098, %broadcast_in_dim3A_39, %broadcast_in_dim3A_42 : vector<16xi1>, vector<16xf32>
    %select_n3A_2115 = arith.select %eq3A_2095, %broadcast_in_dim3A_36, %select_n3A_2114 : vector<16xi1>, vector<16xf32>
    %get3A_2116 = arith.constant 6 : i32
    %get3A_2117 = arith.constant 1 : i32
    %get3A_2118 = arith.index_cast %get3A_2116 : i32 to index
    %get3A_2119 = arith.index_cast %get3A_2117 : i32 to index
    %get3A_2120 = arith.constant 48 : index
    %get3A_2121 = tpu.vector_load %arg6[%get3A_2118, %get3A_2119, %get3A_2120] {strides = array<i32>} : memref<8x2x128xf32, #tpu.memory_space<vmem>>, vector<16xf32>,
    %sub3A_2122 = arith.subf %get3A_2121, %select_n3A_2115 : vector<16xf32>
    %swap3A_2123 = arith.constant 6 : i32
    %swap3A_2124 = arith.constant 1 : i32
    %swap3A_2125 = arith.index_cast %swap3A_2123 : i32 to index
    %swap3A_2126 = arith.index_cast %swap3A_2124 : i32 to index
    %swap3A_2127 = arith.constant 48 : index
    %swap3A_2128 = tpu.vector_load %arg6[%swap3A_2125, %swap3A_2126, %swap3A_2127] {strides = array<i32>} : memref<8x2x128xf32, #tpu.memory_space<vmem>>, vector<16xf32>,
    tpu.vector_store %arg6[%swap3A_2125, %swap3A_2126, %swap3A_2127], %sub3A_2122 {strides = array<i32>} : memref<8x2x128xf32, #tpu.memory_space<vmem>>, vector<16xf32>,
    %get3A_2129 = arith.constant 832 : index
    %get3A_2130 = tpu.vector_load %arg7[%get3A_2129] {strides = array<i32>} : memref<1024xi32, #tpu.memory_space<vmem>>, vector<16xi32>,
    %eq3A_2131 = arith.constant 0 : i32
    %eq3A_2132 = vector.broadcast %eq3A_2131 : i32 to vector<16xi32>
    %eq3A_2133 = arith.cmpi eq, %get3A_2130, %eq3A_2132 : vector<16xi32>
    %eq3A_2134 = arith.constant 1 : i32
    %eq3A_2135 = vector.broadcast %eq3A_2134 : i32 to vector<16xi32>
    %eq3A_2136 = arith.cmpi eq, %get3A_2130, %eq3A_2135 : vector<16xi32>
    %select_n3A_2137 = arith.select %eq3A_2136, %broadcast_in_dim3A_30, %broadcast_in_dim3A_33 : vector<16xi1>, vector<16xf32>
    %select_n3A_2138 = arith.select %eq3A_2133, %broadcast_in_dim3A, %select_n3A_2137 : vector<16xi1>, vector<16xf32>
    %get3A_2139 = arith.constant 6 : i32
    %get3A_2140 = arith.constant 0 : i32
    %get3A_2141 = arith.index_cast %get3A_2139 : i32 to index
    %get3A_2142 = arith.index_cast %get3A_2140 : i32 to index
    %get3A_2143 = arith.constant 64 : index
    %get3A_2144 = tpu.vector_load %arg6[%get3A_2141, %get3A_2142, %get3A_2143] {strides = array<i32>} : memref<8x2x128xf32, #tpu.memory_space<vmem>>, vector<16xf32>,
    %sub3A_2145 = arith.subf %get3A_2144, %select_n3A_2138 : vector<16xf32>
    %swap3A_2146 = arith.constant 6 : i32
    %swap3A_2147 = arith.constant 0 : i32
    %swap3A_2148 = arith.index_cast %swap3A_2146 : i32 to index
    %swap3A_2149 = arith.index_cast %swap3A_2147 : i32 to index
    %swap3A_2150 = arith.constant 64 : index
    %swap3A_2151 = tpu.vector_load %arg6[%swap3A_2148, %swap3A_2149, %swap3A_2150] {strides = array<i32>} : memref<8x2x128xf32, #tpu.memory_space<vmem>>, vector<16xf32>,
    tpu.vector_store %arg6[%swap3A_2148, %swap3A_2149, %swap3A_2150], %sub3A_2145 {strides = array<i32>} : memref<8x2x128xf32, #tpu.memory_space<vmem>>, vector<16xf32>,
    %select_n3A_2152 = arith.select %eq3A_2136, %broadcast_in_dim3A_39, %broadcast_in_dim3A_42 : vector<16xi1>, vector<16xf32>
    %select_n3A_2153 = arith.select %eq3A_2133, %broadcast_in_dim3A_36, %select_n3A_2152 : vector<16xi1>, vector<16xf32>
    %get3A_2154 = arith.constant 6 : i32
    %get3A_2155 = arith.constant 1 : i32
    %get3A_2156 = arith.index_cast %get3A_2154 : i32 to index
    %get3A_2157 = arith.index_cast %get3A_2155 : i32 to index
    %get3A_2158 = arith.constant 64 : index
    %get3A_2159 = tpu.vector_load %arg6[%get3A_2156, %get3A_2157, %get3A_2158] {strides = array<i32>} : memref<8x2x128xf32, #tpu.memory_space<vmem>>, vector<16xf32>,
    %sub3A_2160 = arith.subf %get3A_2159, %select_n3A_2153 : vector<16xf32>
    %swap3A_2161 = arith.constant 6 : i32
    %swap3A_2162 = arith.constant 1 : i32
    %swap3A_2163 = arith.index_cast %swap3A_2161 : i32 to index
    %swap3A_2164 = arith.index_cast %swap3A_2162 : i32 to index
    %swap3A_2165 = arith.constant 64 : index
    %swap3A_2166 = tpu.vector_load %arg6[%swap3A_2163, %swap3A_2164, %swap3A_2165] {strides = array<i32>} : memref<8x2x128xf32, #tpu.memory_space<vmem>>, vector<16xf32>,
    tpu.vector_store %arg6[%swap3A_2163, %swap3A_2164, %swap3A_2165], %sub3A_2160 {strides = array<i32>} : memref<8x2x128xf32, #tpu.memory_space<vmem>>, vector<16xf32>,
    %get3A_2167 = arith.constant 848 : index
    %get3A_2168 = tpu.vector_load %arg7[%get3A_2167] {strides = array<i32>} : memref<1024xi32, #tpu.memory_space<vmem>>, vector<16xi32>,
    %eq3A_2169 = arith.constant 0 : i32
    %eq3A_2170 = vector.broadcast %eq3A_2169 : i32 to vector<16xi32>
    %eq3A_2171 = arith.cmpi eq, %get3A_2168, %eq3A_2170 : vector<16xi32>
    %eq3A_2172 = arith.constant 1 : i32
    %eq3A_2173 = vector.broadcast %eq3A_2172 : i32 to vector<16xi32>
    %eq3A_2174 = arith.cmpi eq, %get3A_2168, %eq3A_2173 : vector<16xi32>
    %select_n3A_2175 = arith.select %eq3A_2174, %broadcast_in_dim3A_30, %broadcast_in_dim3A_33 : vector<16xi1>, vector<16xf32>
    %select_n3A_2176 = arith.select %eq3A_2171, %broadcast_in_dim3A, %select_n3A_2175 : vector<16xi1>, vector<16xf32>
    %get3A_2177 = arith.constant 6 : i32
    %get3A_2178 = arith.constant 0 : i32
    %get3A_2179 = arith.index_cast %get3A_2177 : i32 to index
    %get3A_2180 = arith.index_cast %get3A_2178 : i32 to index
    %get3A_2181 = arith.constant 80 : index
    %get3A_2182 = tpu.vector_load %arg6[%get3A_2179, %get3A_2180, %get3A_2181] {strides = array<i32>} : memref<8x2x128xf32, #tpu.memory_space<vmem>>, vector<16xf32>,
    %sub3A_2183 = arith.subf %get3A_2182, %select_n3A_2176 : vector<16xf32>
    %swap3A_2184 = arith.constant 6 : i32
    %swap3A_2185 = arith.constant 0 : i32
    %swap3A_2186 = arith.index_cast %swap3A_2184 : i32 to index
    %swap3A_2187 = arith.index_cast %swap3A_2185 : i32 to index
    %swap3A_2188 = arith.constant 80 : index
    %swap3A_2189 = tpu.vector_load %arg6[%swap3A_2186, %swap3A_2187, %swap3A_2188] {strides = array<i32>} : memref<8x2x128xf32, #tpu.memory_space<vmem>>, vector<16xf32>,
    tpu.vector_store %arg6[%swap3A_2186, %swap3A_2187, %swap3A_2188], %sub3A_2183 {strides = array<i32>} : memref<8x2x128xf32, #tpu.memory_space<vmem>>, vector<16xf32>,
    %select_n3A_2190 = arith.select %eq3A_2174, %broadcast_in_dim3A_39, %broadcast_in_dim3A_42 : vector<16xi1>, vector<16xf32>
    %select_n3A_2191 = arith.select %eq3A_2171, %broadcast_in_dim3A_36, %select_n3A_2190 : vector<16xi1>, vector<16xf32>
    %get3A_2192 = arith.constant 6 : i32
    %get3A_2193 = arith.constant 1 : i32
    %get3A_2194 = arith.index_cast %get3A_2192 : i32 to index
    %get3A_2195 = arith.index_cast %get3A_2193 : i32 to index
    %get3A_2196 = arith.constant 80 : index
    %get3A_2197 = tpu.vector_load %arg6[%get3A_2194, %get3A_2195, %get3A_2196] {strides = array<i32>} : memref<8x2x128xf32, #tpu.memory_space<vmem>>, vector<16xf32>,
    %sub3A_2198 = arith.subf %get3A_2197, %select_n3A_2191 : vector<16xf32>
    %swap3A_2199 = arith.constant 6 : i32
    %swap3A_2200 = arith.constant 1 : i32
    %swap3A_2201 = arith.index_cast %swap3A_2199 : i32 to index
    %swap3A_2202 = arith.index_cast %swap3A_2200 : i32 to index
    %swap3A_2203 = arith.constant 80 : index
    %swap3A_2204 = tpu.vector_load %arg6[%swap3A_2201, %swap3A_2202, %swap3A_2203] {strides = array<i32>} : memref<8x2x128xf32, #tpu.memory_space<vmem>>, vector<16xf32>,
    tpu.vector_store %arg6[%swap3A_2201, %swap3A_2202, %swap3A_2203], %sub3A_2198 {strides = array<i32>} : memref<8x2x128xf32, #tpu.memory_space<vmem>>, vector<16xf32>,
    %get3A_2205 = arith.constant 864 : index
    %get3A_2206 = tpu.vector_load %arg7[%get3A_2205] {strides = array<i32>} : memref<1024xi32, #tpu.memory_space<vmem>>, vector<16xi32>,
    %eq3A_2207 = arith.constant 0 : i32
    %eq3A_2208 = vector.broadcast %eq3A_2207 : i32 to vector<16xi32>
    %eq3A_2209 = arith.cmpi eq, %get3A_2206, %eq3A_2208 : vector<16xi32>
    %eq3A_2210 = arith.constant 1 : i32
    %eq3A_2211 = vector.broadcast %eq3A_2210 : i32 to vector<16xi32>
    %eq3A_2212 = arith.cmpi eq, %get3A_2206, %eq3A_2211 : vector<16xi32>
    %select_n3A_2213 = arith.select %eq3A_2212, %broadcast_in_dim3A_30, %broadcast_in_dim3A_33 : vector<16xi1>, vector<16xf32>
    %select_n3A_2214 = arith.select %eq3A_2209, %broadcast_in_dim3A, %select_n3A_2213 : vector<16xi1>, vector<16xf32>
    %get3A_2215 = arith.constant 6 : i32
    %get3A_2216 = arith.constant 0 : i32
    %get3A_2217 = arith.index_cast %get3A_2215 : i32 to index
    %get3A_2218 = arith.index_cast %get3A_2216 : i32 to index
    %get3A_2219 = arith.constant 96 : index
    %get3A_2220 = tpu.vector_load %arg6[%get3A_2217, %get3A_2218, %get3A_2219] {strides = array<i32>} : memref<8x2x128xf32, #tpu.memory_space<vmem>>, vector<16xf32>,
    %sub3A_2221 = arith.subf %get3A_2220, %select_n3A_2214 : vector<16xf32>
    %swap3A_2222 = arith.constant 6 : i32
    %swap3A_2223 = arith.constant 0 : i32
    %swap3A_2224 = arith.index_cast %swap3A_2222 : i32 to index
    %swap3A_2225 = arith.index_cast %swap3A_2223 : i32 to index
    %swap3A_2226 = arith.constant 96 : index
    %swap3A_2227 = tpu.vector_load %arg6[%swap3A_2224, %swap3A_2225, %swap3A_2226] {strides = array<i32>} : memref<8x2x128xf32, #tpu.memory_space<vmem>>, vector<16xf32>,
    tpu.vector_store %arg6[%swap3A_2224, %swap3A_2225, %swap3A_2226], %sub3A_2221 {strides = array<i32>} : memref<8x2x128xf32, #tpu.memory_space<vmem>>, vector<16xf32>,
    %select_n3A_2228 = arith.select %eq3A_2212, %broadcast_in_dim3A_39, %broadcast_in_dim3A_42 : vector<16xi1>, vector<16xf32>
    %select_n3A_2229 = arith.select %eq3A_2209, %broadcast_in_dim3A_36, %select_n3A_2228 : vector<16xi1>, vector<16xf32>
    %get3A_2230 = arith.constant 6 : i32
    %get3A_2231 = arith.constant 1 : i32
    %get3A_2232 = arith.index_cast %get3A_2230 : i32 to index
    %get3A_2233 = arith.index_cast %get3A_2231 : i32 to index
    %get3A_2234 = arith.constant 96 : index
    %get3A_2235 = tpu.vector_load %arg6[%get3A_2232, %get3A_2233, %get3A_2234] {strides = array<i32>} : memref<8x2x128xf32, #tpu.memory_space<vmem>>, vector<16xf32>,
    %sub3A_2236 = arith.subf %get3A_2235, %select_n3A_2229 : vector<16xf32>
    %swap3A_2237 = arith.constant 6 : i32
    %swap3A_2238 = arith.constant 1 : i32
    %swap3A_2239 = arith.index_cast %swap3A_2237 : i32 to index
    %swap3A_2240 = arith.index_cast %swap3A_2238 : i32 to index
    %swap3A_2241 = arith.constant 96 : index
    %swap3A_2242 = tpu.vector_load %arg6[%swap3A_2239, %swap3A_2240, %swap3A_2241] {strides = array<i32>} : memref<8x2x128xf32, #tpu.memory_space<vmem>>, vector<16xf32>,
    tpu.vector_store %arg6[%swap3A_2239, %swap3A_2240, %swap3A_2241], %sub3A_2236 {strides = array<i32>} : memref<8x2x128xf32, #tpu.memory_space<vmem>>, vector<16xf32>,
    %get3A_2243 = arith.constant 880 : index
    %get3A_2244 = tpu.vector_load %arg7[%get3A_2243] {strides = array<i32>} : memref<1024xi32, #tpu.memory_space<vmem>>, vector<16xi32>,
    %eq3A_2245 = arith.constant 0 : i32
    %eq3A_2246 = vector.broadcast %eq3A_2245 : i32 to vector<16xi32>
    %eq3A_2247 = arith.cmpi eq, %get3A_2244, %eq3A_2246 : vector<16xi32>
    %eq3A_2248 = arith.constant 1 : i32
    %eq3A_2249 = vector.broadcast %eq3A_2248 : i32 to vector<16xi32>
    %eq3A_2250 = arith.cmpi eq, %get3A_2244, %eq3A_2249 : vector<16xi32>
    %select_n3A_2251 = arith.select %eq3A_2250, %broadcast_in_dim3A_30, %broadcast_in_dim3A_33 : vector<16xi1>, vector<16xf32>
    %select_n3A_2252 = arith.select %eq3A_2247, %broadcast_in_dim3A, %select_n3A_2251 : vector<16xi1>, vector<16xf32>
    %get3A_2253 = arith.constant 6 : i32
    %get3A_2254 = arith.constant 0 : i32
    %get3A_2255 = arith.index_cast %get3A_2253 : i32 to index
    %get3A_2256 = arith.index_cast %get3A_2254 : i32 to index
    %get3A_2257 = arith.constant 112 : index
    %get3A_2258 = tpu.vector_load %arg6[%get3A_2255, %get3A_2256, %get3A_2257] {strides = array<i32>} : memref<8x2x128xf32, #tpu.memory_space<vmem>>, vector<16xf32>,
    %sub3A_2259 = arith.subf %get3A_2258, %select_n3A_2252 : vector<16xf32>
    %swap3A_2260 = arith.constant 6 : i32
    %swap3A_2261 = arith.constant 0 : i32
    %swap3A_2262 = arith.index_cast %swap3A_2260 : i32 to index
    %swap3A_2263 = arith.index_cast %swap3A_2261 : i32 to index
    %swap3A_2264 = arith.constant 112 : index
    %swap3A_2265 = tpu.vector_load %arg6[%swap3A_2262, %swap3A_2263, %swap3A_2264] {strides = array<i32>} : memref<8x2x128xf32, #tpu.memory_space<vmem>>, vector<16xf32>,
    tpu.vector_store %arg6[%swap3A_2262, %swap3A_2263, %swap3A_2264], %sub3A_2259 {strides = array<i32>} : memref<8x2x128xf32, #tpu.memory_space<vmem>>, vector<16xf32>,
    %select_n3A_2266 = arith.select %eq3A_2250, %broadcast_in_dim3A_39, %broadcast_in_dim3A_42 : vector<16xi1>, vector<16xf32>
    %select_n3A_2267 = arith.select %eq3A_2247, %broadcast_in_dim3A_36, %select_n3A_2266 : vector<16xi1>, vector<16xf32>
    %get3A_2268 = arith.constant 6 : i32
    %get3A_2269 = arith.constant 1 : i32
    %get3A_2270 = arith.index_cast %get3A_2268 : i32 to index
    %get3A_2271 = arith.index_cast %get3A_2269 : i32 to index
    %get3A_2272 = arith.constant 112 : index
    %get3A_2273 = tpu.vector_load %arg6[%get3A_2270, %get3A_2271, %get3A_2272] {strides = array<i32>} : memref<8x2x128xf32, #tpu.memory_space<vmem>>, vector<16xf32>,
    %sub3A_2274 = arith.subf %get3A_2273, %select_n3A_2267 : vector<16xf32>
    %swap3A_2275 = arith.constant 6 : i32
    %swap3A_2276 = arith.constant 1 : i32
    %swap3A_2277 = arith.index_cast %swap3A_2275 : i32 to index
    %swap3A_2278 = arith.index_cast %swap3A_2276 : i32 to index
    %swap3A_2279 = arith.constant 112 : index
    %swap3A_2280 = tpu.vector_load %arg6[%swap3A_2277, %swap3A_2278, %swap3A_2279] {strides = array<i32>} : memref<8x2x128xf32, #tpu.memory_space<vmem>>, vector<16xf32>,
    tpu.vector_store %arg6[%swap3A_2277, %swap3A_2278, %swap3A_2279], %sub3A_2274 {strides = array<i32>} : memref<8x2x128xf32, #tpu.memory_space<vmem>>, vector<16xf32>,
    %add3A_2281 = arith.constant 6 : i32
    %add3A_2282 = arith.addi %mul3A_2, %add3A_2281 : i32
    %dma_start3A_2283 = arith.constant 6 : i32
    %dma_start3A_2284 = arith.constant 0 : i32
    %dma_start3A_2285 = arith.constant 0 : i32
    %dma_start3A_2286 = tpu.memref_slice %arg6[%dma_start3A_2283, %dma_start3A_2284, %dma_start3A_2285] : memref<8x2x128xf32, #tpu.memory_space<vmem>> -> memref<1x2x128xf32, #tpu.memory_space<vmem>>
    %dma_start3A_2287 = tpu.memref_squeeze %dma_start3A_2286 : memref<1x2x128xf32, #tpu.memory_space<vmem>> -> memref<2x128xf32, #tpu.memory_space<vmem>>
    %dma_start3A_2288 = arith.constant 0 : i32
    %dma_start3A_2289 = arith.constant 0 : i32
    %dma_start3A_2290 = tpu.memref_slice %arg5[%add3A_2282, %dma_start3A_2288, %dma_start3A_2289] : memref<128x2x128xf32, #tpu.memory_space<hbm>> -> memref<1x2x128xf32, #tpu.memory_space<hbm>>
    %dma_start3A_2291 = tpu.memref_squeeze %dma_start3A_2290 : memref<1x2x128xf32, #tpu.memory_space<hbm>> -> memref<2x128xf32, #tpu.memory_space<hbm>>
    %dma_start3A_2292 = arith.constant 0 : i32
    %dma_start3A_2293 = arith.constant 0 : i32
    %dma_start3A_2294 = tpu.memref_slice %arg5[%add3A_2282, %dma_start3A_2292, %dma_start3A_2293] : memref<128x2x128xf32, #tpu.memory_space<hbm>> -> memref<1x2x128xf32, #tpu.memory_space<hbm>>
    %dma_start3A_2295 = tpu.memref_squeeze %dma_start3A_2294 : memref<1x2x128xf32, #tpu.memory_space<hbm>> -> memref<2x128xf32, #tpu.memory_space<hbm>>
    %dma_start3A_2296 = arith.constant 0 : i32
    %dma_start3A_2297 = arith.constant 0 : i32
    %dma_start3A_2298 = tpu.memref_slice %arg6[%dma_start3A_2283, %dma_start3A_2296, %dma_start3A_2297] : memref<8x2x128xf32, #tpu.memory_space<vmem>> -> memref<1x2x128xf32, #tpu.memory_space<vmem>>
    %dma_start3A_2299 = tpu.memref_squeeze %dma_start3A_2298 : memref<1x2x128xf32, #tpu.memory_space<vmem>> -> memref<2x128xf32, #tpu.memory_space<vmem>>
    tpu.enqueue_dma source(%dma_start3A_2299 : memref<2x128xf32, #tpu.memory_space<vmem>>) target(%dma_start3A_2295 : memref<2x128xf32, #tpu.memory_space<hbm>>) target_semaphore(%arg9 : memref<!tpu.dma_semaphore, #tpu.memory_space<semaphore_mem>>)
    %get3A_2300 = arith.constant 896 : index
    %get3A_2301 = tpu.vector_load %arg7[%get3A_2300] {strides = array<i32>} : memref<1024xi32, #tpu.memory_space<vmem>>, vector<16xi32>,
    %eq3A_2302 = arith.constant 0 : i32
    %eq3A_2303 = vector.broadcast %eq3A_2302 : i32 to vector<16xi32>
    %eq3A_2304 = arith.cmpi eq, %get3A_2301, %eq3A_2303 : vector<16xi32>
    %eq3A_2305 = arith.constant 1 : i32
    %eq3A_2306 = vector.broadcast %eq3A_2305 : i32 to vector<16xi32>
    %eq3A_2307 = arith.cmpi eq, %get3A_2301, %eq3A_2306 : vector<16xi32>
    %select_n3A_2308 = arith.select %eq3A_2307, %broadcast_in_dim3A_30, %broadcast_in_dim3A_33 : vector<16xi1>, vector<16xf32>
    %select_n3A_2309 = arith.select %eq3A_2304, %broadcast_in_dim3A, %select_n3A_2308 : vector<16xi1>, vector<16xf32>
    %get3A_2310 = arith.constant 7 : i32
    %get3A_2311 = arith.constant 0 : i32
    %get3A_2312 = arith.index_cast %get3A_2310 : i32 to index
    %get3A_2313 = arith.index_cast %get3A_2311 : i32 to index
    %get3A_2314 = arith.constant 0 : index
    %get3A_2315 = tpu.vector_load %arg6[%get3A_2312, %get3A_2313, %get3A_2314] {strides = array<i32>} : memref<8x2x128xf32, #tpu.memory_space<vmem>>, vector<16xf32>,
    %sub3A_2316 = arith.subf %get3A_2315, %select_n3A_2309 : vector<16xf32>
    %swap3A_2317 = arith.constant 7 : i32
    %swap3A_2318 = arith.constant 0 : i32
    %swap3A_2319 = arith.index_cast %swap3A_2317 : i32 to index
    %swap3A_2320 = arith.index_cast %swap3A_2318 : i32 to index
    %swap3A_2321 = arith.constant 0 : index
    %swap3A_2322 = tpu.vector_load %arg6[%swap3A_2319, %swap3A_2320, %swap3A_2321] {strides = array<i32>} : memref<8x2x128xf32, #tpu.memory_space<vmem>>, vector<16xf32>,
    tpu.vector_store %arg6[%swap3A_2319, %swap3A_2320, %swap3A_2321], %sub3A_2316 {strides = array<i32>} : memref<8x2x128xf32, #tpu.memory_space<vmem>>, vector<16xf32>,
    %select_n3A_2323 = arith.select %eq3A_2307, %broadcast_in_dim3A_39, %broadcast_in_dim3A_42 : vector<16xi1>, vector<16xf32>
    %select_n3A_2324 = arith.select %eq3A_2304, %broadcast_in_dim3A_36, %select_n3A_2323 : vector<16xi1>, vector<16xf32>
    %get3A_2325 = arith.constant 7 : i32
    %get3A_2326 = arith.constant 1 : i32
    %get3A_2327 = arith.index_cast %get3A_2325 : i32 to index
    %get3A_2328 = arith.index_cast %get3A_2326 : i32 to index
    %get3A_2329 = arith.constant 0 : index
    %get3A_2330 = tpu.vector_load %arg6[%get3A_2327, %get3A_2328, %get3A_2329] {strides = array<i32>} : memref<8x2x128xf32, #tpu.memory_space<vmem>>, vector<16xf32>,
    %sub3A_2331 = arith.subf %get3A_2330, %select_n3A_2324 : vector<16xf32>
    %swap3A_2332 = arith.constant 7 : i32
    %swap3A_2333 = arith.constant 1 : i32
    %swap3A_2334 = arith.index_cast %swap3A_2332 : i32 to index
    %swap3A_2335 = arith.index_cast %swap3A_2333 : i32 to index
    %swap3A_2336 = arith.constant 0 : index
    %swap3A_2337 = tpu.vector_load %arg6[%swap3A_2334, %swap3A_2335, %swap3A_2336] {strides = array<i32>} : memref<8x2x128xf32, #tpu.memory_space<vmem>>, vector<16xf32>,
    tpu.vector_store %arg6[%swap3A_2334, %swap3A_2335, %swap3A_2336], %sub3A_2331 {strides = array<i32>} : memref<8x2x128xf32, #tpu.memory_space<vmem>>, vector<16xf32>,
    %get3A_2338 = arith.constant 912 : index
    %get3A_2339 = tpu.vector_load %arg7[%get3A_2338] {strides = array<i32>} : memref<1024xi32, #tpu.memory_space<vmem>>, vector<16xi32>,
    %eq3A_2340 = arith.constant 0 : i32
    %eq3A_2341 = vector.broadcast %eq3A_2340 : i32 to vector<16xi32>
    %eq3A_2342 = arith.cmpi eq, %get3A_2339, %eq3A_2341 : vector<16xi32>
    %eq3A_2343 = arith.constant 1 : i32
    %eq3A_2344 = vector.broadcast %eq3A_2343 : i32 to vector<16xi32>
    %eq3A_2345 = arith.cmpi eq, %get3A_2339, %eq3A_2344 : vector<16xi32>
    %select_n3A_2346 = arith.select %eq3A_2345, %broadcast_in_dim3A_30, %broadcast_in_dim3A_33 : vector<16xi1>, vector<16xf32>
    %select_n3A_2347 = arith.select %eq3A_2342, %broadcast_in_dim3A, %select_n3A_2346 : vector<16xi1>, vector<16xf32>
    %get3A_2348 = arith.constant 7 : i32
    %get3A_2349 = arith.constant 0 : i32
    %get3A_2350 = arith.index_cast %get3A_2348 : i32 to index
    %get3A_2351 = arith.index_cast %get3A_2349 : i32 to index
    %get3A_2352 = arith.constant 16 : index
    %get3A_2353 = tpu.vector_load %arg6[%get3A_2350, %get3A_2351, %get3A_2352] {strides = array<i32>} : memref<8x2x128xf32, #tpu.memory_space<vmem>>, vector<16xf32>,
    %sub3A_2354 = arith.subf %get3A_2353, %select_n3A_2347 : vector<16xf32>
    %swap3A_2355 = arith.constant 7 : i32
    %swap3A_2356 = arith.constant 0 : i32
    %swap3A_2357 = arith.index_cast %swap3A_2355 : i32 to index
    %swap3A_2358 = arith.index_cast %swap3A_2356 : i32 to index
    %swap3A_2359 = arith.constant 16 : index
    %swap3A_2360 = tpu.vector_load %arg6[%swap3A_2357, %swap3A_2358, %swap3A_2359] {strides = array<i32>} : memref<8x2x128xf32, #tpu.memory_space<vmem>>, vector<16xf32>,
    tpu.vector_store %arg6[%swap3A_2357, %swap3A_2358, %swap3A_2359], %sub3A_2354 {strides = array<i32>} : memref<8x2x128xf32, #tpu.memory_space<vmem>>, vector<16xf32>,
    %select_n3A_2361 = arith.select %eq3A_2345, %broadcast_in_dim3A_39, %broadcast_in_dim3A_42 : vector<16xi1>, vector<16xf32>
    %select_n3A_2362 = arith.select %eq3A_2342, %broadcast_in_dim3A_36, %select_n3A_2361 : vector<16xi1>, vector<16xf32>
    %get3A_2363 = arith.constant 7 : i32
    %get3A_2364 = arith.constant 1 : i32
    %get3A_2365 = arith.index_cast %get3A_2363 : i32 to index
    %get3A_2366 = arith.index_cast %get3A_2364 : i32 to index
    %get3A_2367 = arith.constant 16 : index
    %get3A_2368 = tpu.vector_load %arg6[%get3A_2365, %get3A_2366, %get3A_2367] {strides = array<i32>} : memref<8x2x128xf32, #tpu.memory_space<vmem>>, vector<16xf32>,
    %sub3A_2369 = arith.subf %get3A_2368, %select_n3A_2362 : vector<16xf32>
    %swap3A_2370 = arith.constant 7 : i32
    %swap3A_2371 = arith.constant 1 : i32
    %swap3A_2372 = arith.index_cast %swap3A_2370 : i32 to index
    %swap3A_2373 = arith.index_cast %swap3A_2371 : i32 to index
    %swap3A_2374 = arith.constant 16 : index
    %swap3A_2375 = tpu.vector_load %arg6[%swap3A_2372, %swap3A_2373, %swap3A_2374] {strides = array<i32>} : memref<8x2x128xf32, #tpu.memory_space<vmem>>, vector<16xf32>,
    tpu.vector_store %arg6[%swap3A_2372, %swap3A_2373, %swap3A_2374], %sub3A_2369 {strides = array<i32>} : memref<8x2x128xf32, #tpu.memory_space<vmem>>, vector<16xf32>,
    %get3A_2376 = arith.constant 928 : index
    %get3A_2377 = tpu.vector_load %arg7[%get3A_2376] {strides = array<i32>} : memref<1024xi32, #tpu.memory_space<vmem>>, vector<16xi32>,
    %eq3A_2378 = arith.constant 0 : i32
    %eq3A_2379 = vector.broadcast %eq3A_2378 : i32 to vector<16xi32>
    %eq3A_2380 = arith.cmpi eq, %get3A_2377, %eq3A_2379 : vector<16xi32>
    %eq3A_2381 = arith.constant 1 : i32
    %eq3A_2382 = vector.broadcast %eq3A_2381 : i32 to vector<16xi32>
    %eq3A_2383 = arith.cmpi eq, %get3A_2377, %eq3A_2382 : vector<16xi32>
    %select_n3A_2384 = arith.select %eq3A_2383, %broadcast_in_dim3A_30, %broadcast_in_dim3A_33 : vector<16xi1>, vector<16xf32>
    %select_n3A_2385 = arith.select %eq3A_2380, %broadcast_in_dim3A, %select_n3A_2384 : vector<16xi1>, vector<16xf32>
    %get3A_2386 = arith.constant 7 : i32
    %get3A_2387 = arith.constant 0 : i32
    %get3A_2388 = arith.index_cast %get3A_2386 : i32 to index
    %get3A_2389 = arith.index_cast %get3A_2387 : i32 to index
    %get3A_2390 = arith.constant 32 : index
    %get3A_2391 = tpu.vector_load %arg6[%get3A_2388, %get3A_2389, %get3A_2390] {strides = array<i32>} : memref<8x2x128xf32, #tpu.memory_space<vmem>>, vector<16xf32>,
    %sub3A_2392 = arith.subf %get3A_2391, %select_n3A_2385 : vector<16xf32>
    %swap3A_2393 = arith.constant 7 : i32
    %swap3A_2394 = arith.constant 0 : i32
    %swap3A_2395 = arith.index_cast %swap3A_2393 : i32 to index
    %swap3A_2396 = arith.index_cast %swap3A_2394 : i32 to index
    %swap3A_2397 = arith.constant 32 : index
    %swap3A_2398 = tpu.vector_load %arg6[%swap3A_2395, %swap3A_2396, %swap3A_2397] {strides = array<i32>} : memref<8x2x128xf32, #tpu.memory_space<vmem>>, vector<16xf32>,
    tpu.vector_store %arg6[%swap3A_2395, %swap3A_2396, %swap3A_2397], %sub3A_2392 {strides = array<i32>} : memref<8x2x128xf32, #tpu.memory_space<vmem>>, vector<16xf32>,
    %select_n3A_2399 = arith.select %eq3A_2383, %broadcast_in_dim3A_39, %broadcast_in_dim3A_42 : vector<16xi1>, vector<16xf32>
    %select_n3A_2400 = arith.select %eq3A_2380, %broadcast_in_dim3A_36, %select_n3A_2399 : vector<16xi1>, vector<16xf32>
    %get3A_2401 = arith.constant 7 : i32
    %get3A_2402 = arith.constant 1 : i32
    %get3A_2403 = arith.index_cast %get3A_2401 : i32 to index
    %get3A_2404 = arith.index_cast %get3A_2402 : i32 to index
    %get3A_2405 = arith.constant 32 : index
    %get3A_2406 = tpu.vector_load %arg6[%get3A_2403, %get3A_2404, %get3A_2405] {strides = array<i32>} : memref<8x2x128xf32, #tpu.memory_space<vmem>>, vector<16xf32>,
    %sub3A_2407 = arith.subf %get3A_2406, %select_n3A_2400 : vector<16xf32>
    %swap3A_2408 = arith.constant 7 : i32
    %swap3A_2409 = arith.constant 1 : i32
    %swap3A_2410 = arith.index_cast %swap3A_2408 : i32 to index
    %swap3A_2411 = arith.index_cast %swap3A_2409 : i32 to index
    %swap3A_2412 = arith.constant 32 : index
    %swap3A_2413 = tpu.vector_load %arg6[%swap3A_2410, %swap3A_2411, %swap3A_2412] {strides = array<i32>} : memref<8x2x128xf32, #tpu.memory_space<vmem>>, vector<16xf32>,
    tpu.vector_store %arg6[%swap3A_2410, %swap3A_2411, %swap3A_2412], %sub3A_2407 {strides = array<i32>} : memref<8x2x128xf32, #tpu.memory_space<vmem>>, vector<16xf32>,
    %get3A_2414 = arith.constant 944 : index
    %get3A_2415 = tpu.vector_load %arg7[%get3A_2414] {strides = array<i32>} : memref<1024xi32, #tpu.memory_space<vmem>>, vector<16xi32>,
    %eq3A_2416 = arith.constant 0 : i32
    %eq3A_2417 = vector.broadcast %eq3A_2416 : i32 to vector<16xi32>
    %eq3A_2418 = arith.cmpi eq, %get3A_2415, %eq3A_2417 : vector<16xi32>
    %eq3A_2419 = arith.constant 1 : i32
    %eq3A_2420 = vector.broadcast %eq3A_2419 : i32 to vector<16xi32>
    %eq3A_2421 = arith.cmpi eq, %get3A_2415, %eq3A_2420 : vector<16xi32>
    %select_n3A_2422 = arith.select %eq3A_2421, %broadcast_in_dim3A_30, %broadcast_in_dim3A_33 : vector<16xi1>, vector<16xf32>
    %select_n3A_2423 = arith.select %eq3A_2418, %broadcast_in_dim3A, %select_n3A_2422 : vector<16xi1>, vector<16xf32>
    %get3A_2424 = arith.constant 7 : i32
    %get3A_2425 = arith.constant 0 : i32
    %get3A_2426 = arith.index_cast %get3A_2424 : i32 to index
    %get3A_2427 = arith.index_cast %get3A_2425 : i32 to index
    %get3A_2428 = arith.constant 48 : index
    %get3A_2429 = tpu.vector_load %arg6[%get3A_2426, %get3A_2427, %get3A_2428] {strides = array<i32>} : memref<8x2x128xf32, #tpu.memory_space<vmem>>, vector<16xf32>,
    %sub3A_2430 = arith.subf %get3A_2429, %select_n3A_2423 : vector<16xf32>
    %swap3A_2431 = arith.constant 7 : i32
    %swap3A_2432 = arith.constant 0 : i32
    %swap3A_2433 = arith.index_cast %swap3A_2431 : i32 to index
    %swap3A_2434 = arith.index_cast %swap3A_2432 : i32 to index
    %swap3A_2435 = arith.constant 48 : index
    %swap3A_2436 = tpu.vector_load %arg6[%swap3A_2433, %swap3A_2434, %swap3A_2435] {strides = array<i32>} : memref<8x2x128xf32, #tpu.memory_space<vmem>>, vector<16xf32>,
    tpu.vector_store %arg6[%swap3A_2433, %swap3A_2434, %swap3A_2435], %sub3A_2430 {strides = array<i32>} : memref<8x2x128xf32, #tpu.memory_space<vmem>>, vector<16xf32>,
    %select_n3A_2437 = arith.select %eq3A_2421, %broadcast_in_dim3A_39, %broadcast_in_dim3A_42 : vector<16xi1>, vector<16xf32>
    %select_n3A_2438 = arith.select %eq3A_2418, %broadcast_in_dim3A_36, %select_n3A_2437 : vector<16xi1>, vector<16xf32>
    %get3A_2439 = arith.constant 7 : i32
    %get3A_2440 = arith.constant 1 : i32
    %get3A_2441 = arith.index_cast %get3A_2439 : i32 to index
    %get3A_2442 = arith.index_cast %get3A_2440 : i32 to index
    %get3A_2443 = arith.constant 48 : index
    %get3A_2444 = tpu.vector_load %arg6[%get3A_2441, %get3A_2442, %get3A_2443] {strides = array<i32>} : memref<8x2x128xf32, #tpu.memory_space<vmem>>, vector<16xf32>,
    %sub3A_2445 = arith.subf %get3A_2444, %select_n3A_2438 : vector<16xf32>
    %swap3A_2446 = arith.constant 7 : i32
    %swap3A_2447 = arith.constant 1 : i32
    %swap3A_2448 = arith.index_cast %swap3A_2446 : i32 to index
    %swap3A_2449 = arith.index_cast %swap3A_2447 : i32 to index
    %swap3A_2450 = arith.constant 48 : index
    %swap3A_2451 = tpu.vector_load %arg6[%swap3A_2448, %swap3A_2449, %swap3A_2450] {strides = array<i32>} : memref<8x2x128xf32, #tpu.memory_space<vmem>>, vector<16xf32>,
    tpu.vector_store %arg6[%swap3A_2448, %swap3A_2449, %swap3A_2450], %sub3A_2445 {strides = array<i32>} : memref<8x2x128xf32, #tpu.memory_space<vmem>>, vector<16xf32>,
    %get3A_2452 = arith.constant 960 : index
    %get3A_2453 = tpu.vector_load %arg7[%get3A_2452] {strides = array<i32>} : memref<1024xi32, #tpu.memory_space<vmem>>, vector<16xi32>,
    %eq3A_2454 = arith.constant 0 : i32
    %eq3A_2455 = vector.broadcast %eq3A_2454 : i32 to vector<16xi32>
    %eq3A_2456 = arith.cmpi eq, %get3A_2453, %eq3A_2455 : vector<16xi32>
    %eq3A_2457 = arith.constant 1 : i32
    %eq3A_2458 = vector.broadcast %eq3A_2457 : i32 to vector<16xi32>
    %eq3A_2459 = arith.cmpi eq, %get3A_2453, %eq3A_2458 : vector<16xi32>
    %select_n3A_2460 = arith.select %eq3A_2459, %broadcast_in_dim3A_30, %broadcast_in_dim3A_33 : vector<16xi1>, vector<16xf32>
    %select_n3A_2461 = arith.select %eq3A_2456, %broadcast_in_dim3A, %select_n3A_2460 : vector<16xi1>, vector<16xf32>
    %get3A_2462 = arith.constant 7 : i32
    %get3A_2463 = arith.constant 0 : i32
    %get3A_2464 = arith.index_cast %get3A_2462 : i32 to index
    %get3A_2465 = arith.index_cast %get3A_2463 : i32 to index
    %get3A_2466 = arith.constant 64 : index
    %get3A_2467 = tpu.vector_load %arg6[%get3A_2464, %get3A_2465, %get3A_2466] {strides = array<i32>} : memref<8x2x128xf32, #tpu.memory_space<vmem>>, vector<16xf32>,
    %sub3A_2468 = arith.subf %get3A_2467, %select_n3A_2461 : vector<16xf32>
    %swap3A_2469 = arith.constant 7 : i32
    %swap3A_2470 = arith.constant 0 : i32
    %swap3A_2471 = arith.index_cast %swap3A_2469 : i32 to index
    %swap3A_2472 = arith.index_cast %swap3A_2470 : i32 to index
    %swap3A_2473 = arith.constant 64 : index
    %swap3A_2474 = tpu.vector_load %arg6[%swap3A_2471, %swap3A_2472, %swap3A_2473] {strides = array<i32>} : memref<8x2x128xf32, #tpu.memory_space<vmem>>, vector<16xf32>,
    tpu.vector_store %arg6[%swap3A_2471, %swap3A_2472, %swap3A_2473], %sub3A_2468 {strides = array<i32>} : memref<8x2x128xf32, #tpu.memory_space<vmem>>, vector<16xf32>,
    %select_n3A_2475 = arith.select %eq3A_2459, %broadcast_in_dim3A_39, %broadcast_in_dim3A_42 : vector<16xi1>, vector<16xf32>
    %select_n3A_2476 = arith.select %eq3A_2456, %broadcast_in_dim3A_36, %select_n3A_2475 : vector<16xi1>, vector<16xf32>
    %get3A_2477 = arith.constant 7 : i32
    %get3A_2478 = arith.constant 1 : i32
    %get3A_2479 = arith.index_cast %get3A_2477 : i32 to index
    %get3A_2480 = arith.index_cast %get3A_2478 : i32 to index
    %get3A_2481 = arith.constant 64 : index
    %get3A_2482 = tpu.vector_load %arg6[%get3A_2479, %get3A_2480, %get3A_2481] {strides = array<i32>} : memref<8x2x128xf32, #tpu.memory_space<vmem>>, vector<16xf32>,
    %sub3A_2483 = arith.subf %get3A_2482, %select_n3A_2476 : vector<16xf32>
    %swap3A_2484 = arith.constant 7 : i32
    %swap3A_2485 = arith.constant 1 : i32
    %swap3A_2486 = arith.index_cast %swap3A_2484 : i32 to index
    %swap3A_2487 = arith.index_cast %swap3A_2485 : i32 to index
    %swap3A_2488 = arith.constant 64 : index
    %swap3A_2489 = tpu.vector_load %arg6[%swap3A_2486, %swap3A_2487, %swap3A_2488] {strides = array<i32>} : memref<8x2x128xf32, #tpu.memory_space<vmem>>, vector<16xf32>,
    tpu.vector_store %arg6[%swap3A_2486, %swap3A_2487, %swap3A_2488], %sub3A_2483 {strides = array<i32>} : memref<8x2x128xf32, #tpu.memory_space<vmem>>, vector<16xf32>,
    %get3A_2490 = arith.constant 976 : index
    %get3A_2491 = tpu.vector_load %arg7[%get3A_2490] {strides = array<i32>} : memref<1024xi32, #tpu.memory_space<vmem>>, vector<16xi32>,
    %eq3A_2492 = arith.constant 0 : i32
    %eq3A_2493 = vector.broadcast %eq3A_2492 : i32 to vector<16xi32>
    %eq3A_2494 = arith.cmpi eq, %get3A_2491, %eq3A_2493 : vector<16xi32>
    %eq3A_2495 = arith.constant 1 : i32
    %eq3A_2496 = vector.broadcast %eq3A_2495 : i32 to vector<16xi32>
    %eq3A_2497 = arith.cmpi eq, %get3A_2491, %eq3A_2496 : vector<16xi32>
    %select_n3A_2498 = arith.select %eq3A_2497, %broadcast_in_dim3A_30, %broadcast_in_dim3A_33 : vector<16xi1>, vector<16xf32>
    %select_n3A_2499 = arith.select %eq3A_2494, %broadcast_in_dim3A, %select_n3A_2498 : vector<16xi1>, vector<16xf32>
    %get3A_2500 = arith.constant 7 : i32
    %get3A_2501 = arith.constant 0 : i32
    %get3A_2502 = arith.index_cast %get3A_2500 : i32 to index
    %get3A_2503 = arith.index_cast %get3A_2501 : i32 to index
    %get3A_2504 = arith.constant 80 : index
    %get3A_2505 = tpu.vector_load %arg6[%get3A_2502, %get3A_2503, %get3A_2504] {strides = array<i32>} : memref<8x2x128xf32, #tpu.memory_space<vmem>>, vector<16xf32>,
    %sub3A_2506 = arith.subf %get3A_2505, %select_n3A_2499 : vector<16xf32>
    %swap3A_2507 = arith.constant 7 : i32
    %swap3A_2508 = arith.constant 0 : i32
    %swap3A_2509 = arith.index_cast %swap3A_2507 : i32 to index
    %swap3A_2510 = arith.index_cast %swap3A_2508 : i32 to index
    %swap3A_2511 = arith.constant 80 : index
    %swap3A_2512 = tpu.vector_load %arg6[%swap3A_2509, %swap3A_2510, %swap3A_2511] {strides = array<i32>} : memref<8x2x128xf32, #tpu.memory_space<vmem>>, vector<16xf32>,
    tpu.vector_store %arg6[%swap3A_2509, %swap3A_2510, %swap3A_2511], %sub3A_2506 {strides = array<i32>} : memref<8x2x128xf32, #tpu.memory_space<vmem>>, vector<16xf32>,
    %select_n3A_2513 = arith.select %eq3A_2497, %broadcast_in_dim3A_39, %broadcast_in_dim3A_42 : vector<16xi1>, vector<16xf32>
    %select_n3A_2514 = arith.select %eq3A_2494, %broadcast_in_dim3A_36, %select_n3A_2513 : vector<16xi1>, vector<16xf32>
    %get3A_2515 = arith.constant 7 : i32
    %get3A_2516 = arith.constant 1 : i32
    %get3A_2517 = arith.index_cast %get3A_2515 : i32 to index
    %get3A_2518 = arith.index_cast %get3A_2516 : i32 to index
    %get3A_2519 = arith.constant 80 : index
    %get3A_2520 = tpu.vector_load %arg6[%get3A_2517, %get3A_2518, %get3A_2519] {strides = array<i32>} : memref<8x2x128xf32, #tpu.memory_space<vmem>>, vector<16xf32>,
    %sub3A_2521 = arith.subf %get3A_2520, %select_n3A_2514 : vector<16xf32>
    %swap3A_2522 = arith.constant 7 : i32
    %swap3A_2523 = arith.constant 1 : i32
    %swap3A_2524 = arith.index_cast %swap3A_2522 : i32 to index
    %swap3A_2525 = arith.index_cast %swap3A_2523 : i32 to index
    %swap3A_2526 = arith.constant 80 : index
    %swap3A_2527 = tpu.vector_load %arg6[%swap3A_2524, %swap3A_2525, %swap3A_2526] {strides = array<i32>} : memref<8x2x128xf32, #tpu.memory_space<vmem>>, vector<16xf32>,
    tpu.vector_store %arg6[%swap3A_2524, %swap3A_2525, %swap3A_2526], %sub3A_2521 {strides = array<i32>} : memref<8x2x128xf32, #tpu.memory_space<vmem>>, vector<16xf32>,
    %get3A_2528 = arith.constant 992 : index
    %get3A_2529 = tpu.vector_load %arg7[%get3A_2528] {strides = array<i32>} : memref<1024xi32, #tpu.memory_space<vmem>>, vector<16xi32>,
    %eq3A_2530 = arith.constant 0 : i32
    %eq3A_2531 = vector.broadcast %eq3A_2530 : i32 to vector<16xi32>
    %eq3A_2532 = arith.cmpi eq, %get3A_2529, %eq3A_2531 : vector<16xi32>
    %eq3A_2533 = arith.constant 1 : i32
    %eq3A_2534 = vector.broadcast %eq3A_2533 : i32 to vector<16xi32>
    %eq3A_2535 = arith.cmpi eq, %get3A_2529, %eq3A_2534 : vector<16xi32>
    %select_n3A_2536 = arith.select %eq3A_2535, %broadcast_in_dim3A_30, %broadcast_in_dim3A_33 : vector<16xi1>, vector<16xf32>
    %select_n3A_2537 = arith.select %eq3A_2532, %broadcast_in_dim3A, %select_n3A_2536 : vector<16xi1>, vector<16xf32>
    %get3A_2538 = arith.constant 7 : i32
    %get3A_2539 = arith.constant 0 : i32
    %get3A_2540 = arith.index_cast %get3A_2538 : i32 to index
    %get3A_2541 = arith.index_cast %get3A_2539 : i32 to index
    %get3A_2542 = arith.constant 96 : index
    %get3A_2543 = tpu.vector_load %arg6[%get3A_2540, %get3A_2541, %get3A_2542] {strides = array<i32>} : memref<8x2x128xf32, #tpu.memory_space<vmem>>, vector<16xf32>,
    %sub3A_2544 = arith.subf %get3A_2543, %select_n3A_2537 : vector<16xf32>
    %swap3A_2545 = arith.constant 7 : i32
    %swap3A_2546 = arith.constant 0 : i32
    %swap3A_2547 = arith.index_cast %swap3A_2545 : i32 to index
    %swap3A_2548 = arith.index_cast %swap3A_2546 : i32 to index
    %swap3A_2549 = arith.constant 96 : index
    %swap3A_2550 = tpu.vector_load %arg6[%swap3A_2547, %swap3A_2548, %swap3A_2549] {strides = array<i32>} : memref<8x2x128xf32, #tpu.memory_space<vmem>>, vector<16xf32>,
    tpu.vector_store %arg6[%swap3A_2547, %swap3A_2548, %swap3A_2549], %sub3A_2544 {strides = array<i32>} : memref<8x2x128xf32, #tpu.memory_space<vmem>>, vector<16xf32>,
    %select_n3A_2551 = arith.select %eq3A_2535, %broadcast_in_dim3A_39, %broadcast_in_dim3A_42 : vector<16xi1>, vector<16xf32>
    %select_n3A_2552 = arith.select %eq3A_2532, %broadcast_in_dim3A_36, %select_n3A_2551 : vector<16xi1>, vector<16xf32>
    %get3A_2553 = arith.constant 7 : i32
    %get3A_2554 = arith.constant 1 : i32
    %get3A_2555 = arith.index_cast %get3A_2553 : i32 to index
    %get3A_2556 = arith.index_cast %get3A_2554 : i32 to index
    %get3A_2557 = arith.constant 96 : index
    %get3A_2558 = tpu.vector_load %arg6[%get3A_2555, %get3A_2556, %get3A_2557] {strides = array<i32>} : memref<8x2x128xf32, #tpu.memory_space<vmem>>, vector<16xf32>,
    %sub3A_2559 = arith.subf %get3A_2558, %select_n3A_2552 : vector<16xf32>
    %swap3A_2560 = arith.constant 7 : i32
    %swap3A_2561 = arith.constant 1 : i32
    %swap3A_2562 = arith.index_cast %swap3A_2560 : i32 to index
    %swap3A_2563 = arith.index_cast %swap3A_2561 : i32 to index
    %swap3A_2564 = arith.constant 96 : index
    %swap3A_2565 = tpu.vector_load %arg6[%swap3A_2562, %swap3A_2563, %swap3A_2564] {strides = array<i32>} : memref<8x2x128xf32, #tpu.memory_space<vmem>>, vector<16xf32>,
    tpu.vector_store %arg6[%swap3A_2562, %swap3A_2563, %swap3A_2564], %sub3A_2559 {strides = array<i32>} : memref<8x2x128xf32, #tpu.memory_space<vmem>>, vector<16xf32>,
    %get3A_2566 = arith.constant 1008 : index
    %get3A_2567 = tpu.vector_load %arg7[%get3A_2566] {strides = array<i32>} : memref<1024xi32, #tpu.memory_space<vmem>>, vector<16xi32>,
    %eq3A_2568 = arith.constant 0 : i32
    %eq3A_2569 = vector.broadcast %eq3A_2568 : i32 to vector<16xi32>
    %eq3A_2570 = arith.cmpi eq, %get3A_2567, %eq3A_2569 : vector<16xi32>
    %eq3A_2571 = arith.constant 1 : i32
    %eq3A_2572 = vector.broadcast %eq3A_2571 : i32 to vector<16xi32>
    %eq3A_2573 = arith.cmpi eq, %get3A_2567, %eq3A_2572 : vector<16xi32>
    %select_n3A_2574 = arith.select %eq3A_2573, %broadcast_in_dim3A_30, %broadcast_in_dim3A_33 : vector<16xi1>, vector<16xf32>
    %select_n3A_2575 = arith.select %eq3A_2570, %broadcast_in_dim3A, %select_n3A_2574 : vector<16xi1>, vector<16xf32>
    %get3A_2576 = arith.constant 7 : i32
    %get3A_2577 = arith.constant 0 : i32
    %get3A_2578 = arith.index_cast %get3A_2576 : i32 to index
    %get3A_2579 = arith.index_cast %get3A_2577 : i32 to index
    %get3A_2580 = arith.constant 112 : index
    %get3A_2581 = tpu.vector_load %arg6[%get3A_2578, %get3A_2579, %get3A_2580] {strides = array<i32>} : memref<8x2x128xf32, #tpu.memory_space<vmem>>, vector<16xf32>,
    %sub3A_2582 = arith.subf %get3A_2581, %select_n3A_2575 : vector<16xf32>
    %swap3A_2583 = arith.constant 7 : i32
    %swap3A_2584 = arith.constant 0 : i32
    %swap3A_2585 = arith.index_cast %swap3A_2583 : i32 to index
    %swap3A_2586 = arith.index_cast %swap3A_2584 : i32 to index
    %swap3A_2587 = arith.constant 112 : index
    %swap3A_2588 = tpu.vector_load %arg6[%swap3A_2585, %swap3A_2586, %swap3A_2587] {strides = array<i32>} : memref<8x2x128xf32, #tpu.memory_space<vmem>>, vector<16xf32>,
    tpu.vector_store %arg6[%swap3A_2585, %swap3A_2586, %swap3A_2587], %sub3A_2582 {strides = array<i32>} : memref<8x2x128xf32, #tpu.memory_space<vmem>>, vector<16xf32>,
    %select_n3A_2589 = arith.select %eq3A_2573, %broadcast_in_dim3A_39, %broadcast_in_dim3A_42 : vector<16xi1>, vector<16xf32>
    %select_n3A_2590 = arith.select %eq3A_2570, %broadcast_in_dim3A_36, %select_n3A_2589 : vector<16xi1>, vector<16xf32>
    %get3A_2591 = arith.constant 7 : i32
    %get3A_2592 = arith.constant 1 : i32
    %get3A_2593 = arith.index_cast %get3A_2591 : i32 to index
    %get3A_2594 = arith.index_cast %get3A_2592 : i32 to index
    %get3A_2595 = arith.constant 112 : index
    %get3A_2596 = tpu.vector_load %arg6[%get3A_2593, %get3A_2594, %get3A_2595] {strides = array<i32>} : memref<8x2x128xf32, #tpu.memory_space<vmem>>, vector<16xf32>,
    %sub3A_2597 = arith.subf %get3A_2596, %select_n3A_2590 : vector<16xf32>
    %swap3A_2598 = arith.constant 7 : i32
    %swap3A_2599 = arith.constant 1 : i32
    %swap3A_2600 = arith.index_cast %swap3A_2598 : i32 to index
    %swap3A_2601 = arith.index_cast %swap3A_2599 : i32 to index
    %swap3A_2602 = arith.constant 112 : index
    %swap3A_2603 = tpu.vector_load %arg6[%swap3A_2600, %swap3A_2601, %swap3A_2602] {strides = array<i32>} : memref<8x2x128xf32, #tpu.memory_space<vmem>>, vector<16xf32>,
    tpu.vector_store %arg6[%swap3A_2600, %swap3A_2601, %swap3A_2602], %sub3A_2597 {strides = array<i32>} : memref<8x2x128xf32, #tpu.memory_space<vmem>>, vector<16xf32>,
    %add3A_2604 = arith.constant 7 : i32
    %add3A_2605 = arith.addi %mul3A_2, %add3A_2604 : i32
    %dma_start3A_2606 = arith.constant 7 : i32
    %dma_start3A_2607 = arith.constant 0 : i32
    %dma_start3A_2608 = arith.constant 0 : i32
    %dma_start3A_2609 = tpu.memref_slice %arg6[%dma_start3A_2606, %dma_start3A_2607, %dma_start3A_2608] : memref<8x2x128xf32, #tpu.memory_space<vmem>> -> memref<1x2x128xf32, #tpu.memory_space<vmem>>
    %dma_start3A_2610 = tpu.memref_squeeze %dma_start3A_2609 : memref<1x2x128xf32, #tpu.memory_space<vmem>> -> memref<2x128xf32, #tpu.memory_space<vmem>>
    %dma_start3A_2611 = arith.constant 0 : i32
    %dma_start3A_2612 = arith.constant 0 : i32
    %dma_start3A_2613 = tpu.memref_slice %arg5[%add3A_2605, %dma_start3A_2611, %dma_start3A_2612] : memref<128x2x128xf32, #tpu.memory_space<hbm>> -> memref<1x2x128xf32, #tpu.memory_space<hbm>>
    %dma_start3A_2614 = tpu.memref_squeeze %dma_start3A_2613 : memref<1x2x128xf32, #tpu.memory_space<hbm>> -> memref<2x128xf32, #tpu.memory_space<hbm>>
    %dma_start3A_2615 = arith.constant 0 : i32
    %dma_start3A_2616 = arith.constant 0 : i32
    %dma_start3A_2617 = tpu.memref_slice %arg5[%add3A_2605, %dma_start3A_2615, %dma_start3A_2616] : memref<128x2x128xf32, #tpu.memory_space<hbm>> -> memref<1x2x128xf32, #tpu.memory_space<hbm>>
    %dma_start3A_2618 = tpu.memref_squeeze %dma_start3A_2617 : memref<1x2x128xf32, #tpu.memory_space<hbm>> -> memref<2x128xf32, #tpu.memory_space<hbm>>
    %dma_start3A_2619 = arith.constant 0 : i32
    %dma_start3A_2620 = arith.constant 0 : i32
    %dma_start3A_2621 = tpu.memref_slice %arg6[%dma_start3A_2606, %dma_start3A_2619, %dma_start3A_2620] : memref<8x2x128xf32, #tpu.memory_space<vmem>> -> memref<1x2x128xf32, #tpu.memory_space<vmem>>
    %dma_start3A_2622 = tpu.memref_squeeze %dma_start3A_2621 : memref<1x2x128xf32, #tpu.memory_space<vmem>> -> memref<2x128xf32, #tpu.memory_space<vmem>>
    tpu.enqueue_dma source(%dma_start3A_2622 : memref<2x128xf32, #tpu.memory_space<vmem>>) target(%dma_start3A_2618 : memref<2x128xf32, #tpu.memory_space<hbm>>) target_semaphore(%arg9 : memref<!tpu.dma_semaphore, #tpu.memory_space<semaphore_mem>>)
    %dma_wait3A_2623 = arith.constant 0 : i32
    %dma_wait3A_2624 = arith.constant 0 : i32
    %dma_wait3A_2625 = arith.constant 0 : i32
    %dma_wait3A_2626 = tpu.memref_slice %arg6[%dma_wait3A_2623, %dma_wait3A_2624, %dma_wait3A_2625] : memref<8x2x128xf32, #tpu.memory_space<vmem>> -> memref<1x2x128xf32, #tpu.memory_space<vmem>>
    %dma_wait3A_2627 = tpu.memref_squeeze %dma_wait3A_2626 : memref<1x2x128xf32, #tpu.memory_space<vmem>> -> memref<2x128xf32, #tpu.memory_space<vmem>>
    %dma_wait3A_2628 = arith.constant 0 : i32
    %dma_wait3A_2629 = arith.constant 0 : i32
    %dma_wait3A_2630 = tpu.memref_slice %arg5[%add3A_344, %dma_wait3A_2628, %dma_wait3A_2629] : memref<128x2x128xf32, #tpu.memory_space<hbm>> -> memref<1x2x128xf32, #tpu.memory_space<hbm>>
    %dma_wait3A_2631 = tpu.memref_squeeze %dma_wait3A_2630 : memref<1x2x128xf32, #tpu.memory_space<hbm>> -> memref<2x128xf32, #tpu.memory_space<hbm>>
    %dma_wait3A_2632 = arith.constant 0 : i32
    %dma_wait3A_2633 = arith.constant 0 : i32
    %dma_wait3A_2634 = tpu.memref_slice %arg5[%add3A_344, %dma_wait3A_2632, %dma_wait3A_2633] : memref<128x2x128xf32, #tpu.memory_space<hbm>> -> memref<1x2x128xf32, #tpu.memory_space<hbm>>
    %dma_wait3A_2635 = tpu.memref_squeeze %dma_wait3A_2634 : memref<1x2x128xf32, #tpu.memory_space<hbm>> -> memref<2x128xf32, #tpu.memory_space<hbm>>
    %dma_wait3A_2636 = arith.constant 0 : i32
    %dma_wait3A_2637 = arith.constant 0 : i32
    %dma_wait3A_2638 = tpu.memref_slice %arg6[%dma_wait3A_2623, %dma_wait3A_2636, %dma_wait3A_2637] : memref<8x2x128xf32, #tpu.memory_space<vmem>> -> memref<1x2x128xf32, #tpu.memory_space<vmem>>
    %dma_wait3A_2639 = tpu.memref_squeeze %dma_wait3A_2638 : memref<1x2x128xf32, #tpu.memory_space<vmem>> -> memref<2x128xf32, #tpu.memory_space<vmem>>
    tpu.wait_dma2 semaphore(%arg9 : memref<!tpu.dma_semaphore, #tpu.memory_space<semaphore_mem>>) src(%dma_wait3A_2639 : memref<2x128xf32, #tpu.memory_space<vmem>>) dst(%dma_wait3A_2635 : memref<2x128xf32, #tpu.memory_space<hbm>>)
    %dma_wait3A_2640 = arith.constant 1 : i32
    %dma_wait3A_2641 = arith.constant 0 : i32
    %dma_wait3A_2642 = arith.constant 0 : i32
    %dma_wait3A_2643 = tpu.memref_slice %arg6[%dma_wait3A_2640, %dma_wait3A_2641, %dma_wait3A_2642] : memref<8x2x128xf32, #tpu.memory_space<vmem>> -> memref<1x2x128xf32, #tpu.memory_space<vmem>>
    %dma_wait3A_2644 = tpu.memref_squeeze %dma_wait3A_2643 : memref<1x2x128xf32, #tpu.memory_space<vmem>> -> memref<2x128xf32, #tpu.memory_space<vmem>>
    %dma_wait3A_2645 = arith.constant 0 : i32
    %dma_wait3A_2646 = arith.constant 0 : i32
    %dma_wait3A_2647 = tpu.memref_slice %arg5[%add3A_667, %dma_wait3A_2645, %dma_wait3A_2646] : memref<128x2x128xf32, #tpu.memory_space<hbm>> -> memref<1x2x128xf32, #tpu.memory_space<hbm>>
    %dma_wait3A_2648 = tpu.memref_squeeze %dma_wait3A_2647 : memref<1x2x128xf32, #tpu.memory_space<hbm>> -> memref<2x128xf32, #tpu.memory_space<hbm>>
    %dma_wait3A_2649 = arith.constant 0 : i32
    %dma_wait3A_2650 = arith.constant 0 : i32
    %dma_wait3A_2651 = tpu.memref_slice %arg5[%add3A_667, %dma_wait3A_2649, %dma_wait3A_2650] : memref<128x2x128xf32, #tpu.memory_space<hbm>> -> memref<1x2x128xf32, #tpu.memory_space<hbm>>
    %dma_wait3A_2652 = tpu.memref_squeeze %dma_wait3A_2651 : memref<1x2x128xf32, #tpu.memory_space<hbm>> -> memref<2x128xf32, #tpu.memory_space<hbm>>
    %dma_wait3A_2653 = arith.constant 0 : i32
    %dma_wait3A_2654 = arith.constant 0 : i32
    %dma_wait3A_2655 = tpu.memref_slice %arg6[%dma_wait3A_2640, %dma_wait3A_2653, %dma_wait3A_2654] : memref<8x2x128xf32, #tpu.memory_space<vmem>> -> memref<1x2x128xf32, #tpu.memory_space<vmem>>
    %dma_wait3A_2656 = tpu.memref_squeeze %dma_wait3A_2655 : memref<1x2x128xf32, #tpu.memory_space<vmem>> -> memref<2x128xf32, #tpu.memory_space<vmem>>
    tpu.wait_dma2 semaphore(%arg9 : memref<!tpu.dma_semaphore, #tpu.memory_space<semaphore_mem>>) src(%dma_wait3A_2656 : memref<2x128xf32, #tpu.memory_space<vmem>>) dst(%dma_wait3A_2652 : memref<2x128xf32, #tpu.memory_space<hbm>>)
    %dma_wait3A_2657 = arith.constant 2 : i32
    %dma_wait3A_2658 = arith.constant 0 : i32
    %dma_wait3A_2659 = arith.constant 0 : i32
    %dma_wait3A_2660 = tpu.memref_slice %arg6[%dma_wait3A_2657, %dma_wait3A_2658, %dma_wait3A_2659] : memref<8x2x128xf32, #tpu.memory_space<vmem>> -> memref<1x2x128xf32, #tpu.memory_space<vmem>>
    %dma_wait3A_2661 = tpu.memref_squeeze %dma_wait3A_2660 : memref<1x2x128xf32, #tpu.memory_space<vmem>> -> memref<2x128xf32, #tpu.memory_space<vmem>>
    %dma_wait3A_2662 = arith.constant 0 : i32
    %dma_wait3A_2663 = arith.constant 0 : i32
    %dma_wait3A_2664 = tpu.memref_slice %arg5[%add3A_990, %dma_wait3A_2662, %dma_wait3A_2663] : memref<128x2x128xf32, #tpu.memory_space<hbm>> -> memref<1x2x128xf32, #tpu.memory_space<hbm>>
    %dma_wait3A_2665 = tpu.memref_squeeze %dma_wait3A_2664 : memref<1x2x128xf32, #tpu.memory_space<hbm>> -> memref<2x128xf32, #tpu.memory_space<hbm>>
    %dma_wait3A_2666 = arith.constant 0 : i32
    %dma_wait3A_2667 = arith.constant 0 : i32
    %dma_wait3A_2668 = tpu.memref_slice %arg5[%add3A_990, %dma_wait3A_2666, %dma_wait3A_2667] : memref<128x2x128xf32, #tpu.memory_space<hbm>> -> memref<1x2x128xf32, #tpu.memory_space<hbm>>
    %dma_wait3A_2669 = tpu.memref_squeeze %dma_wait3A_2668 : memref<1x2x128xf32, #tpu.memory_space<hbm>> -> memref<2x128xf32, #tpu.memory_space<hbm>>
    %dma_wait3A_2670 = arith.constant 0 : i32
    %dma_wait3A_2671 = arith.constant 0 : i32
    %dma_wait3A_2672 = tpu.memref_slice %arg6[%dma_wait3A_2657, %dma_wait3A_2670, %dma_wait3A_2671] : memref<8x2x128xf32, #tpu.memory_space<vmem>> -> memref<1x2x128xf32, #tpu.memory_space<vmem>>
    %dma_wait3A_2673 = tpu.memref_squeeze %dma_wait3A_2672 : memref<1x2x128xf32, #tpu.memory_space<vmem>> -> memref<2x128xf32, #tpu.memory_space<vmem>>
    tpu.wait_dma2 semaphore(%arg9 : memref<!tpu.dma_semaphore, #tpu.memory_space<semaphore_mem>>) src(%dma_wait3A_2673 : memref<2x128xf32, #tpu.memory_space<vmem>>) dst(%dma_wait3A_2669 : memref<2x128xf32, #tpu.memory_space<hbm>>)
    %dma_wait3A_2674 = arith.constant 3 : i32
    %dma_wait3A_2675 = arith.constant 0 : i32
    %dma_wait3A_2676 = arith.constant 0 : i32
    %dma_wait3A_2677 = tpu.memref_slice %arg6[%dma_wait3A_2674, %dma_wait3A_2675, %dma_wait3A_2676] : memref<8x2x128xf32, #tpu.memory_space<vmem>> -> memref<1x2x128xf32, #tpu.memory_space<vmem>>
    %dma_wait3A_2678 = tpu.memref_squeeze %dma_wait3A_2677 : memref<1x2x128xf32, #tpu.memory_space<vmem>> -> memref<2x128xf32, #tpu.memory_space<vmem>>
    %dma_wait3A_2679 = arith.constant 0 : i32
    %dma_wait3A_2680 = arith.constant 0 : i32
    %dma_wait3A_2681 = tpu.memref_slice %arg5[%add3A_1313, %dma_wait3A_2679, %dma_wait3A_2680] : memref<128x2x128xf32, #tpu.memory_space<hbm>> -> memref<1x2x128xf32, #tpu.memory_space<hbm>>
    %dma_wait3A_2682 = tpu.memref_squeeze %dma_wait3A_2681 : memref<1x2x128xf32, #tpu.memory_space<hbm>> -> memref<2x128xf32, #tpu.memory_space<hbm>>
    %dma_wait3A_2683 = arith.constant 0 : i32
    %dma_wait3A_2684 = arith.constant 0 : i32
    %dma_wait3A_2685 = tpu.memref_slice %arg5[%add3A_1313, %dma_wait3A_2683, %dma_wait3A_2684] : memref<128x2x128xf32, #tpu.memory_space<hbm>> -> memref<1x2x128xf32, #tpu.memory_space<hbm>>
    %dma_wait3A_2686 = tpu.memref_squeeze %dma_wait3A_2685 : memref<1x2x128xf32, #tpu.memory_space<hbm>> -> memref<2x128xf32, #tpu.memory_space<hbm>>
    %dma_wait3A_2687 = arith.constant 0 : i32
    %dma_wait3A_2688 = arith.constant 0 : i32
    %dma_wait3A_2689 = tpu.memref_slice %arg6[%dma_wait3A_2674, %dma_wait3A_2687, %dma_wait3A_2688] : memref<8x2x128xf32, #tpu.memory_space<vmem>> -> memref<1x2x128xf32, #tpu.memory_space<vmem>>
    %dma_wait3A_2690 = tpu.memref_squeeze %dma_wait3A_2689 : memref<1x2x128xf32, #tpu.memory_space<vmem>> -> memref<2x128xf32, #tpu.memory_space<vmem>>
    tpu.wait_dma2 semaphore(%arg9 : memref<!tpu.dma_semaphore, #tpu.memory_space<semaphore_mem>>) src(%dma_wait3A_2690 : memref<2x128xf32, #tpu.memory_space<vmem>>) dst(%dma_wait3A_2686 : memref<2x128xf32, #tpu.memory_space<hbm>>)
    %dma_wait3A_2691 = arith.constant 4 : i32
    %dma_wait3A_2692 = arith.constant 0 : i32
    %dma_wait3A_2693 = arith.constant 0 : i32
    %dma_wait3A_2694 = tpu.memref_slice %arg6[%dma_wait3A_2691, %dma_wait3A_2692, %dma_wait3A_2693] : memref<8x2x128xf32, #tpu.memory_space<vmem>> -> memref<1x2x128xf32, #tpu.memory_space<vmem>>
    %dma_wait3A_2695 = tpu.memref_squeeze %dma_wait3A_2694 : memref<1x2x128xf32, #tpu.memory_space<vmem>> -> memref<2x128xf32, #tpu.memory_space<vmem>>
    %dma_wait3A_2696 = arith.constant 0 : i32
    %dma_wait3A_2697 = arith.constant 0 : i32
    %dma_wait3A_2698 = tpu.memref_slice %arg5[%add3A_1636, %dma_wait3A_2696, %dma_wait3A_2697] : memref<128x2x128xf32, #tpu.memory_space<hbm>> -> memref<1x2x128xf32, #tpu.memory_space<hbm>>
    %dma_wait3A_2699 = tpu.memref_squeeze %dma_wait3A_2698 : memref<1x2x128xf32, #tpu.memory_space<hbm>> -> memref<2x128xf32, #tpu.memory_space<hbm>>
    %dma_wait3A_2700 = arith.constant 0 : i32
    %dma_wait3A_2701 = arith.constant 0 : i32
    %dma_wait3A_2702 = tpu.memref_slice %arg5[%add3A_1636, %dma_wait3A_2700, %dma_wait3A_2701] : memref<128x2x128xf32, #tpu.memory_space<hbm>> -> memref<1x2x128xf32, #tpu.memory_space<hbm>>
    %dma_wait3A_2703 = tpu.memref_squeeze %dma_wait3A_2702 : memref<1x2x128xf32, #tpu.memory_space<hbm>> -> memref<2x128xf32, #tpu.memory_space<hbm>>
    %dma_wait3A_2704 = arith.constant 0 : i32
    %dma_wait3A_2705 = arith.constant 0 : i32
    %dma_wait3A_2706 = tpu.memref_slice %arg6[%dma_wait3A_2691, %dma_wait3A_2704, %dma_wait3A_2705] : memref<8x2x128xf32, #tpu.memory_space<vmem>> -> memref<1x2x128xf32, #tpu.memory_space<vmem>>
    %dma_wait3A_2707 = tpu.memref_squeeze %dma_wait3A_2706 : memref<1x2x128xf32, #tpu.memory_space<vmem>> -> memref<2x128xf32, #tpu.memory_space<vmem>>
    tpu.wait_dma2 semaphore(%arg9 : memref<!tpu.dma_semaphore, #tpu.memory_space<semaphore_mem>>) src(%dma_wait3A_2707 : memref<2x128xf32, #tpu.memory_space<vmem>>) dst(%dma_wait3A_2703 : memref<2x128xf32, #tpu.memory_space<hbm>>)
    %dma_wait3A_2708 = arith.constant 5 : i32
    %dma_wait3A_2709 = arith.constant 0 : i32
    %dma_wait3A_2710 = arith.constant 0 : i32
    %dma_wait3A_2711 = tpu.memref_slice %arg6[%dma_wait3A_2708, %dma_wait3A_2709, %dma_wait3A_2710] : memref<8x2x128xf32, #tpu.memory_space<vmem>> -> memref<1x2x128xf32, #tpu.memory_space<vmem>>
    %dma_wait3A_2712 = tpu.memref_squeeze %dma_wait3A_2711 : memref<1x2x128xf32, #tpu.memory_space<vmem>> -> memref<2x128xf32, #tpu.memory_space<vmem>>
    %dma_wait3A_2713 = arith.constant 0 : i32
    %dma_wait3A_2714 = arith.constant 0 : i32
    %dma_wait3A_2715 = tpu.memref_slice %arg5[%add3A_1959, %dma_wait3A_2713, %dma_wait3A_2714] : memref<128x2x128xf32, #tpu.memory_space<hbm>> -> memref<1x2x128xf32, #tpu.memory_space<hbm>>
    %dma_wait3A_2716 = tpu.memref_squeeze %dma_wait3A_2715 : memref<1x2x128xf32, #tpu.memory_space<hbm>> -> memref<2x128xf32, #tpu.memory_space<hbm>>
    %dma_wait3A_2717 = arith.constant 0 : i32
    %dma_wait3A_2718 = arith.constant 0 : i32
    %dma_wait3A_2719 = tpu.memref_slice %arg5[%add3A_1959, %dma_wait3A_2717, %dma_wait3A_2718] : memref<128x2x128xf32, #tpu.memory_space<hbm>> -> memref<1x2x128xf32, #tpu.memory_space<hbm>>
    %dma_wait3A_2720 = tpu.memref_squeeze %dma_wait3A_2719 : memref<1x2x128xf32, #tpu.memory_space<hbm>> -> memref<2x128xf32, #tpu.memory_space<hbm>>
    %dma_wait3A_2721 = arith.constant 0 : i32
    %dma_wait3A_2722 = arith.constant 0 : i32
    %dma_wait3A_2723 = tpu.memref_slice %arg6[%dma_wait3A_2708, %dma_wait3A_2721, %dma_wait3A_2722] : memref<8x2x128xf32, #tpu.memory_space<vmem>> -> memref<1x2x128xf32, #tpu.memory_space<vmem>>
    %dma_wait3A_2724 = tpu.memref_squeeze %dma_wait3A_2723 : memref<1x2x128xf32, #tpu.memory_space<vmem>> -> memref<2x128xf32, #tpu.memory_space<vmem>>
    tpu.wait_dma2 semaphore(%arg9 : memref<!tpu.dma_semaphore, #tpu.memory_space<semaphore_mem>>) src(%dma_wait3A_2724 : memref<2x128xf32, #tpu.memory_space<vmem>>) dst(%dma_wait3A_2720 : memref<2x128xf32, #tpu.memory_space<hbm>>)
    %dma_wait3A_2725 = arith.constant 6 : i32
    %dma_wait3A_2726 = arith.constant 0 : i32
    %dma_wait3A_2727 = arith.constant 0 : i32
    %dma_wait3A_2728 = tpu.memref_slice %arg6[%dma_wait3A_2725, %dma_wait3A_2726, %dma_wait3A_2727] : memref<8x2x128xf32, #tpu.memory_space<vmem>> -> memref<1x2x128xf32, #tpu.memory_space<vmem>>
    %dma_wait3A_2729 = tpu.memref_squeeze %dma_wait3A_2728 : memref<1x2x128xf32, #tpu.memory_space<vmem>> -> memref<2x128xf32, #tpu.memory_space<vmem>>
    %dma_wait3A_2730 = arith.constant 0 : i32
    %dma_wait3A_2731 = arith.constant 0 : i32
    %dma_wait3A_2732 = tpu.memref_slice %arg5[%add3A_2282, %dma_wait3A_2730, %dma_wait3A_2731] : memref<128x2x128xf32, #tpu.memory_space<hbm>> -> memref<1x2x128xf32, #tpu.memory_space<hbm>>
    %dma_wait3A_2733 = tpu.memref_squeeze %dma_wait3A_2732 : memref<1x2x128xf32, #tpu.memory_space<hbm>> -> memref<2x128xf32, #tpu.memory_space<hbm>>
    %dma_wait3A_2734 = arith.constant 0 : i32
    %dma_wait3A_2735 = arith.constant 0 : i32
    %dma_wait3A_2736 = tpu.memref_slice %arg5[%add3A_2282, %dma_wait3A_2734, %dma_wait3A_2735] : memref<128x2x128xf32, #tpu.memory_space<hbm>> -> memref<1x2x128xf32, #tpu.memory_space<hbm>>
    %dma_wait3A_2737 = tpu.memref_squeeze %dma_wait3A_2736 : memref<1x2x128xf32, #tpu.memory_space<hbm>> -> memref<2x128xf32, #tpu.memory_space<hbm>>
    %dma_wait3A_2738 = arith.constant 0 : i32
    %dma_wait3A_2739 = arith.constant 0 : i32
    %dma_wait3A_2740 = tpu.memref_slice %arg6[%dma_wait3A_2725, %dma_wait3A_2738, %dma_wait3A_2739] : memref<8x2x128xf32, #tpu.memory_space<vmem>> -> memref<1x2x128xf32, #tpu.memory_space<vmem>>
    %dma_wait3A_2741 = tpu.memref_squeeze %dma_wait3A_2740 : memref<1x2x128xf32, #tpu.memory_space<vmem>> -> memref<2x128xf32, #tpu.memory_space<vmem>>
    tpu.wait_dma2 semaphore(%arg9 : memref<!tpu.dma_semaphore, #tpu.memory_space<semaphore_mem>>) src(%dma_wait3A_2741 : memref<2x128xf32, #tpu.memory_space<vmem>>) dst(%dma_wait3A_2737 : memref<2x128xf32, #tpu.memory_space<hbm>>)
    %dma_wait3A_2742 = arith.constant 7 : i32
    %dma_wait3A_2743 = arith.constant 0 : i32
    %dma_wait3A_2744 = arith.constant 0 : i32
    %dma_wait3A_2745 = tpu.memref_slice %arg6[%dma_wait3A_2742, %dma_wait3A_2743, %dma_wait3A_2744] : memref<8x2x128xf32, #tpu.memory_space<vmem>> -> memref<1x2x128xf32, #tpu.memory_space<vmem>>
    %dma_wait3A_2746 = tpu.memref_squeeze %dma_wait3A_2745 : memref<1x2x128xf32, #tpu.memory_space<vmem>> -> memref<2x128xf32, #tpu.memory_space<vmem>>
    %dma_wait3A_2747 = arith.constant 0 : i32
    %dma_wait3A_2748 = arith.constant 0 : i32
    %dma_wait3A_2749 = tpu.memref_slice %arg5[%add3A_2605, %dma_wait3A_2747, %dma_wait3A_2748] : memref<128x2x128xf32, #tpu.memory_space<hbm>> -> memref<1x2x128xf32, #tpu.memory_space<hbm>>
    %dma_wait3A_2750 = tpu.memref_squeeze %dma_wait3A_2749 : memref<1x2x128xf32, #tpu.memory_space<hbm>> -> memref<2x128xf32, #tpu.memory_space<hbm>>
    %dma_wait3A_2751 = arith.constant 0 : i32
    %dma_wait3A_2752 = arith.constant 0 : i32
    %dma_wait3A_2753 = tpu.memref_slice %arg5[%add3A_2605, %dma_wait3A_2751, %dma_wait3A_2752] : memref<128x2x128xf32, #tpu.memory_space<hbm>> -> memref<1x2x128xf32, #tpu.memory_space<hbm>>
    %dma_wait3A_2754 = tpu.memref_squeeze %dma_wait3A_2753 : memref<1x2x128xf32, #tpu.memory_space<hbm>> -> memref<2x128xf32, #tpu.memory_space<hbm>>
    %dma_wait3A_2755 = arith.constant 0 : i32
    %dma_wait3A_2756 = arith.constant 0 : i32
    %dma_wait3A_2757 = tpu.memref_slice %arg6[%dma_wait3A_2742, %dma_wait3A_2755, %dma_wait3A_2756] : memref<8x2x128xf32, #tpu.memory_space<vmem>> -> memref<1x2x128xf32, #tpu.memory_space<vmem>>
    %dma_wait3A_2758 = tpu.memref_squeeze %dma_wait3A_2757 : memref<1x2x128xf32, #tpu.memory_space<vmem>> -> memref<2x128xf32, #tpu.memory_space<vmem>>
    tpu.wait_dma2 semaphore(%arg9 : memref<!tpu.dma_semaphore, #tpu.memory_space<semaphore_mem>>) src(%dma_wait3A_2758 : memref<2x128xf32, #tpu.memory_space<vmem>>) dst(%dma_wait3A_2754 : memref<2x128xf32, #tpu.memory_space<hbm>>)
    return
  }
}

</mosaic_0001>

<sc_bundles>
// kernel: ccbn_center.3.cloned.1.call-start
scs
__scs_entry_jumppad:
0x0: {  	(pc) =	sbr.rel $0x88, $3  }
0x1: {  	(tag) =	ssettag $0x0;
	lr =	simm.s32 $0x1  }
0x2: {  	[smem:$0x3F9E] =	sst lr;
	_ =	strace $0xD0000000  }
0x3: {  	_ = 	snop  }
0x4: {  	_ = 	snop  }
0x5: {  	_ = 	snop  }
0x6: {  	_ = 	snop  }
0x7: {  	_ = 	snop  }
__scs_overlays_trampoline_lowered:
0x8: {  	[smem:$0x3FAD] =	sst s0  }
0x9: {  	[smem:$0x3FAE] =	sst s1  }
0xa: {  	[smem:$0x3FAF] =	sst s2  }
0xb: {  	[smem:$0x3FB0] =	sst s3  }
0xc: {  	[smem:$0x3FB1] =	sst s4  }
0xd: {  	[smem:$0x3FB2] =	sst s5  }
0xe: {  	[smem:$0x3FB3] =	sst s6  }
0xf: {  	[smem:$0x3FB4] =	sst s7  }
0x10: {  	[smem:$0x3FB5] =	sst s8  }
0x11: {  	[smem:$0x3FB6] =	sst s9;
	s0 =	simm.s32 @!p0 $0x0  }
0x12: {  	s1 =	sld [smem:$0x3F9C];
	s0 =	simm.s32 @p0 $0x1  }
0x13: {  	[smem:$0x3FB7] =	sst s0;
	s0 =	simm.s32 @!p1 $0x0  }
0x14: {  	s2 =	sld [smem:$0x3F9B];
	s0 =	simm.s32 @p1 $0x1  }
0x15: {  	[smem:$0x3FB8] =	sst s0;
	s0 =	simm.s32 @!p2 $0x0  }
0x16: {  	s3 =	sld [smem:$0x3FDB];
	s0 =	simm.s32 @p2 $0x1  }
0x17: {  	s4 =	simm.s32 $0x1BF5;
	[smem:$0x3FBA] =	sst s0  }
0x18: {  	s0 =	sld [smem:$0x3F9D];
	_ =	swait.ge [sflag:s4], $0x0  }
0x19: {  	s7 =	sld [smem:$0x3F9E]  }
0x1a: {  	s8 =	sadd.s32 $0xFFFFE003, lr  }
0x1b: {  	s9 =	sadd.s32 $0xFFFFFEF7, lr;
	s5 =	simm.s32 $0xFFFFFFFF;
	p2 =	slt.u32 s8, $0xFFFFF086  }
0x1c: {  	p1 =	slt.u32 s9, $0xF7A;
	s5 =	simm.s32 @!p2 $0x0  }
0x1d: {  	s5 =	simm.s32 @p1 $0x1;
	p0 =	seq.s32 s7, s2  }
0x1e: {  	s7 =	smul.u32 @!p0 $0xF7A, s2;
	p2 =	seq.s32 @!p0 s5, $0x0  }
0x1f: {  	s9 =	smul.u32 $0xF7A, s1;
	s8 =	simm.s32 @!p0 $0x1BF5;
	p2 =	por !p2, p0  }
0x20: {  	[sflag:s8] =	ssyncset.s32 @!p0 $0xFFFFF086;
	s6 =	sadd.s32 @!p0 s3, s7;
	s7 =	simm.s32 @!p0 $0x108  }
0x21: {  	s3 =	sadd.s32 s3, s9;
	s6 =	sadd.s32 @!p0 $0x88, s6;
	s7 =	simm.s32 @p2 $0x1082  }
0x22: {  	[simem:s7], [sflag:s8] =	dma.local @!p0 [hbm:s6], $0xF7A  }
0x23: {  	s9 =	sor.u32 $0xD0000000, s2;
	s6 =	simm.s32 $0x108;
	_ =	swait.ge @!p0 [sflag:s8], $0x0  }
0x24: {  	s3 =	sadd.s32 $0x88, s3;
	s6 =	simm.s32 @!p1 $0x1082;
	[sflag:s4] =	ssyncset.s32 $0xFFFFF086  }
0x25: {  	[simem:s6], [sflag:s4] =	dma.local [hbm:s3], $0xF7A  }
0x26: {  	[smem:$0x3F9E] =	sst s1;
	(tag) =	ssettag s2;
	_ =	strace s9  }
0x27: {  	s1 =	sld [smem:$0x3FAE]  }
0x28: {  	s2 =	sld [smem:$0x3FAF]  }
0x29: {  	s4 =	sld [smem:$0x3FB1]  }
0x2a: {  	p0 =	seq.s32 s5, $0x0;
	s5 =	sld [smem:$0x3FB2]  }
0x2b: {  	s6 =	sld [smem:$0x3FB3]  }
0x2c: {  	s7 =	sld [smem:$0x3FB4]  }
0x2d: {  	s3 =	simm.s32 $0x108;
	s8 =	sld [smem:$0x3FB5]  }
0x2e: {  	s3 =	simm.s32 @!p0 $0x1082;
	s9 =	sld [smem:$0x3FB6]  }
0x2f: {  	lr =	sadd.s32 s0, s3;
	s0 =	sld [smem:$0x3FAD]  }
0x30: {  	s3 =	sld [smem:$0x3FB0]  }
0x31: {  	[smem:$0x3FB9] =	sst s10  }
0x32: {  	s10 =	sld [smem:$0x3FB7];
	_ =	sdelay $0x3  }
0x33: {  	p0 =	seq.s32 s10, $0x1;
	s10 =	sld [smem:$0x3FB9];
	_ =	sdelay $0x3  }
0x34: {  	[smem:$0x3FB9] =	sst s10  }
0x35: {  	s10 =	sld [smem:$0x3FB8];
	_ =	sdelay $0x3  }
0x36: {  	p1 =	seq.s32 s10, $0x1;
	s10 =	sld [smem:$0x3FB9];
	_ =	sdelay $0x3  }
0x37: {  	[smem:$0x3FB9] =	sst s10  }
0x38: {  	s10 =	sld [smem:$0x3FBA]  }
0x39: {  	_ = 	snop;
	(pc) =	sbr.ind lr, $3  }
0x3a: {  	_ = 	snop  }
0x3b: {  	_ = 	snop  }
0x3c: {  	p2 =	seq.s32 s10, $0x1;
	s10 =	sld [smem:$0x3FB9]  }
0x3d: {  	_ =	shalt  }
0x3e: {  	_ =	shalt  }
0x3f: {  	_ =	shalt  }
0x40: {  	_ =	shalt  }
0x41: {  	_ =	shalt  }
0x42: {  	_ =	shalt  }
0x43: {  	_ =	shalt  }
0x44: {  	_ =	shalt  }
0x45: {  	_ =	shalt  }
0x46: {  	_ =	shalt  }
0x47: {  	_ =	shalt  }
0x48: {  	_ =	shalt  }
0x49: {  	_ =	shalt  }
0x4a: {  	_ =	shalt  }
0x4b: {  	_ =	shalt  }
0x4c: {  	_ =	shalt  }
0x4d: {  	_ =	shalt  }
0x4e: {  	_ =	shalt  }
0x4f: {  	_ =	shalt  }
0x50: {  	_ =	shalt  }
0x51: {  	_ =	shalt  }
0x52: {  	_ =	shalt  }
0x53: {  	_ =	shalt  }
0x54: {  	_ =	shalt  }
0x55: {  	_ =	shalt  }
0x56: {  	_ =	shalt  }
0x57: {  	_ =	shalt  }
0x58: {  	_ =	shalt  }
0x59: {  	_ =	shalt  }
0x5a: {  	_ =	shalt  }
0x5b: {  	_ =	shalt  }
0x5c: {  	_ =	shalt  }
0x5d: {  	_ =	shalt  }
0x5e: {  	_ =	shalt  }
0x5f: {  	_ =	shalt  }
0x60: {  	_ =	shalt  }
0x61: {  	_ =	shalt  }
0x62: {  	_ =	shalt  }
0x63: {  	_ =	shalt  }
0x64: {  	_ =	shalt  }
0x65: {  	_ =	shalt  }
0x66: {  	_ =	shalt  }
0x67: {  	_ =	shalt  }
0x68: {  	_ =	shalt  }
0x69: {  	_ =	shalt  }
0x6a: {  	_ =	shalt  }
0x6b: {  	_ =	shalt  }
0x6c: {  	_ =	shalt  }
0x6d: {  	_ =	shalt  }
0x6e: {  	_ =	shalt  }
0x6f: {  	_ =	shalt  }
0x70: {  	_ =	shalt  }
0x71: {  	_ =	shalt  }
0x72: {  	_ =	shalt  }
0x73: {  	_ =	shalt  }
0x74: {  	_ =	shalt  }
0x75: {  	_ =	shalt  }
0x76: {  	_ =	shalt  }
0x77: {  	_ =	shalt  }
0x78: {  	_ =	shalt  }
0x79: {  	_ =	shalt  }
0x7a: {  	_ =	shalt  }
0x7b: {  	_ =	shalt  }
0x7c: {  	_ =	shalt  }
0x7d: {  	_ =	shalt  }
0x7e: {  	_ =	shalt  }
0x7f: {  	_ =	shalt  }
0x80: {  	_ =	shalt  }
0x81: {  	_ =	shalt  }
0x82: {  	_ =	shalt  }
0x83: {  	_ =	shalt  }
0x84: {  	_ =	shalt  }
0x85: {  	_ =	shalt  }
0x86: {  	_ =	shalt  }
0x87: {  	_ =	shalt  }
.Lfunc_end0:
.L_simem_size_0:
called_computation_lowered:
.L_overlay_start_0:
0x88: {  	s0 =	sld [smem:$0x3FD9]  }
0x89: {  	s1 =	sld [smem:$0x3FFE];
	_ =	sdelay $0x3  }
0x8a: {  	s0 =	sadd.s32 s1, s0  }
0x8b: {  	[smem:$0x3FC5] =	sst s0  }
0x8c: {  	_ = 	snop  }
0x8d: {  	s0 =	sld [smem:$0x3FC9]  }
0x8e: {  	s16 =	sld [smem:$0x3FC8]  }
0x8f: {  	s2 =	sld [smem:$0x3FD0];
	(tm) =	ssettm $0x1  }
0x90: {  	s3 =	sld [smem:$0x3FFB];
	_ =	sdelay $0x3  }
0x91: {  	_ =	strace s3  }
0x92: {  	s3 =	sld [smem:$0x3FFC];
	_ =	sdelay $0x3  }
0x93: {  	_ =	strace s3  }
0x94: {  	s3 =	sld [smem:$0x3FFD];
	_ =	sdelay $0x3  }
0x95: {  	_ =	strace s3  }
0x96: {  	_ =	strace $0x8FFFFFFF  }
0x97: {  	s17 =	sld [smem:$0x3FDB];
	_ =	sdelay $0x1  }
0x98: {  	s4 =	simm.s32 $_scs_section_size  }
0x99: {  	s5 =	simm.s32 $_size__tile_overlayer_lowered;
	s6 =	simm.s32 $_tile_overlayer_lowered  }
0x9a: {  	s20 =	simm.s32 $0x1BFF;
	s19 =	sshll.u32 s6, $0x1;
	s3 =	sadd.s32 s4, s17  }
0x9b: {  	s7 =	simm.s32 $0x0;
	s18 =	sshll.u32 s5, $0x1;
	s5 =	sadd.s32 s19, s3  }
0x9c: {  	[timem:s7], [sflag:s20] =	dma.local [hbm:s5], s18  }
0x9d: {  	_ =	swait.ge [sflag:s20], s18  }
0x9e: {  	s4 =	ssub.s32 $0x0, s18;
	[sflag:s20] =	ssyncset.done $0x0  }
0x9f: {  	[sflag:s20] =	ssyncadd.s32 s4;
	_ =	sdelay $0x1  }
0xa0: {  	s21 =	simm.s32 $0x1B8B  }
0xa1: {  	_ =	swait.ge [sflag:s21], $0x1  }
0xa2: {  	[sflag:s21] =	ssyncset.done $0x0  }
0xa3: {  	s23 =	simm.s32 $0x1B8E;
	s22 =	sld [smem:$0x3FFE];
	[sflag:s21] =	ssyncadd.s32 $0xFFFFFFFF  }
0xa4: {  	s24 =	simm.s32 $execute0_lowered;
	[smem:$0x3FD2] =	sst s23  }
0xa5: {  	s5 =	sshll.u32 s24, $0x1;
	_ =	strace $0x80000046;
	[dreg:$0x1] =	wrdreg $0xFFFFFFFF  }
0xa6: {  	s25 =	simm.s32 $_size_execute0_lowered;
	s3 =	sadd.s32 s3, s5;
	[dreg:$0x0] =	wrdreg $0x0  }
0xa7: {  	s5 =	sshll.u32 s25, $0x1;
	[dreg:$0x2] =	wrdreg s3  }
0xa8: {  	[dreg:$0x3] =	wrdreg s5  }
0xa9: {  	[dreg:$0x4] =	wrdreg $0xC0  }
0xaa: {  	_ =	task [dreg:s7], $0x5FFFF  }
0xab: {  	[dreg:$0x1] =	wrdreg $0xFFFFFFFF  }
0xac: {  	[dreg:$0x0] =	wrdreg $0x60  }
0xad: {  	[dreg:$0x2] =	wrdreg s0  }
0xae: {  	[dreg:$0x3] =	wrdreg s16  }
0xaf: {  	[dreg:$0x4] =	wrdreg s22  }
0xb0: {  	[dreg:$0x5] =	wrdreg s2  }
0xb1: {  	[dreg:$0x6] =	wrdreg $0x9  }
0xb2: {  	_ =	task.clear_ibuf [dreg:s7], $0x7FFFF;
	_ =	strace $0x90000046  }
0xb3: {  	s26 =	simm.s32 $0x9;
	_ =	strace $0x80000048  }
0xb4: {  	_ =	swait.ge [sflag:s26], $0x1  }
0xb5: {  	[sflag:s26] =	ssyncadd.s32 $0xFFFFFFFF  }
0xb6: {  	_ =	strace $0x90000048  }
0xb7: {  	_ =	sfence  }
0xb8: {  	s28 =	sld [smem:$0x0];
	_ =	sdelay $0x1  }
0xb9: {  	s29 =	srdreg.scid  }
0xba: {  	s30 =	sshll.u32 s29, $0xD;
	s31 =	sshrl.u32 s29, $0x2  }
0xbb: {  	s1 =	sand.u32 $0x1, s29;
	s2 =	sand.u32 $0x4000, s30;
	s0 =	sadd.s32 s31, s28  }
0xbc: {  	s1 =	sor.u32 s2, s1;
	s0 =	sshll.u32 s0, $0x11  }
0xbd: {  	s0 =	sor.u32 s0, s1  }
0xbe: {  	s0 =	sadd.s32 $0x8F2B, s0  }
0xbf: {  	[sflag:s0] =	ssyncadd.remote.s32 $0x1  }
0xc0: {  	_ =	sfence.sel $0xFFFF  }
0xc1: {  	[dreg:$0x0] =	wrdreg $0xFFFFFFFF;
	(pc) =	sbr.abs _section_cstart, $3  }
0xc2: {  	[dreg:$0x1] =	wrdreg $0xFFFFFFFF  }
0xc3: {  	_ =	task.clear_ibuf [dreg:s7], $0x2FFFF;
	_ =	strace $0x9FFFFFFF  }
0xc4: {  	(tm) =	ssettm $0x7FFFFFFF  }
0xc5: {  	_ =	shalt  }
tec
execute0_lowered:
.L_overlay_start_1:
0x0: {  	(tag) =	ssettag $0x1  }
0x1: {  	s2 =	rddreg [dreg:$0x0]  }
0x2: {  	s6 =	rddreg [dreg:$0x1]  }
0x3: {  	s7 =	rddreg [dreg:$0x2]  }
0x4: {  	s4 =	rddreg [dreg:$0x3]  }
0x5: {  	s0 =	rddreg [dreg:$0x4];
	s3 =	simm.s32 $0x0;
	s1 =	stileid.u32  }
0x6: {  	[smem:$0x7FF] =	sst s3;
	s5 =	sshll.u32 s1, $0x8  }
0x7: {  	s8 =	sshll.u32 s1, $0x7;
	_ =	strace $0x80000047;
	s2 =	sadd.s32 s2, s5  }
0x8: {  	[tilespmem:s3], [sflag:$0x1] =	stream.linear.gather [hbm4b:s2+s3], $0x800, $0x38;
	[tilespmem:$0xC10] =	vst v63  }
0x9: {  	s15 =	simm.s32 $0x800;
	s14 =	sadd.s32 s6, s8  }
0xa: {  	[tilespmem:s15], [sflag:$0x1] =	stream.linear.gather [hbm4b:s14+s3], $0x400, $0x38;
	[tilespmem:$0xC10] =	vst v63  }
0xb: {  	s17 =	simm.s32 $0xC00;
	s18 =	simm.s32 $0x1;
	s16 =	sadd.s32 $0x600, s7  }
0xc: {  	[tilespmem:s17], [sflag:$0x1] =	stream.linear.gather [hbm4b:s16+s3], $0x6, $0x38;
	[tilespmem:$0xC10] =	vst v63  }
0xd: {  	_ =	swait.ge [sflag:s18], $0x800  }
0xe: {  	[sflag:s18] =	ssyncset.done $0x0  }
0xf: {  	[sflag:s18] =	ssyncadd.s32 $0xFFFFF800  }
0x10: {  	_ =	swait.ge [sflag:s18], $0x400  }
0x11: {  	[sflag:s18] =	ssyncset.done $0x0  }
0x12: {  	[sflag:s18] =	ssyncadd.s32 $0xFFFFFC00  }
0x13: {  	_ =	swait.ge [sflag:s18], $0x6  }
0x14: {  	[sflag:s18] =	ssyncset.done $0x0  }
0x15: {  	[sflag:s18] =	ssyncadd.s32 $0xFFFFFFFA  }
0x16: {  	v5 =	vld [tilespmem:$0xC00]  }
0x17: {  	v6 =	vld [tilespmem:$0x800]  }
0x18: {  	v9 =	vld [tilespmem:$0x810]  }
0x19: {  	v12 =	vld [tilespmem:$0x820]  }
0x1a: {  	v15 =	vld [tilespmem:$0x830]  }
0x1b: {  	v63 =	vld [tilespmem:$0x840]  }
0x1c: {  	v20 =	vld [tilespmem:$0x850];
	v1 =	vbroadcast v5, $0x1;
	v3 =	vbroadcast v5, $0x2  }
0x1d: {  	v33 =	vld [tilespmem:$0x860];
	v0 =	vbroadcast v5, $0x0;
	v2 =	vbroadcast v5, $0x4  }
0x1e: {  	vm0 =	veq.s32 v6, $0x1;
	v4 =	vbroadcast v5, $0x5;
	vm1 =	veq.s32 v6, $0x0  }
0x1f: {  	v7 =	vld [tilespmem:$0x0];
	v5 =	vbroadcast v5, $0x3;
	vm10 =	veq.s32 v9, $0x1;
	vm11 =	veq.s32 v9, $0x0  }
0x20: {  	v11 =	vld [tilespmem:$0x90];
	vm12 =	veq.s32 v12, $0x1;
	vm13 =	veq.s32 v12, $0x0;
	vm14 =	veq.s32 v15, $0x1  }
0x21: {  	v14 =	vld [tilespmem:$0xA0];
	vm15 =	veq.s32 v15, $0x0;
	vm4 =	veq.s32 v63, $0x1;
	vm5 =	veq.s32 v63, $0x0  }
0x22: {  	v16 =	vld [tilespmem:$0x30];
	vm6 =	veq.s32 v20, $0x1;
	vm7 =	veq.s32 v20, $0x0;
	vm8 =	veq.s32 v33, $0x1  }
0x23: {  	v25 =	vld [tilespmem:$0x40];
	vm9 =	veq.s32 v33, $0x0;
	v58 =	vsel vm0, v1, v3;
	v59 =	vsel vm0, v2, v4  }
0x24: {  	v30 =	vld [tilespmem:$0x50];
	v60 =	vsel vm10, v1, v3;
	v62 =	vsel vm10, v2, v4;
	v6 =	vsel vm1, v0, v58  }
0x25: {  	v36 =	vld [tilespmem:$0xD0];
	v18 =	vsel vm12, v2, v4;
	v9 =	vsel vm11, v5, v62;
	v6 =	vsub.f32 v7, v6  }
0x26: {  	v42 =	vld [tilespmem:$0x870];
	v26 =	vsel vm14, v1, v3;
	v18 =	vsel vm13, v5, v18;
	v9 =	vsub.f32 v11, v9  }
0x27: {  	v8 =	vld [tilespmem:$0x80];
	v35 =	vsel vm4, v1, v3;
	v29 =	vsel vm15, v0, v26;
	v28 =	vsub.f32 v14, v18;
	[tilespmem:$0x0] =	vst v6  }
0x28: {  	v10 =	vld [tilespmem:$0x10];
	v43 =	vsel vm6, v1, v3;
	v37 =	vsel vm5, v0, v35;
	v31 =	vsub.f32 v16, v29;
	[tilespmem:$0x90] =	vst v9  }
0x29: {  	v13 =	vld [tilespmem:$0x20];
	v45 =	vsel vm6, v2, v4;
	v44 =	vsel vm7, v0, v43;
	v40 =	vsub.f32 v25, v37;
	[tilespmem:$0xA0] =	vst v28  }
0x2a: {  	v53 =	vld [tilespmem:$0xF0];
	v24 =	vsel vm12, v1, v3;
	v47 =	vsel vm7, v5, v45;
	v50 =	vsub.f32 v30, v44;
	[tilespmem:$0x30] =	vst v31  }
0x2b: {  	v19 =	vld [tilespmem:$0xC0];
	vm10 =	veq.s32 v42, $0x1;
	v7 =	vsel vm1, v5, v59;
	v51 =	vsub.f32 v36, v47;
	[tilespmem:$0x40] =	vst v40  }
0x2c: {  	v46 =	vld [tilespmem:$0xE0];
	v61 =	vsel vm11, v0, v60;
	vm11 =	veq.s32 v42, $0x0;
	v7 =	vsub.f32 v8, v7;
	[tilespmem:$0x50] =	vst v50  }
0x2d: {  	v17 =	vld [tilespmem:$0xB0];
	v58 =	vsel vm10, v2, v4;
	v11 =	vsel vm13, v0, v24;
	v8 =	vsub.f32 v10, v61;
	[tilespmem:$0xD0] =	vst v51  }
0x2e: {  	v49 =	vld [tilespmem:$0x70];
	v38 =	vsel vm4, v2, v4;
	v59 =	vsel vm11, v5, v58;
	v27 =	vsub.f32 v13, v11;
	[tilespmem:$0x80] =	vst v7  }
0x2f: {  	v39 =	vld [tilespmem:$0x60];
	v54 =	vsel vm8, v2, v4;
	v41 =	vsel vm5, v5, v38;
	v60 =	vsub.f32 v53, v59;
	[tilespmem:$0x10] =	vst v8  }
0x30: {  	v32 =	vsel vm14, v2, v4;
	v55 =	vsel vm9, v5, v54;
	v9 =	vsub.f32 v19, v41;
	[tilespmem:$0x20] =	vst v27  }
0x31: {  	v34 =	vsel vm15, v5, v32;
	v56 =	vsel vm10, v1, v3;
	v6 =	vsub.f32 v46, v55;
	[tilespmem:$0xF0] =	vst v60  }
0x32: {  	v48 =	vsel vm8, v1, v3;
	v57 =	vsel vm11, v0, v56;
	v8 =	vsub.f32 v17, v34;
	[tilespmem:$0xC0] =	vst v9  }
0x33: {  	v52 =	vsel vm9, v0, v48;
	v7 =	vsub.f32 v49, v57;
	[tilespmem:$0xE0] =	vst v6  }
0x34: {  	[tilespmem:$0xB0] =	vst v8;
	v8 =	vsub.f32 v39, v52  }
0x35: {  	[tilespmem:$0x70] =	vst v7  }
0x36: {  	s4 =	sadd.s32 s4, s5;
	[tilespmem:$0x60] =	vst v8  }
0x37: {  	[hbm4b:s4+s3] =	stream.linear.scatter [tilespmem:s3], [sflag:$0x1], $0x100, $0x38;
	[tilespmem:$0xC10] =	vst v63  }
0x38: {  	v61 =	vld [tilespmem:$0x880]  }
0x39: {  	v19 =	vld [tilespmem:$0x890]  }
0x3a: {  	v22 =	vld [tilespmem:$0x8A0]  }
0x3b: {  	v27 =	vld [tilespmem:$0x8B0]  }
0x3c: {  	v33 =	vld [tilespmem:$0x8C0]  }
0x3d: {  	v39 =	vld [tilespmem:$0x8D0]  }
0x3e: {  	v62 =	vld [tilespmem:$0x100];
	vm12 =	veq.s32 v61, $0x1  }
0x3f: {  	v63 =	vld [tilespmem:$0x180];
	vm13 =	veq.s32 v61, $0x0;
	vm14 =	veq.s32 v19, $0x1;
	vm15 =	veq.s32 v19, $0x0  }
0x40: {  	v20 =	vld [tilespmem:$0x110];
	vm4 =	veq.s32 v22, $0x1;
	vm5 =	veq.s32 v22, $0x0;
	vm6 =	veq.s32 v27, $0x1  }
0x41: {  	v21 =	vld [tilespmem:$0x190];
	vm7 =	veq.s32 v27, $0x0;
	vm8 =	veq.s32 v33, $0x1;
	vm9 =	veq.s32 v33, $0x0  }
0x42: {  	v24 =	vld [tilespmem:$0x120];
	vm10 =	veq.s32 v39, $0x1;
	vm11 =	veq.s32 v39, $0x0;
	v23 =	vsel vm12, v1, v3  }
0x43: {  	v25 =	vld [tilespmem:$0x1A0];
	v26 =	vsel vm12, v2, v4;
	v28 =	vsel vm14, v1, v3;
	v31 =	vsel vm14, v2, v4  }
0x44: {  	v29 =	vld [tilespmem:$0x130];
	v34 =	vsel vm4, v1, v3;
	v36 =	vsel vm4, v2, v4;
	v6 =	vsel vm13, v0, v23  }
0x45: {  	v35 =	vld [tilespmem:$0x140];
	v38 =	vsel vm6, v1, v3;
	v7 =	vsel vm13, v5, v26;
	v6 =	vsub.f32 v62, v6  }
0x46: {  	v46 =	vld [tilespmem:$0x8E0];
	v45 =	vsel vm6, v2, v4;
	v30 =	vsel vm15, v0, v28;
	v7 =	vsub.f32 v63, v7  }
0x47: {  	v55 =	vld [tilespmem:$0x8F0];
	v48 =	vsel vm8, v1, v3;
	v9 =	vsel vm15, v5, v31;
	v8 =	vsub.f32 v20, v30;
	[tilespmem:$0x100] =	vst v6  }
0x48: {  	v43 =	vld [tilespmem:$0x150];
	v51 =	vsel vm8, v2, v4;
	v11 =	vsel vm5, v0, v34;
	v9 =	vsub.f32 v21, v9;
	[tilespmem:$0x180] =	vst v7  }
0x49: {  	v49 =	vld [tilespmem:$0x1D0];
	v56 =	vsel vm10, v1, v3;
	v18 =	vsel vm5, v5, v36;
	v40 =	vsub.f32 v24, v11;
	[tilespmem:$0x110] =	vst v8  }
0x4a: {  	v32 =	vld [tilespmem:$0x1B0];
	v58 =	vsel vm10, v2, v4;
	v42 =	vsel vm7, v0, v38;
	v41 =	vsub.f32 v25, v18;
	[tilespmem:$0x190] =	vst v9  }
0x4b: {  	v37 =	vld [tilespmem:$0x1C0];
	vm12 =	veq.s32 v46, $0x1;
	v50 =	vsel vm9, v0, v48;
	v44 =	vsub.f32 v29, v42;
	[tilespmem:$0x120] =	vst v40  }
0x4c: {  	v59 =	vld [tilespmem:$0x1E0];
	vm14 =	veq.s32 v55, $0x1;
	v57 =	vsel vm11, v0, v56;
	v53 =	vsub.f32 v35, v50;
	[tilespmem:$0x1A0] =	vst v41  }
0x4d: {  	v52 =	vld [tilespmem:$0x160];
	v47 =	vsel vm7, v5, v45;
	v60 =	vsel vm11, v5, v58;
	v63 =	vsub.f32 v43, v57;
	[tilespmem:$0x130] =	vst v44  }
0x4e: {  	v54 =	vsel vm9, v5, v51;
	vm13 =	veq.s32 v46, $0x0;
	v62 =	vld [tilespmem:$0x170];
	v14 =	vsub.f32 v49, v60;
	[tilespmem:$0x140] =	vst v53  }
0x4f: {  	v61 =	vsel vm12, v1, v3;
	v19 =	vsel vm12, v2, v4;
	v18 =	vld [tilespmem:$0x1F0];
	v8 =	vsub.f32 v32, v47;
	[tilespmem:$0x150] =	vst v63  }
0x50: {  	vm15 =	veq.s32 v55, $0x0;
	v20 =	vsel vm13, v5, v19;
	v9 =	vsub.f32 v37, v54;
	[tilespmem:$0x1D0] =	vst v14  }
0x51: {  	v17 =	vsel vm13, v0, v61;
	v21 =	vsel vm14, v1, v3;
	v6 =	vsub.f32 v59, v20;
	[tilespmem:$0x1B0] =	vst v8  }
0x52: {  	v23 =	vsel vm14, v2, v4;
	v22 =	vsel vm15, v0, v21;
	[tilespmem:$0x1C0] =	vst v9;
	v8 =	vsub.f32 v52, v17  }
0x53: {  	v24 =	vsel vm15, v5, v23;
	[tilespmem:$0x1E0] =	vst v6;
	v7 =	vsub.f32 v62, v22  }
0x54: {  	v25 =	vsub.f32 v18, v24;
	[tilespmem:$0x160] =	vst v8  }
0x55: {  	[tilespmem:$0x170] =	vst v7  }
0x56: {  	s19 =	simm.s32 $0x100;
	s5 =	sadd.s32 $0x20, s4;
	[tilespmem:$0x1F0] =	vst v25  }
0x57: {  	[hbm4b:s5+s3] =	stream.linear.scatter [tilespmem:s19], [sflag:$0x1], $0x100, $0x38;
	[tilespmem:$0xC10] =	vst v63  }
0x58: {  	v26 =	vld [tilespmem:$0x900]  }
0x59: {  	v29 =	vld [tilespmem:$0x910]  }
0x5a: {  	v32 =	vld [tilespmem:$0x920]  }
0x5b: {  	v37 =	vld [tilespmem:$0x930]  }
0x5c: {  	v43 =	vld [tilespmem:$0x940]  }
0x5d: {  	v49 =	vld [tilespmem:$0x950]  }
0x5e: {  	v27 =	vld [tilespmem:$0x200];
	vm4 =	veq.s32 v26, $0x1  }
0x5f: {  	v28 =	vld [tilespmem:$0x280];
	vm5 =	veq.s32 v26, $0x0;
	vm6 =	veq.s32 v29, $0x1;
	vm7 =	veq.s32 v29, $0x0  }
0x60: {  	v30 =	vld [tilespmem:$0x210];
	vm8 =	veq.s32 v32, $0x1;
	vm9 =	veq.s32 v32, $0x0;
	vm10 =	veq.s32 v37, $0x1  }
0x61: {  	v31 =	vld [tilespmem:$0x290];
	vm11 =	veq.s32 v37, $0x0;
	vm12 =	veq.s32 v43, $0x1;
	vm13 =	veq.s32 v43, $0x0  }
0x62: {  	v34 =	vld [tilespmem:$0x220];
	vm14 =	veq.s32 v49, $0x1;
	vm15 =	veq.s32 v49, $0x0;
	v33 =	vsel vm4, v1, v3  }
0x63: {  	v35 =	vld [tilespmem:$0x2A0];
	v36 =	vsel vm4, v2, v4;
	v38 =	vsel vm6, v1, v3;
	v41 =	vsel vm6, v2, v4  }
0x64: {  	v39 =	vld [tilespmem:$0x230];
	v44 =	vsel vm8, v1, v3;
	v46 =	vsel vm8, v2, v4;
	v6 =	vsel vm5, v0, v33  }
0x65: {  	v45 =	vld [tilespmem:$0x240];
	v48 =	vsel vm10, v1, v3;
	v7 =	vsel vm5, v5, v36;
	v6 =	vsub.f32 v27, v6  }
0x66: {  	v56 =	vld [tilespmem:$0x960];
	v55 =	vsel vm10, v2, v4;
	v40 =	vsel vm7, v0, v38;
	v7 =	vsub.f32 v28, v7  }
0x67: {  	v21 =	vld [tilespmem:$0x970];
	v58 =	vsel vm12, v1, v3;
	v9 =	vsel vm7, v5, v41;
	v8 =	vsub.f32 v30, v40;
	[tilespmem:$0x200] =	vst v6  }
0x68: {  	v53 =	vld [tilespmem:$0x250];
	v61 =	vsel vm12, v2, v4;
	v11 =	vsel vm9, v0, v44;
	v9 =	vsub.f32 v31, v9;
	[tilespmem:$0x280] =	vst v7  }
0x69: {  	v59 =	vld [tilespmem:$0x2D0];
	v22 =	vsel vm14, v1, v3;
	v18 =	vsel vm9, v5, v46;
	v50 =	vsub.f32 v34, v11;
	[tilespmem:$0x210] =	vst v8  }
0x6a: {  	v42 =	vld [tilespmem:$0x2B0];
	v24 =	vsel vm14, v2, v4;
	v52 =	vsel vm11, v0, v48;
	v51 =	vsub.f32 v35, v18;
	[tilespmem:$0x290] =	vst v9  }
0x6b: {  	v47 =	vld [tilespmem:$0x2C0];
	vm4 =	veq.s32 v56, $0x1;
	v60 =	vsel vm13, v0, v58;
	v54 =	vsub.f32 v39, v52;
	[tilespmem:$0x220] =	vst v50  }
0x6c: {  	v25 =	vld [tilespmem:$0x2E0];
	vm6 =	veq.s32 v21, $0x1;
	v23 =	vsel vm15, v0, v22;
	v63 =	vsub.f32 v45, v60;
	[tilespmem:$0x2A0] =	vst v51  }
0x6d: {  	v32 =	vld [tilespmem:$0x2F0];
	v57 =	vsel vm11, v5, v55;
	v26 =	vsel vm15, v5, v24;
	v29 =	vsub.f32 v53, v23;
	[tilespmem:$0x230] =	vst v54  }
0x6e: {  	v62 =	vld [tilespmem:$0x260];
	vm5 =	veq.s32 v56, $0x0;
	v33 =	vsel vm4, v2, v4;
	v30 =	vsub.f32 v59, v26;
	[tilespmem:$0x240] =	vst v63  }
0x6f: {  	vm7 =	veq.s32 v21, $0x0;
	v18 =	vsel vm13, v5, v61;
	v28 =	vld [tilespmem:$0x270];
	v8 =	vsub.f32 v42, v57;
	[tilespmem:$0x250] =	vst v29  }
0x70: {  	v37 =	vsel vm6, v2, v4;
	v34 =	vsel vm5, v5, v33;
	v9 =	vsub.f32 v47, v18;
	[tilespmem:$0x2D0] =	vst v30  }
0x71: {  	v27 =	vsel vm4, v1, v3;
	v38 =	vsel vm7, v5, v37;
	v6 =	vsub.f32 v25, v34;
	[tilespmem:$0x2B0] =	vst v8  }
0x72: {  	v35 =	vsel vm6, v1, v3;
	v31 =	vsel vm5, v0, v27;
	v39 =	vsub.f32 v32, v38;
	[tilespmem:$0x2C0] =	vst v9  }
0x73: {  	v36 =	vsel vm7, v0, v35;
	v8 =	vsub.f32 v62, v31;
	[tilespmem:$0x2E0] =	vst v6  }
0x74: {  	[tilespmem:$0x2F0] =	vst v39;
	v7 =	vsub.f32 v28, v36  }
0x75: {  	[tilespmem:$0x260] =	vst v8  }
0x76: {  	s21 =	simm.s32 $0x200;
	s20 =	sadd.s32 $0x40, s4;
	[tilespmem:$0x270] =	vst v7  }
0x77: {  	[hbm4b:s20+s3] =	stream.linear.scatter [tilespmem:s21], [sflag:$0x1], $0x100, $0x38;
	[tilespmem:$0xC10] =	vst v63  }
0x78: {  	v40 =	vld [tilespmem:$0x980]  }
0x79: {  	v43 =	vld [tilespmem:$0x990]  }
0x7a: {  	v46 =	vld [tilespmem:$0x9A0]  }
0x7b: {  	v51 =	vld [tilespmem:$0x9B0]  }
0x7c: {  	v57 =	vld [tilespmem:$0x9C0]  }
0x7d: {  	v63 =	vld [tilespmem:$0x9D0]  }
0x7e: {  	v41 =	vld [tilespmem:$0x300];
	vm8 =	veq.s32 v40, $0x1  }
0x7f: {  	v42 =	vld [tilespmem:$0x380];
	vm9 =	veq.s32 v40, $0x0;
	vm10 =	veq.s32 v43, $0x1;
	vm11 =	veq.s32 v43, $0x0  }
0x80: {  	v44 =	vld [tilespmem:$0x310];
	vm12 =	veq.s32 v46, $0x1;
	vm13 =	veq.s32 v46, $0x0;
	vm14 =	veq.s32 v51, $0x1  }
0x81: {  	v45 =	vld [tilespmem:$0x390];
	vm15 =	veq.s32 v51, $0x0;
	vm4 =	veq.s32 v57, $0x1;
	vm5 =	veq.s32 v57, $0x0  }
0x82: {  	v48 =	vld [tilespmem:$0x320];
	vm6 =	veq.s32 v63, $0x1;
	vm7 =	veq.s32 v63, $0x0;
	v47 =	vsel vm8, v1, v3  }
0x83: {  	v49 =	vld [tilespmem:$0x3A0];
	v50 =	vsel vm8, v2, v4;
	v52 =	vsel vm10, v1, v3;
	v55 =	vsel vm10, v2, v4  }
0x84: {  	v53 =	vld [tilespmem:$0x330];
	v58 =	vsel vm12, v1, v3;
	v60 =	vsel vm12, v2, v4;
	v6 =	vsel vm9, v0, v47  }
0x85: {  	v59 =	vld [tilespmem:$0x340];
	v62 =	vsel vm14, v1, v3;
	v7 =	vsel vm9, v5, v50;
	v6 =	vsub.f32 v41, v6  }
0x86: {  	v27 =	vld [tilespmem:$0x9E0];
	v26 =	vsel vm14, v2, v4;
	v54 =	vsel vm11, v0, v52;
	v7 =	vsub.f32 v42, v7  }
0x87: {  	v36 =	vld [tilespmem:$0x9F0];
	v29 =	vsel vm4, v1, v3;
	v9 =	vsel vm11, v5, v55;
	v8 =	vsub.f32 v44, v54;
	[tilespmem:$0x300] =	vst v6  }
0x88: {  	v24 =	vld [tilespmem:$0x350];
	v32 =	vsel vm4, v2, v4;
	v11 =	vsel vm13, v0, v58;
	v9 =	vsub.f32 v45, v9;
	[tilespmem:$0x380] =	vst v7  }
0x89: {  	v30 =	vld [tilespmem:$0x3D0];
	v37 =	vsel vm6, v1, v3;
	v18 =	vsel vm13, v5, v60;
	v21 =	vsub.f32 v48, v11;
	[tilespmem:$0x310] =	vst v8  }
0x8a: {  	v56 =	vld [tilespmem:$0x3B0];
	v39 =	vsel vm6, v2, v4;
	v23 =	vsel vm15, v0, v62;
	v22 =	vsub.f32 v49, v18;
	[tilespmem:$0x390] =	vst v9  }
0x8b: {  	v61 =	vld [tilespmem:$0x3C0];
	vm8 =	veq.s32 v27, $0x1;
	v31 =	vsel vm5, v0, v29;
	v25 =	vsub.f32 v53, v23;
	[tilespmem:$0x320] =	vst v21  }
0x8c: {  	v40 =	vld [tilespmem:$0x3E0];
	vm10 =	veq.s32 v36, $0x1;
	v38 =	vsel vm7, v0, v37;
	v34 =	vsub.f32 v59, v31;
	[tilespmem:$0x3A0] =	vst v22  }
0x8d: {  	v43 =	vld [tilespmem:$0x370];
	v28 =	vsel vm15, v5, v26;
	v41 =	vsel vm7, v5, v39;
	v44 =	vsub.f32 v24, v38;
	[tilespmem:$0x330] =	vst v25  }
0x8e: {  	v33 =	vld [tilespmem:$0x360];
	v35 =	vsel vm5, v5, v32;
	vm9 =	veq.s32 v27, $0x0;
	v45 =	vsub.f32 v30, v41;
	[tilespmem:$0x340] =	vst v34  }
0x8f: {  	v47 =	vld [tilespmem:$0x3F0];
	vm11 =	veq.s32 v36, $0x0;
	v48 =	vsel vm8, v2, v4;
	v8 =	vsub.f32 v56, v28;
	[tilespmem:$0x350] =	vst v44  }
0x90: {  	v50 =	vsel vm10, v1, v3;
	v49 =	vsel vm9, v5, v48;
	v9 =	vsub.f32 v61, v35;
	[tilespmem:$0x3D0] =	vst v45  }
0x91: {  	v42 =	vsel vm8, v1, v3;
	v51 =	vsel vm11, v0, v50;
	v6 =	vsub.f32 v40, v49;
	[tilespmem:$0x3B0] =	vst v8  }
0x92: {  	v52 =	vsel vm10, v2, v4;
	v46 =	vsel vm9, v0, v42;
	v7 =	vsub.f32 v43, v51;
	[tilespmem:$0x3C0] =	vst v9  }
0x93: {  	v53 =	vsel vm11, v5, v52;
	v8 =	vsub.f32 v33, v46;
	[tilespmem:$0x3E0] =	vst v6  }
0x94: {  	v54 =	vsub.f32 v47, v53;
	[tilespmem:$0x370] =	vst v7  }
0x95: {  	[tilespmem:$0x360] =	vst v8  }
0x96: {  	s23 =	simm.s32 $0x300;
	s22 =	sadd.s32 $0x60, s4;
	[tilespmem:$0x3F0] =	vst v54  }
0x97: {  	[hbm4b:s22+s3] =	stream.linear.scatter [tilespmem:s23], [sflag:$0x1], $0x100, $0x38;
	[tilespmem:$0xC10] =	vst v63  }
0x98: {  	v55 =	vld [tilespmem:$0xA00]  }
0x99: {  	v58 =	vld [tilespmem:$0xA10]  }
0x9a: {  	v61 =	vld [tilespmem:$0xA20]  }
0x9b: {  	v26 =	vld [tilespmem:$0xA30]  }
0x9c: {  	v32 =	vld [tilespmem:$0xA40]  }
0x9d: {  	v38 =	vld [tilespmem:$0xA50]  }
0x9e: {  	v56 =	vld [tilespmem:$0x400];
	vm12 =	veq.s32 v55, $0x1  }
0x9f: {  	v57 =	vld [tilespmem:$0x480];
	vm13 =	veq.s32 v55, $0x0;
	vm14 =	veq.s32 v58, $0x1;
	vm15 =	veq.s32 v58, $0x0  }
0xa0: {  	v59 =	vld [tilespmem:$0x410];
	vm4 =	veq.s32 v61, $0x1;
	vm5 =	veq.s32 v61, $0x0;
	vm6 =	veq.s32 v26, $0x1  }
0xa1: {  	v60 =	vld [tilespmem:$0x490];
	vm7 =	veq.s32 v26, $0x0;
	vm8 =	veq.s32 v32, $0x1;
	vm9 =	veq.s32 v32, $0x0  }
0xa2: {  	v63 =	vld [tilespmem:$0x420];
	vm10 =	veq.s32 v38, $0x1;
	vm11 =	veq.s32 v38, $0x0;
	v62 =	vsel vm12, v1, v3  }
0xa3: {  	v24 =	vld [tilespmem:$0x4A0];
	v25 =	vsel vm12, v2, v4;
	v27 =	vsel vm14, v1, v3;
	v30 =	vsel vm14, v2, v4  }
0xa4: {  	v28 =	vld [tilespmem:$0x430];
	v33 =	vsel vm4, v1, v3;
	v35 =	vsel vm4, v2, v4;
	v6 =	vsel vm13, v0, v62  }
0xa5: {  	v54 =	vld [tilespmem:$0xA70];
	v37 =	vsel vm6, v1, v3;
	v7 =	vsel vm13, v5, v25;
	v6 =	vsub.f32 v56, v6  }
0xa6: {  	v34 =	vld [tilespmem:$0x440];
	v44 =	vsel vm6, v2, v4;
	v29 =	vsel vm15, v0, v27;
	v7 =	vsub.f32 v57, v7  }
0xa7: {  	v42 =	vld [tilespmem:$0x450];
	v47 =	vsel vm8, v1, v3;
	v9 =	vsel vm15, v5, v30;
	v8 =	vsub.f32 v59, v29;
	[tilespmem:$0x400] =	vst v6  }
0xa8: {  	v45 =	vld [tilespmem:$0xA60];
	v50 =	vsel vm8, v2, v4;
	v11 =	vsel vm5, v0, v33;
	v9 =	vsub.f32 v60, v9;
	[tilespmem:$0x480] =	vst v7  }
0xa9: {  	v14 =	vld [tilespmem:$0x4F0];
	v55 =	vsel vm10, v1, v3;
	v18 =	vsel vm5, v5, v35;
	v39 =	vsub.f32 v63, v11;
	[tilespmem:$0x410] =	vst v8  }
0xaa: {  	v31 =	vld [tilespmem:$0x4B0];
	vm14 =	veq.s32 v54, $0x1;
	v41 =	vsel vm7, v0, v37;
	v40 =	vsub.f32 v24, v18;
	[tilespmem:$0x490] =	vst v9  }
0xab: {  	v36 =	vld [tilespmem:$0x4C0];
	v49 =	vsel vm9, v0, v47;
	vm15 =	veq.s32 v54, $0x0;
	v43 =	vsub.f32 v28, v41;
	[tilespmem:$0x420] =	vst v39  }
0xac: {  	v48 =	vld [tilespmem:$0x4D0];
	v21 =	vsel vm14, v2, v4;
	v52 =	vsub.f32 v34, v49;
	v56 =	vsel vm11, v0, v55;
	[tilespmem:$0x4A0] =	vst v40  }
0xad: {  	v58 =	vld [tilespmem:$0x4E0];
	vm12 =	veq.s32 v45, $0x1;
	v22 =	vsel vm15, v5, v21;
	v62 =	vsub.f32 v42, v56;
	[tilespmem:$0x430] =	vst v43  }
0xae: {  	v61 =	vld [tilespmem:$0x470];
	v46 =	vsel vm7, v5, v44;
	v53 =	vsel vm9, v5, v50;
	v23 =	vsub.f32 v14, v22;
	[tilespmem:$0x440] =	vst v52  }
0xaf: {  	v51 =	vld [tilespmem:$0x460];
	vm13 =	veq.s32 v45, $0x0;
	v57 =	vsel vm10, v2, v4;
	v8 =	vsub.f32 v31, v46;
	[tilespmem:$0x450] =	vst v62  }
0xb0: {  	v17 =	vsel vm12, v2, v4;
	v59 =	vsel vm11, v5, v57;
	v9 =	vsub.f32 v36, v53;
	[tilespmem:$0x4F0] =	vst v23  }
0xb1: {  	v19 =	vsel vm14, v1, v3;
	v18 =	vsel vm13, v5, v17;
	v63 =	vsub.f32 v48, v59;
	[tilespmem:$0x4B0] =	vst v8  }
0xb2: {  	v60 =	vsel vm12, v1, v3;
	v20 =	vsel vm15, v0, v19;
	v6 =	vsub.f32 v58, v18;
	[tilespmem:$0x4C0] =	vst v9  }
0xb3: {  	v13 =	vsel vm13, v0, v60;
	v7 =	vsub.f32 v61, v20;
	[tilespmem:$0x4D0] =	vst v63  }
0xb4: {  	v8 =	vsub.f32 v51, v13;
	[tilespmem:$0x4E0] =	vst v6  }
0xb5: {  	[tilespmem:$0x470] =	vst v7  }
0xb6: {  	s25 =	simm.s32 $0x400;
	s24 =	sadd.s32 $0x80, s4;
	[tilespmem:$0x460] =	vst v8  }
0xb7: {  	[hbm4b:s24+s3] =	stream.linear.scatter [tilespmem:s25], [sflag:$0x1], $0x100, $0x38;
	[tilespmem:$0xC10] =	vst v63  }
0xb8: {  	v24 =	vld [tilespmem:$0xA80]  }
0xb9: {  	v27 =	vld [tilespmem:$0xA90]  }
0xba: {  	v30 =	vld [tilespmem:$0xAA0]  }
0xbb: {  	v35 =	vld [tilespmem:$0xAB0]  }
0xbc: {  	v41 =	vld [tilespmem:$0xAC0]  }
0xbd: {  	v47 =	vld [tilespmem:$0xAD0]  }
0xbe: {  	v25 =	vld [tilespmem:$0x500];
	vm4 =	veq.s32 v24, $0x1  }
0xbf: {  	v26 =	vld [tilespmem:$0x580];
	vm5 =	veq.s32 v24, $0x0;
	vm6 =	veq.s32 v27, $0x1;
	vm7 =	veq.s32 v27, $0x0  }
0xc0: {  	v28 =	vld [tilespmem:$0x510];
	vm8 =	veq.s32 v30, $0x1;
	vm9 =	veq.s32 v30, $0x0;
	vm10 =	veq.s32 v35, $0x1  }
0xc1: {  	v29 =	vld [tilespmem:$0x590];
	vm11 =	veq.s32 v35, $0x0;
	vm12 =	veq.s32 v41, $0x1;
	vm13 =	veq.s32 v41, $0x0  }
0xc2: {  	v32 =	vld [tilespmem:$0x520];
	vm14 =	veq.s32 v47, $0x1;
	vm15 =	veq.s32 v47, $0x0;
	v31 =	vsel vm4, v1, v3  }
0xc3: {  	v33 =	vld [tilespmem:$0x5A0];
	v34 =	vsel vm4, v2, v4;
	v36 =	vsel vm6, v1, v3;
	v39 =	vsel vm6, v2, v4  }
0xc4: {  	v37 =	vld [tilespmem:$0x530];
	v42 =	vsel vm8, v1, v3;
	v44 =	vsel vm8, v2, v4;
	v6 =	vsel vm5, v0, v31  }
0xc5: {  	v43 =	vld [tilespmem:$0x540];
	v46 =	vsel vm10, v1, v3;
	v7 =	vsel vm5, v5, v34;
	v6 =	vsub.f32 v25, v6  }
0xc6: {  	v54 =	vld [tilespmem:$0xAE0];
	v53 =	vsel vm10, v2, v4;
	v38 =	vsel vm7, v0, v36;
	v7 =	vsub.f32 v26, v7  }
0xc7: {  	v63 =	vld [tilespmem:$0xAF0];
	v56 =	vsel vm12, v1, v3;
	v9 =	vsel vm7, v5, v39;
	v8 =	vsub.f32 v28, v38;
	[tilespmem:$0x500] =	vst v6  }
0xc8: {  	v57 =	vld [tilespmem:$0x5D0];
	v59 =	vsel vm12, v2, v4;
	v11 =	vsel vm9, v0, v42;
	v9 =	vsub.f32 v29, v9;
	[tilespmem:$0x580] =	vst v7  }
0xc9: {  	v51 =	vld [tilespmem:$0x550];
	v17 =	vsel vm14, v1, v3;
	v18 =	vsel vm9, v5, v44;
	v48 =	vsub.f32 v32, v11;
	[tilespmem:$0x510] =	vst v8  }
0xca: {  	v40 =	vld [tilespmem:$0x5B0];
	v19 =	vsel vm14, v2, v4;
	v50 =	vsel vm11, v0, v46;
	v49 =	vsub.f32 v33, v18;
	[tilespmem:$0x590] =	vst v9  }
0xcb: {  	v45 =	vld [tilespmem:$0x5C0];
	vm4 =	veq.s32 v54, $0x1;
	v58 =	vsel vm13, v0, v56;
	v52 =	vsub.f32 v37, v50;
	[tilespmem:$0x520] =	vst v48  }
0xcc: {  	v20 =	vld [tilespmem:$0x5E0];
	vm6 =	veq.s32 v63, $0x1;
	v21 =	vsel vm15, v5, v19;
	v61 =	vsub.f32 v43, v58;
	[tilespmem:$0x5A0] =	vst v49  }
0xcd: {  	v23 =	vld [tilespmem:$0x570];
	v55 =	vsel vm11, v5, v53;
	v18 =	vsel vm15, v0, v17;
	v25 =	vsub.f32 v57, v21;
	[tilespmem:$0x530] =	vst v52  }
0xce: {  	v27 =	vld [tilespmem:$0x5F0];
	v62 =	vsel vm13, v5, v59;
	vm5 =	veq.s32 v54, $0x0;
	v24 =	vsub.f32 v51, v18;
	[tilespmem:$0x540] =	vst v61  }
0xcf: {  	v60 =	vld [tilespmem:$0x560];
	vm7 =	veq.s32 v63, $0x0;
	v28 =	vsel vm4, v2, v4;
	v8 =	vsub.f32 v40, v55;
	[tilespmem:$0x5D0] =	vst v25  }
0xd0: {  	v30 =	vsel vm6, v1, v3;
	v29 =	vsel vm5, v5, v28;
	v9 =	vsub.f32 v45, v62;
	[tilespmem:$0x550] =	vst v24  }
0xd1: {  	v31 =	vsel vm7, v0, v30;
	v32 =	vsel vm6, v2, v4;
	v6 =	vsub.f32 v20, v29;
	[tilespmem:$0x5B0] =	vst v8  }
0xd2: {  	v22 =	vsel vm4, v1, v3;
	v33 =	vsel vm7, v5, v32;
	v7 =	vsub.f32 v23, v31;
	[tilespmem:$0x5C0] =	vst v9  }
0xd3: {  	v26 =	vsel vm5, v0, v22;
	v34 =	vsub.f32 v27, v33;
	[tilespmem:$0x5E0] =	vst v6  }
0xd4: {  	v8 =	vsub.f32 v60, v26;
	[tilespmem:$0x570] =	vst v7  }
0xd5: {  	[tilespmem:$0x5F0] =	vst v34  }
0xd6: {  	s28 =	simm.s32 $0x500;
	s26 =	sadd.s32 $0xA0, s4;
	[tilespmem:$0x560] =	vst v8  }
0xd7: {  	[hbm4b:s26+s3] =	stream.linear.scatter [tilespmem:s28], [sflag:$0x1], $0x100, $0x38;
	[tilespmem:$0xC10] =	vst v63  }
0xd8: {  	v35 =	vld [tilespmem:$0xB00]  }
0xd9: {  	v38 =	vld [tilespmem:$0xB10]  }
0xda: {  	v41 =	vld [tilespmem:$0xB20]  }
0xdb: {  	v46 =	vld [tilespmem:$0xB30]  }
0xdc: {  	v52 =	vld [tilespmem:$0xB40]  }
0xdd: {  	v58 =	vld [tilespmem:$0xB50]  }
0xde: {  	v36 =	vld [tilespmem:$0x600];
	vm8 =	veq.s32 v35, $0x1  }
0xdf: {  	v37 =	vld [tilespmem:$0x680];
	vm9 =	veq.s32 v35, $0x0;
	vm10 =	veq.s32 v38, $0x1;
	vm11 =	veq.s32 v38, $0x0  }
0xe0: {  	v39 =	vld [tilespmem:$0x610];
	vm12 =	veq.s32 v41, $0x1;
	vm13 =	veq.s32 v41, $0x0;
	vm14 =	veq.s32 v46, $0x1  }
0xe1: {  	v40 =	vld [tilespmem:$0x690];
	vm15 =	veq.s32 v46, $0x0;
	vm4 =	veq.s32 v52, $0x1;
	vm5 =	veq.s32 v52, $0x0  }
0xe2: {  	v43 =	vld [tilespmem:$0x620];
	vm6 =	veq.s32 v58, $0x1;
	vm7 =	veq.s32 v58, $0x0;
	v42 =	vsel vm8, v1, v3  }
0xe3: {  	v44 =	vld [tilespmem:$0x6A0];
	v45 =	vsel vm8, v2, v4;
	v47 =	vsel vm10, v1, v3;
	v50 =	vsel vm10, v2, v4  }
0xe4: {  	v48 =	vld [tilespmem:$0x630];
	v53 =	vsel vm12, v1, v3;
	v55 =	vsel vm12, v2, v4;
	v6 =	vsel vm9, v0, v42  }
0xe5: {  	v54 =	vld [tilespmem:$0x640];
	v57 =	vsel vm14, v1, v3;
	v7 =	vsel vm9, v5, v45;
	v6 =	vsub.f32 v36, v6  }
0xe6: {  	v22 =	vld [tilespmem:$0xB60];
	v21 =	vsel vm14, v2, v4;
	v49 =	vsel vm11, v0, v47;
	v7 =	vsub.f32 v37, v7  }
0xe7: {  	v31 =	vld [tilespmem:$0xB70];
	v24 =	vsel vm4, v1, v3;
	v9 =	vsel vm11, v5, v50;
	v8 =	vsub.f32 v39, v49;
	[tilespmem:$0x600] =	vst v6  }
0xe8: {  	v62 =	vld [tilespmem:$0x650];
	v27 =	vsel vm4, v2, v4;
	v11 =	vsel vm13, v0, v53;
	v9 =	vsub.f32 v40, v9;
	[tilespmem:$0x680] =	vst v7  }
0xe9: {  	v25 =	vld [tilespmem:$0x6D0];
	v32 =	vsel vm6, v1, v3;
	v18 =	vsel vm13, v5, v55;
	v59 =	vsub.f32 v43, v11;
	[tilespmem:$0x610] =	vst v8  }
0xea: {  	v51 =	vld [tilespmem:$0x6B0];
	v34 =	vsel vm6, v2, v4;
	v61 =	vsel vm15, v0, v57;
	v60 =	vsub.f32 v44, v18;
	[tilespmem:$0x690] =	vst v9  }
0xeb: {  	v56 =	vld [tilespmem:$0x6C0];
	vm8 =	veq.s32 v22, $0x1;
	v26 =	vsel vm5, v0, v24;
	v63 =	vsub.f32 v48, v61;
	[tilespmem:$0x620] =	vst v59  }
0xec: {  	v35 =	vld [tilespmem:$0x6E0];
	vm10 =	veq.s32 v31, $0x1;
	v33 =	vsel vm7, v0, v32;
	v29 =	vsub.f32 v54, v26;
	[tilespmem:$0x6A0] =	vst v60  }
0xed: {  	v38 =	vld [tilespmem:$0x670];
	v23 =	vsel vm15, v5, v21;
	v36 =	vsel vm7, v5, v34;
	v39 =	vsub.f32 v62, v33;
	[tilespmem:$0x630] =	vst v63  }
0xee: {  	v28 =	vld [tilespmem:$0x660];
	v30 =	vsel vm5, v5, v27;
	vm9 =	veq.s32 v22, $0x0;
	v40 =	vsub.f32 v25, v36;
	[tilespmem:$0x640] =	vst v29  }
0xef: {  	v42 =	vld [tilespmem:$0x6F0];
	vm11 =	veq.s32 v31, $0x0;
	v43 =	vsel vm8, v2, v4;
	v8 =	vsub.f32 v51, v23;
	[tilespmem:$0x650] =	vst v39  }
0xf0: {  	v45 =	vsel vm10, v1, v3;
	v44 =	vsel vm9, v5, v43;
	v9 =	vsub.f32 v56, v30;
	[tilespmem:$0x6D0] =	vst v40  }
0xf1: {  	v37 =	vsel vm8, v1, v3;
	v46 =	vsel vm11, v0, v45;
	v6 =	vsub.f32 v35, v44;
	[tilespmem:$0x6B0] =	vst v8  }
0xf2: {  	v47 =	vsel vm10, v2, v4;
	v41 =	vsel vm9, v0, v37;
	v7 =	vsub.f32 v38, v46;
	[tilespmem:$0x6C0] =	vst v9  }
0xf3: {  	v48 =	vsel vm11, v5, v47;
	v8 =	vsub.f32 v28, v41;
	[tilespmem:$0x6E0] =	vst v6  }
0xf4: {  	v49 =	vsub.f32 v42, v48;
	[tilespmem:$0x670] =	vst v7  }
0xf5: {  	[tilespmem:$0x660] =	vst v8  }
0xf6: {  	s30 =	simm.s32 $0x600;
	s29 =	sadd.s32 $0xC0, s4;
	[tilespmem:$0x6F0] =	vst v49  }
0xf7: {  	[hbm4b:s29+s3] =	stream.linear.scatter [tilespmem:s30], [sflag:$0x1], $0x100, $0x38;
	[tilespmem:$0xC10] =	vst v63  }
0xf8: {  	v50 =	vld [tilespmem:$0xB80]  }
0xf9: {  	v53 =	vld [tilespmem:$0xB90]  }
0xfa: {  	v56 =	vld [tilespmem:$0xBA0]  }
0xfb: {  	v61 =	vld [tilespmem:$0xBB0]  }
0xfc: {  	v26 =	vld [tilespmem:$0xBC0]  }
0xfd: {  	v32 =	vld [tilespmem:$0xBD0]  }
0xfe: {  	v51 =	vld [tilespmem:$0x700];
	vm12 =	veq.s32 v50, $0x1  }
0xff: {  	v52 =	vld [tilespmem:$0x780];
	vm13 =	veq.s32 v50, $0x0;
	vm14 =	veq.s32 v53, $0x1;
	vm15 =	veq.s32 v53, $0x0  }
0x100: {  	v54 =	vld [tilespmem:$0x710];
	vm4 =	veq.s32 v56, $0x1;
	vm5 =	veq.s32 v56, $0x0;
	vm6 =	veq.s32 v61, $0x1  }
0x101: {  	v55 =	vld [tilespmem:$0x790];
	vm7 =	veq.s32 v61, $0x0;
	vm8 =	veq.s32 v26, $0x1;
	vm9 =	veq.s32 v26, $0x0  }
0x102: {  	v58 =	vld [tilespmem:$0x720];
	vm10 =	veq.s32 v32, $0x1;
	vm11 =	veq.s32 v32, $0x0;
	v57 =	vsel vm12, v1, v3  }
0x103: {  	v59 =	vld [tilespmem:$0x7A0];
	v60 =	vsel vm12, v2, v4;
	v62 =	vsel vm14, v1, v3;
	v24 =	vsel vm14, v2, v4  }
0x104: {  	v63 =	vld [tilespmem:$0x730];
	v27 =	vsel vm4, v1, v3;
	v29 =	vsel vm4, v2, v4;
	v6 =	vsel vm13, v0, v57  }
0x105: {  	v39 =	vld [tilespmem:$0xBE0];
	v31 =	vsel vm6, v1, v3;
	v7 =	vsel vm13, v5, v60;
	v6 =	vsub.f32 v51, v6  }
0x106: {  	v48 =	vld [tilespmem:$0xBF0];
	v38 =	vsel vm6, v2, v4;
	v23 =	vsel vm15, v0, v62;
	v7 =	vsub.f32 v52, v7  }
0x107: {  	v28 =	vld [tilespmem:$0x740];
	v41 =	vsel vm8, v1, v3;
	v9 =	vsel vm15, v5, v24;
	v8 =	vsub.f32 v54, v23;
	[tilespmem:$0x700] =	vst v6  }
0x108: {  	v36 =	vld [tilespmem:$0x750];
	v44 =	vsel vm8, v2, v4;
	v11 =	vsel vm5, v0, v27;
	v9 =	vsub.f32 v55, v9;
	[tilespmem:$0x780] =	vst v7  }
0x109: {  	v25 =	vld [tilespmem:$0x7B0];
	v49 =	vsel vm10, v1, v3;
	v18 =	vsel vm5, v5, v29;
	v33 =	vsub.f32 v58, v11;
	[tilespmem:$0x710] =	vst v8  }
0x10a: {  	v30 =	vld [tilespmem:$0x7C0];
	vm12 =	veq.s32 v39, $0x1;
	v35 =	vsel vm7, v0, v31;
	v34 =	vsub.f32 v59, v18;
	[tilespmem:$0x790] =	vst v9  }
0x10b: {  	v42 =	vld [tilespmem:$0x7D0];
	vm14 =	veq.s32 v48, $0x1;
	v43 =	vsel vm9, v0, v41;
	v37 =	vsub.f32 v63, v35;
	[tilespmem:$0x720] =	vst v33  }
0x10c: {  	v45 =	vld [tilespmem:$0x760];
	v40 =	vsel vm7, v5, v38;
	v50 =	vsel vm11, v0, v49;
	v46 =	vsub.f32 v28, v43;
	[tilespmem:$0x7A0] =	vst v34  }
0x10d: {  	v47 =	vsel vm9, v5, v44;
	vm13 =	veq.s32 v39, $0x0;
	v52 =	vld [tilespmem:$0x7E0];
	v56 =	vsub.f32 v36, v50;
	[tilespmem:$0x730] =	vst v37  }
0x10e: {  	v60 =	vsel vm12, v2, v4;
	v51 =	vsel vm10, v2, v4;
	v55 =	vld [tilespmem:$0x770];
	v8 =	vsub.f32 v25, v40;
	[tilespmem:$0x740] =	vst v46  }
0x10f: {  	v54 =	vsel vm12, v1, v3;
	v59 =	vld [tilespmem:$0x7F0];
	v53 =	vsel vm11, v5, v51;
	v9 =	vsub.f32 v30, v47;
	[tilespmem:$0x750] =	vst v56  }
0x110: {  	vm15 =	veq.s32 v48, $0x0;
	v58 =	vsel vm13, v0, v54;
	v57 =	vsub.f32 v42, v53;
	[tilespmem:$0x7B0] =	vst v8  }
0x111: {  	v61 =	vsel vm13, v5, v60;
	v1 =	vsel vm14, v1, v3;
	[tilespmem:$0x7C0] =	vst v9;
	v8 =	vsub.f32 v45, v58  }
0x112: {  	v63 =	vsel vm14, v2, v4;
	v0 =	vsel vm15, v0, v1;
	[tilespmem:$0x7D0] =	vst v57;
	v62 =	vsub.f32 v52, v61  }
0x113: {  	v1 =	vsel vm15, v5, v63;
	v0 =	vsub.f32 v55, v0;
	[tilespmem:$0x760] =	vst v8  }
0x114: {  	v1 =	vsub.f32 v59, v1;
	[tilespmem:$0x7E0] =	vst v62  }
0x115: {  	[tilespmem:$0x770] =	vst v0  }
0x116: {  	s31 =	simm.s32 $0x700;
	s4 =	sadd.s32 $0xE0, s4;
	[tilespmem:$0x7F0] =	vst v1  }
0x117: {  	[hbm4b:s4+s3] =	stream.linear.scatter [tilespmem:s31], [sflag:$0x1], $0x100, $0x38;
	[tilespmem:$0xC10] =	vst v63  }
0x118: {  	_ =	swait.ge [sflag:s18], $0x100  }
0x119: {  	[sflag:s18] =	ssyncset.done $0x0  }
0x11a: {  	[sflag:s18] =	ssyncadd.s32 $0xFFFFFF00  }
0x11b: {  	_ =	swait.ge [sflag:s18], $0x100  }
0x11c: {  	[sflag:s18] =	ssyncset.done $0x0  }
0x11d: {  	[sflag:s18] =	ssyncadd.s32 $0xFFFFFF00  }
0x11e: {  	_ =	swait.ge [sflag:s18], $0x100  }
0x11f: {  	[sflag:s18] =	ssyncset.done $0x0  }
0x120: {  	[sflag:s18] =	ssyncadd.s32 $0xFFFFFF00  }
0x121: {  	_ =	swait.ge [sflag:s18], $0x100  }
0x122: {  	[sflag:s18] =	ssyncset.done $0x0  }
0x123: {  	[sflag:s18] =	ssyncadd.s32 $0xFFFFFF00  }
0x124: {  	_ =	swait.ge [sflag:s18], $0x100  }
0x125: {  	[sflag:s18] =	ssyncset.done $0x0  }
0x126: {  	[sflag:s18] =	ssyncadd.s32 $0xFFFFFF00  }
0x127: {  	_ =	swait.ge [sflag:s18], $0x100  }
0x128: {  	[sflag:s18] =	ssyncset.done $0x0  }
0x129: {  	[sflag:s18] =	ssyncadd.s32 $0xFFFFFF00  }
0x12a: {  	_ =	swait.ge [sflag:s18], $0x100  }
0x12b: {  	[sflag:s18] =	ssyncset.done $0x0  }
0x12c: {  	[sflag:s18] =	ssyncadd.s32 $0xFFFFFF00  }
0x12d: {  	_ =	swait.ge [sflag:s18], $0x100  }
0x12e: {  	[sflag:s18] =	ssyncset.done $0x0  }
0x12f: {  	[sflag:s18] =	ssyncadd.s32 $0xFFFFFF00  }
0x130: {  	_ =	sfence.sel $0x180000  }
0x131: {  	[bflag:$0x0] =	sbarrier.arrive $0xFFFF  }
0x132: {  	p0 =	sne.s32 s1, $0x0;
	_ =	strace $0x90000047  }
0x133: {  	s0 =	sadd.s32 @!p0 $0x100000, s0;
	[bflag:$0x2] =	sbarrier.arrive $0xFFFF  }
0x134: {  	[sflag:s0] =	ssyncadd.tile.s32 @!p0 $0x1;
	_ =	shalt  }
.Lfunc_end2:
_tile_overlayer_lowered:
.L_overlay_start_2:
0x135: {  	(tag) =	ssettag $0x2  }
0x136: {  	s0 =	rddreg [dreg:$0x0];
	s2 =	stileid.u32  }
0x137: {  	s1 =	rddreg [dreg:$0x1];
	p0 =	sne.s32 s2, $0x0  }
0x138: {  	s3 =	rddreg [dreg:$0x2];
	[bflag:$0x3] =	sbarrier.arrive $0xFFFF;
	s2 =	simm.s32 @!p0 $0x1C02  }
0x139: {  	[timem:s3], [sflag:s2] =	dma.local @!p0 [hbm:s0], s1  }
0x13a: {  	s0 =	simm.s32 @!p0 $0x2  }
0x13b: {  	_ =	swait.ge @!p0 [sflag:s0], s1  }
0x13c: {  	s1 =	ssub.s32 @!p0 $0x0, s1;
	[sflag:s0] =	ssyncset.done @!p0 $0x0  }
0x13d: {  	[sflag:s0] =	ssyncadd.s32 @!p0 s1  }
0x13e: {  	[bflag:$0x3] =	sbarrier.arrive $0xFFFF  }
0x13f: {  	_ =	shalt  }

</sc_bundles>
